<compile_context>
chip_gen: v7x
topology: tpu7x:2x2x1
jax: 0.10.2.dev20260603
libtpu: 0.0.44.dev20260713+nightly
codegen_flags: <defaults>
</compile_context>

<pallas_src>
import functools

import jax
import jax.numpy as jnp
from jax import lax
from jax.experimental import pallas as pl
from jax.experimental.pallas import tpu as pltpu
from jax.experimental.pallas import tpu_sc as plsc

S, D, H, E = 2048, 768, 12, 8
F = 2048
DK = D // H
EPS = 1e-6
SCALE = 1.0 / (DK ** 0.5)

BT = 256
NBLK = (2 * S + E * BT) // BT
P = NBLK * BT
FC = 1024
NFC = F // FC
NW = 32
TPW = S // NW

_DN = (((1,), (1,)), ((), ()))


def _rms_rows(x, w):
    return x * lax.rsqrt(jnp.mean(x * x, axis=1, keepdims=True) + EPS) * w


def _qkv_body(x_ref, n1_ref, wq_ref, wk_ref, wv_ref, q_ref, k_ref, va_ref,
              wqb, wkb, wvb):
    @pl.when(pl.program_id(0) == 0)
    def _():
        wqb[...] = wq_ref[...].astype(jnp.bfloat16)
        wkb[...] = wk_ref[...].astype(jnp.bfloat16)
        wvb[...] = wv_ref[...].astype(jnp.bfloat16)

    nx = _rms_rows(x_ref[...], n1_ref[...]).astype(jnp.bfloat16)
    q2 = (lax.dot_general(nx, wqb[...], _DN,
                          preferred_element_type=jnp.float32)
          * SCALE).astype(jnp.bfloat16)
    k2 = lax.dot_general(nx, wkb[...], _DN,
                         preferred_element_type=jnp.float32).astype(jnp.bfloat16)
    v2 = lax.dot_general(nx, wvb[...], _DN,
                         preferred_element_type=jnp.float32).astype(jnp.bfloat16)
    ones = jnp.ones(v2[:, :DK].shape, jnp.bfloat16)
    for h in range(H):
        q_ref[h] = q2[:, h * DK:(h + 1) * DK]
        k_ref[h] = k2[:, h * DK:(h + 1) * DK]
        va_ref[h, :, :DK] = v2[:, h * DK:(h + 1) * DK]
        va_ref[h, :, DK:] = ones


def _qkv(x, n1, wq, wk, wv):
    bs = 256
    return pl.pallas_call(
        _qkv_body,
        grid=(S // bs,),
        in_specs=[
            pl.BlockSpec((bs, D), lambda i: (i, 0)),
            pl.BlockSpec((1, D), lambda i: (0, 0)),
            pl.BlockSpec((D, D), lambda i: (0, 0)),
            pl.BlockSpec((D, D), lambda i: (0, 0)),
            pl.BlockSpec((D, D), lambda i: (0, 0)),
        ],
        out_specs=[
            pl.BlockSpec((H, bs, DK), lambda i: (0, i, 0)),
            pl.BlockSpec((H, bs, DK), lambda i: (0, i, 0)),
            pl.BlockSpec((H, bs, 2 * DK), lambda i: (0, i, 0)),
        ],
        out_shape=[
            jax.ShapeDtypeStruct((H, S, DK), jnp.bfloat16),
            jax.ShapeDtypeStruct((H, S, DK), jnp.bfloat16),
            jax.ShapeDtypeStruct((H, S, 2 * DK), jnp.bfloat16),
        ],
        scratch_shapes=[pltpu.VMEM((D, D), jnp.bfloat16)] * 3,
    )(x, n1, wq, wk, wv)


def _attn_body(q_ref, k_ref, v_ref, o_ref):
    s = lax.dot_general(q_ref[0], k_ref[0], _DN,
                        preferred_element_type=jnp.float32)
    p = jnp.exp(s.astype(jnp.bfloat16))
    oa = lax.dot_general(p, v_ref[0],
                         (((1,), (0,)), ((), ())),
                         preferred_element_type=jnp.float32)
    l = oa[:, DK:DK + 1]
    o_ref[0] = (oa[:, :DK] * (1.0 / l)).astype(jnp.bfloat16)


def _attn(qT, kT, vTa):
    bq = 2048
    return pl.pallas_call(
        _attn_body,
        grid=(H, S // bq),
        in_specs=[
            pl.BlockSpec((1, bq, DK), lambda h, i: (h, i, 0)),
            pl.BlockSpec((1, S, DK), lambda h, i: (h, 0, 0)),
            pl.BlockSpec((1, S, 2 * DK), lambda h, i: (h, 0, 0)),
        ],
        out_specs=pl.BlockSpec((1, bq, DK), lambda h, i: (h, i, 0)),
        out_shape=jax.ShapeDtypeStruct((H, S, DK), jnp.bfloat16),
        compiler_params=pltpu.CompilerParams(
            dimension_semantics=("arbitrary", "arbitrary")),
    )(qT, kT, vTa)


def _oproj_body(x_ref, o_ref, wo_ref, x1_ref):
    a = jnp.concatenate([o_ref[h] for h in range(H)], axis=1)
    x1_ref[...] = x_ref[...] + lax.dot_general(
        a, wo_ref[...], _DN, preferred_element_type=jnp.float32)


def _oproj(x, o, wo):
    bs = 256
    return pl.pallas_call(
        _oproj_body,
        grid=(S // bs,),
        in_specs=[
            pl.BlockSpec((bs, D), lambda i: (i, 0)),
            pl.BlockSpec((H, bs, DK), lambda i: (0, i, 0)),
            pl.BlockSpec((D, D), lambda i: (0, 0)),
        ],
        out_specs=pl.BlockSpec((bs, D), lambda i: (i, 0)),
        out_shape=jax.ShapeDtypeStruct((S, D), jnp.float32),
    )(x, o, wo)


def _cumsum_sub(x):
    k = 1
    while k < S:
        x = x + jnp.concatenate(
            [jnp.zeros((k, E), x.dtype), x[: S - k, :]], axis=0)
        k *= 2
    return x


def _router_body(x1_ref, n2_ref, rw_ref, nx2_ref, w1_ref, w2_ref,
                 pos1_ref, pos2_ref, bexp_ref, bact_ref):
    x1 = x1_ref[...]
    nx2 = _rms_rows(x1, n2_ref[...])
    nx2_ref[...] = nx2
    logits = lax.dot_general(nx2, rw_ref[...], _DN,
                             preferred_element_type=jnp.float32)
    mx = jnp.max(logits, axis=1, keepdims=True)
    ee = jnp.exp(logits - mx)
    rw = ee / jnp.sum(ee, axis=1, keepdims=True)

    lane = lax.broadcasted_iota(jnp.int32, (S, E), 1)
    m1 = jnp.max(rw, axis=1, keepdims=True)
    i1 = jnp.min(jnp.where(rw == m1, lane, E), axis=1, keepdims=True)
    rwm = jnp.where(lane == i1, -1.0, rw)
    m2 = jnp.max(rwm, axis=1, keepdims=True)
    i2 = jnp.min(jnp.where(rwm == m2, lane, E), axis=1, keepdims=True)
    w1_ref[...] = jax.nn.sigmoid(m1 - m2)
    w2_ref[...] = jax.nn.sigmoid(m2 - m1)

    M1 = (lane == i1).astype(jnp.int32)
    M2 = (lane == i2).astype(jnp.int32)
    c1 = _cumsum_sub(M1)
    c2 = _cumsum_sub(M2)
    tot1 = c1[S - 1:S, :]
    cnt = tot1 + c2[S - 1:S, :]
    padded = ((cnt + (BT - 1)) // BT) * BT
    incl = padded
    for sh in (1, 2, 4):
        incl = incl + jnp.concatenate(
            [jnp.zeros((1, sh), jnp.int32), incl[:, : E - sh]], axis=1)
    off = incl - padded
    pos1_ref[...] = jnp.sum(M1 * ((c1 - M1) + off), axis=1, keepdims=True)
    pos2_ref[...] = jnp.sum(M2 * ((c2 - M2) + tot1 + off), axis=1,
                            keepdims=True)

    lane8 = lax.broadcasted_iota(jnp.int32, (1, E), 1)
    bstart = lax.broadcasted_iota(jnp.int32, (1, 128), 1) * BT
    bexp = jnp.full((1, 128), E - 1, jnp.int32)
    bact = jnp.zeros((1, 128), jnp.int32)
    for e in range(E):
        off_e = jnp.sum(jnp.where(lane8 == e, off, 0))
        pad_e = jnp.sum(jnp.where(lane8 == e, padded, 0))
        cnt_e = jnp.sum(jnp.where(lane8 == e, cnt, 0))
        inr = (bstart >= off_e) & (bstart < off_e + pad_e)
        bexp = jnp.where(inr, e, bexp)
        bact = jnp.where(inr & (bstart < off_e + cnt_e), 1, bact)
    bexp_ref[...] = bexp
    bact_ref[...] = bact


def _router(x1, n2, rw):
    return pl.pallas_call(
        _router_body,
        out_shape=[
            jax.ShapeDtypeStruct((S, D), jnp.float32),
            jax.ShapeDtypeStruct((S, 1), jnp.float32),
            jax.ShapeDtypeStruct((S, 1), jnp.float32),
            jax.ShapeDtypeStruct((S, 1), jnp.int32),
            jax.ShapeDtypeStruct((S, 1), jnp.int32),
            jax.ShapeDtypeStruct((1, 128), jnp.int32),
            jax.ShapeDtypeStruct((1, 128), jnp.int32),
        ],
    )(x1, n2, rw)


def _sc_mesh():
    return plsc.VectorSubcoreMesh(core_axis_name="c", subcore_axis_name="s")


def _sc_wid():
    return lax.axis_index("s") * 2 + lax.axis_index("c")


def _sc_dispatch(nx2, p1r, p2r):
    @functools.partial(
        pl.kernel,
        out_type=jax.ShapeDtypeStruct((P, D), jnp.float32),
        mesh=_sc_mesh(),
        scratch_types=[
            pltpu.VMEM((TPW,), jnp.int32),
            pltpu.VMEM((TPW, D), jnp.float32),
            pltpu.SemaphoreType.DMA,
        ],
    )
    def run(nx2_hbm, p1_hbm, p2_hbm, xs_hbm, idx_v, rows_v, sem):
        wid = _sc_wid()
        base = wid * TPW
        pltpu.sync_copy(nx2_hbm.at[pl.ds(base, TPW)], rows_v)
        pltpu.sync_copy(p1_hbm.at[wid], idx_v)
        pltpu.async_copy(rows_v, xs_hbm.at[idx_v], sem).wait()
        pltpu.sync_copy(p2_hbm.at[wid], idx_v)
        pltpu.async_copy(rows_v, xs_hbm.at[idx_v], sem).wait()

    return run(nx2, p1r, p2r)


def _sc_combine(ys, p1r, p2r):
    @functools.partial(
        pl.kernel,
        out_type=(jax.ShapeDtypeStruct((S, D), jnp.float32),
                  jax.ShapeDtypeStruct((S, D), jnp.float32)),
        mesh=_sc_mesh(),
        scratch_types=[
            pltpu.VMEM((TPW,), jnp.int32),
            pltpu.VMEM((TPW, D), jnp.float32),
            pltpu.SemaphoreType.DMA,
        ],
    )
    def run(ys_hbm, p1_hbm, p2_hbm, g1_hbm, g2_hbm, idx_v, rows_v, sem):
        wid = _sc_wid()
        base = wid * TPW
        pltpu.sync_copy(p1_hbm.at[wid], idx_v)
        pltpu.async_copy(ys_hbm.at[idx_v], rows_v, sem).wait()
        pltpu.sync_copy(rows_v, g1_hbm.at[pl.ds(base, TPW)])
        pltpu.sync_copy(p2_hbm.at[wid], idx_v)
        pltpu.async_copy(ys_hbm.at[idx_v], rows_v, sem).wait()
        pltpu.sync_copy(rows_v, g2_hbm.at[pl.ds(base, TPW)])

    return run(ys, p1r, p2r)


def _group_body(bexp_ref, bact_ref, fb_ref, xs_ref, w1_ref, w3_ref, w2_ref,
                ys_ref, w1b, w3b, w2b):
    b = pl.program_id(0)
    fc = pl.program_id(1)

    @pl.when(fb_ref[b] == 1)
    def _():
        w1b[fc] = w1_ref[0].astype(jnp.bfloat16)
        w3b[fc] = w3_ref[0].astype(jnp.bfloat16)
        w2b[fc] = w2_ref[0].astype(jnp.bfloat16)

    @pl.when(bact_ref[b] == 1)
    def _():
        x = xs_ref[...].astype(jnp.bfloat16)
        h1 = lax.dot_general(x, w1b[fc], _DN,
                             preferred_element_type=jnp.float32)
        h3 = lax.dot_general(x, w3b[fc], _DN,
                             preferred_element_type=jnp.float32)
        hh = (h1 * jax.nn.sigmoid(h1) * h3).astype(jnp.bfloat16)
        y = lax.dot_general(hh, w2b[fc], _DN,
                            preferred_element_type=jnp.float32)

        @pl.when(fc == 0)
        def _():
            ys_ref[...] = y

        @pl.when(fc != 0)
        def _():
            ys_ref[...] += y


def _group(bexp, bact, fb, xs, ew1, ew3, ew2):
    def wchunk(b, fc, be, ba, fb_):
        return jnp.where(fb_[b] == 1, fc, NFC - 1)

    grid_spec = pltpu.PrefetchScalarGridSpec(
        num_scalar_prefetch=3,
        grid=(NBLK, NFC),
        in_specs=[
            pl.BlockSpec((BT, D), lambda b, fc, be, ba, fb_: (b, 0)),
            pl.BlockSpec((1, FC, D),
                         lambda b, fc, be, ba, fb_: (be[b], wchunk(b, fc, be, ba, fb_), 0)),
            pl.BlockSpec((1, FC, D),
                         lambda b, fc, be, ba, fb_: (be[b], wchunk(b, fc, be, ba, fb_), 0)),
            pl.BlockSpec((1, D, FC),
                         lambda b, fc, be, ba, fb_: (be[b], 0, wchunk(b, fc, be, ba, fb_))),
        ],
        out_specs=pl.BlockSpec((BT, D), lambda b, fc, be, ba, fb_: (b, 0)),
        scratch_shapes=[
            pltpu.VMEM((NFC, FC, D), jnp.bfloat16),
            pltpu.VMEM((NFC, FC, D), jnp.bfloat16),
            pltpu.VMEM((NFC, D, FC), jnp.bfloat16),
        ],
    )
    return pl.pallas_call(
        _group_body,
        grid_spec=grid_spec,
        out_shape=jax.ShapeDtypeStruct((P, D), jnp.float32),
        compiler_params=pltpu.CompilerParams(
            dimension_semantics=("arbitrary", "arbitrary")),
    )(bexp, bact, fb, xs, ew1, ew3, ew2)


def _shared_body(x_ref, w1_ref, w3_ref, w2_ref, o_ref, w1b, w3b, w2b):
    @pl.when(pl.program_id(0) == 0)
    def _():
        w1b[...] = w1_ref[...].astype(jnp.bfloat16)
        w3b[...] = w3_ref[...].astype(jnp.bfloat16)
        w2b[...] = w2_ref[...].astype(jnp.bfloat16)

    x = x_ref[...].astype(jnp.bfloat16)
    h1 = lax.dot_general(x, w1b[...], _DN, preferred_element_type=jnp.float32)
    h3 = lax.dot_general(x, w3b[...], _DN, preferred_element_type=jnp.float32)
    hh = (h1 * jax.nn.sigmoid(h1) * h3).astype(jnp.bfloat16)
    o_ref[...] = lax.dot_general(hh, w2b[...], _DN,
                                 preferred_element_type=jnp.float32)


def _shared(nx2, w1, w3, w2):
    bs = 512
    return pl.pallas_call(
        _shared_body,
        grid=(S // bs,),
        in_specs=[
            pl.BlockSpec((bs, D), lambda i: (i, 0)),
            pl.BlockSpec((F, D), lambda i: (0, 0)),
            pl.BlockSpec((F, D), lambda i: (0, 0)),
            pl.BlockSpec((D, F), lambda i: (0, 0)),
        ],
        out_specs=pl.BlockSpec((bs, D), lambda i: (i, 0)),
        out_shape=jax.ShapeDtypeStruct((S, D), jnp.float32),
        scratch_shapes=[
            pltpu.VMEM((F, D), jnp.bfloat16),
            pltpu.VMEM((F, D), jnp.bfloat16),
            pltpu.VMEM((D, F), jnp.bfloat16),
        ],
    )(nx2, w1, w3, w2)


def _final_body(x1_ref, sh_ref, g1_ref, g2_ref, w1_ref, w2_ref, o_ref):
    o_ref[...] = (x1_ref[...] + sh_ref[...]
                  + w1_ref[...] * g1_ref[...] + w2_ref[...] * g2_ref[...])


def _final(x1, sh, g1, g2, w1, w2):
    bs = 256
    return pl.pallas_call(
        _final_body,
        grid=(S // bs,),
        in_specs=[
            pl.BlockSpec((bs, D), lambda i: (i, 0)),
            pl.BlockSpec((bs, D), lambda i: (i, 0)),
            pl.BlockSpec((bs, D), lambda i: (i, 0)),
            pl.BlockSpec((bs, D), lambda i: (i, 0)),
            pl.BlockSpec((bs, 1), lambda i: (i, 0)),
            pl.BlockSpec((bs, 1), lambda i: (i, 0)),
        ],
        out_specs=pl.BlockSpec((bs, D), lambda i: (i, 0)),
        out_shape=jax.ShapeDtypeStruct((S, D), jnp.float32),
    )(x1, sh, g1, g2, w1, w2)


def kernel(X, router_w, shared_w1, shared_w3, shared_w2,
           expert_w1, expert_w3, expert_w2,
           q_w, k_w, v_w, o_w, norm1_w, norm2_w):
    bf = jnp.bfloat16
    Xf = X.reshape(S, D)
    qT, kT, vTa = _qkv(Xf, norm1_w.reshape(1, D), q_w, k_w, v_w)
    o = _attn(qT, kT, vTa)
    X1 = _oproj(Xf, o, o_w.astype(bf))

    nx2, w1c, w2c, pos1, pos2, br, ba = _router(
        X1, norm2_w.reshape(1, D), router_w)
    p1r = pos1.reshape(NW, TPW)
    p2r = pos2.reshape(NW, TPW)
    bexp = br[0, :NBLK]
    bact = ba[0, :NBLK]
    fb = jnp.concatenate(
        [jnp.ones((1,), jnp.int32),
         (bexp[1:] != bexp[:-1]).astype(jnp.int32)])

    xs = _sc_dispatch(nx2, p1r, p2r)
    ys = _group(bexp, bact, fb, xs, expert_w1, expert_w3, expert_w2)
    g1, g2 = _sc_combine(ys, p1r, p2r)
    sh = _shared(nx2, shared_w1, shared_w3, shared_w2)
    out = _final(X1, sh, g1, g2, w1c, w2c)
    return out.reshape(1, S, D)

# --- scband reference (transcript-rebuilt; emitter-appended) ---
"""Pipeline reference for scband-kimi-layer-4879082848959 (READ-ONLY COPY).

The authoritative reference and input builder live on the scoring server;
editing this copy changes nothing except your own understanding.
"""

import jax, jax.numpy as jnp
import numpy as np

B, S, D = 1, 2048, 768
H = 12
E = 8
K = 2
F = 2048
EPS = 1e-6


def _rmsnorm(x, w):
    return x * jax.lax.rsqrt(jnp.mean(x * x, axis=-1, keepdims=True) + EPS) * w


def _swiglu(x, w1, w3, w2):
    return (jax.nn.silu(x @ w1.T) * (x @ w3.T)) @ w2.T


def _mha(x, q_w, k_w, v_w, o_w):
    b, s, d = x.shape
    dk = d // H
    scale = 1.0 / np.sqrt(dk)
    q = (x @ q_w.T).reshape(b, s, H, dk).transpose(0, 2, 1, 3)
    k = (x @ k_w.T).reshape(b, s, H, dk).transpose(0, 2, 1, 3)
    v = (x @ v_w.T).reshape(b, s, H, dk).transpose(0, 2, 1, 3)
    scores = jnp.einsum('bhqd,bhkd->bhqk', q, k) * scale
    a = jax.nn.softmax(scores, axis=-1)
    o = jnp.einsum('bhqk,bhkd->bhqd', a, v)
    o = o.transpose(0, 2, 1, 3).reshape(b, s, d)
    return o @ o_w.T


def setup_inputs(seed: int = 0):
    key = jax.random.key(seed)
    ks = jax.random.split(key, 14)
    sc = 0.02
    return {
        "X": jax.random.normal(ks[0], (B, S, D), jnp.float32),
        "router_w": jax.random.normal(ks[1], (E, D), jnp.float32) * sc,
        "shared_w1": jax.random.normal(ks[2], (F, D), jnp.float32) * sc,
        "shared_w3": jax.random.normal(ks[3], (F, D), jnp.float32) * sc,
        "shared_w2": jax.random.normal(ks[4], (D, F), jnp.float32) * sc,
        "expert_w1": jax.random.normal(ks[5], (E, F, D), jnp.float32) * sc,
        "expert_w3": jax.random.normal(ks[6], (E, F, D), jnp.float32) * sc,
        "expert_w2": jax.random.normal(ks[7], (E, D, F), jnp.float32) * sc,
        "q_w": jax.random.normal(ks[8], (D, D), jnp.float32) * sc,
        "k_w": jax.random.normal(ks[9], (D, D), jnp.float32) * sc,
        "v_w": jax.random.normal(ks[10], (D, D), jnp.float32) * sc,
        "o_w": jax.random.normal(ks[11], (D, D), jnp.float32) * sc,
        "norm1_w": jnp.ones((D,), jnp.float32),
        "norm2_w": jnp.ones((D,), jnp.float32),
    }


def reference(X, router_w, shared_w1, shared_w3, shared_w2, expert_w1, expert_w3, expert_w2, q_w, k_w, v_w, o_w, norm1_w, norm2_w):
    nX = _rmsnorm(X, norm1_w)
    X1 = X + _mha(nX, q_w, k_w, v_w, o_w)
    nX2 = _rmsnorm(X1, norm2_w)
    Xf = nX2.reshape(-1, D)
    logits = Xf @ router_w.T
    rw = jax.nn.softmax(logits, axis=-1)
    tkw, tki = jax.lax.top_k(rw, K)
    tkw = jax.nn.softmax(tkw, axis=-1)
    shared = _swiglu(Xf, shared_w1, shared_w3, shared_w2)
    spec = jnp.zeros_like(Xf)
    for e in range(E):
        token_w = jnp.where(tki == e, tkw, 0.0).sum(axis=1)
        out_e = _swiglu(Xf, expert_w1[e], expert_w3[e], expert_w2[e])
        spec = spec + token_w[:, None] * out_e
    moe_out = (shared + spec).reshape(B, S, D)
    return X1 + moe_out

if __name__ == "__main__":
    import jax
    _d = setup_inputs()
    print(jax.jit(kernel)(*tuple(_d.values())))

</pallas_src>

<mosaic_0001>
#map = affine_map<(d0, d1) -> (0, 0)>
module attributes {stable_mosaic.version = 14 : i64} {
  func.func @run(%arg0: i32, %arg1: i32, %arg2: memref<6144x768xf32, #tpu.memory_space<hbm>>, %arg3: memref<32x64xi32, #tpu.memory_space<hbm>>, %arg4: memref<32x64xi32, #tpu.memory_space<hbm>>, %arg5: memref<2048x768xf32, #tpu.memory_space<hbm>>, %arg6: memref<2048x768xf32, #tpu.memory_space<hbm>>, %arg7: memref<64xi32, #tpu.memory_space<vmem>>, %arg8: memref<64x768xf32, #tpu.memory_space<vmem>>, %arg9: memref<!tpu.dma_semaphore, #tpu.memory_space<semaphore_mem>>) attributes {dimension_semantics = [#tpu.dimension_semantics<core_parallel>, #tpu.dimension_semantics<subcore_parallel>], iteration_bounds = array<i64: 2, 16>, scalar_prefetch = 0 : i64, scratch_operands = 3 : i64, tpu.core_type = #tpu.core_type<sc_vector_subcore>, window_params = [{transform_indices = #map}, {transform_indices = #map}, {transform_indices = #map}, {transform_indices = #map}, {transform_indices = #map}]} {
    %mul3A = arith.constant 2 : i32
    %mul3A_0 = arith.muli %arg1, %mul3A : i32
    %add3A = arith.addi %mul3A_0, %arg0 : i32
    %mul3A_1 = arith.constant 64 : i32
    %mul3A_2 = arith.muli %add3A, %mul3A_1 : i32
    "tpu.region"() ({
      %run_scoped3A = tpu.sem_alloc : memref<!tpu.dma_semaphore, #tpu.memory_space<semaphore_mem>>
      %dma_start3A_13 = arith.constant 0 : i32
      %dma_start3A_14 = tpu.memref_slice %arg3[%add3A, %dma_start3A_13] : memref<32x64xi32, #tpu.memory_space<hbm>> -> memref<1x64xi32, #tpu.memory_space<hbm>>
      %dma_start3A_15 = tpu.memref_squeeze %dma_start3A_14 : memref<1x64xi32, #tpu.memory_space<hbm>> -> memref<64xi32, #tpu.memory_space<hbm>>
      %dma_start3A_16 = arith.constant 0 : i32
      %dma_start3A_17 = tpu.memref_slice %arg3[%add3A, %dma_start3A_16] : memref<32x64xi32, #tpu.memory_space<hbm>> -> memref<1x64xi32, #tpu.memory_space<hbm>>
      %dma_start3A_18 = tpu.memref_squeeze %dma_start3A_17 : memref<1x64xi32, #tpu.memory_space<hbm>> -> memref<64xi32, #tpu.memory_space<hbm>>
      tpu.enqueue_dma source(%dma_start3A_18 : memref<64xi32, #tpu.memory_space<hbm>>) target(%arg7 : memref<64xi32, #tpu.memory_space<vmem>>) target_semaphore(%run_scoped3A : memref<!tpu.dma_semaphore, #tpu.memory_space<semaphore_mem>>)
      %dma_wait3A_19 = arith.constant 0 : i32
      %dma_wait3A_20 = tpu.memref_slice %arg3[%add3A, %dma_wait3A_19] : memref<32x64xi32, #tpu.memory_space<hbm>> -> memref<1x64xi32, #tpu.memory_space<hbm>>
      %dma_wait3A_21 = tpu.memref_squeeze %dma_wait3A_20 : memref<1x64xi32, #tpu.memory_space<hbm>> -> memref<64xi32, #tpu.memory_space<hbm>>
      %dma_wait3A_22 = arith.constant 0 : i32
      %dma_wait3A_23 = tpu.memref_slice %arg3[%add3A, %dma_wait3A_22] : memref<32x64xi32, #tpu.memory_space<hbm>> -> memref<1x64xi32, #tpu.memory_space<hbm>>
      %dma_wait3A_24 = tpu.memref_squeeze %dma_wait3A_23 : memref<1x64xi32, #tpu.memory_space<hbm>> -> memref<64xi32, #tpu.memory_space<hbm>>
      tpu.wait_dma2 semaphore(%run_scoped3A : memref<!tpu.dma_semaphore, #tpu.memory_space<semaphore_mem>>) src(%dma_wait3A_24 : memref<64xi32, #tpu.memory_space<hbm>>) dst(%arg7 : memref<64xi32, #tpu.memory_space<vmem>>)
      tpu.yield
    }) : () -> ()
    %dma_start3A = arith.constant 0 : i32
    %dma_start3A_3 = arith.constant 0 : i32
    %dma_start3A_4 = tpu.memref_slice %arg2[%dma_start3A, %dma_start3A_3] : memref<6144x768xf32, #tpu.memory_space<hbm>> -> memref<6144x768xf32, #tpu.memory_space<hbm>>
    tpu.enqueue_indirect_dma source(%dma_start3A_4 : memref<6144x768xf32, #tpu.memory_space<hbm>>) target(%arg8 : memref<64x768xf32, #tpu.memory_space<vmem>>) offsets(%arg7 : memref<64xi32, #tpu.memory_space<vmem>>) semaphore(%arg9 : memref<!tpu.dma_semaphore, #tpu.memory_space<semaphore_mem>>)
    %dma_wait3A = arith.constant 0 : i32
    %dma_wait3A_5 = arith.constant 0 : i32
    %dma_wait3A_6 = tpu.memref_slice %arg2[%dma_wait3A, %dma_wait3A_5] : memref<6144x768xf32, #tpu.memory_space<hbm>> -> memref<6144x768xf32, #tpu.memory_space<hbm>>
    tpu.wait_indirect_dma semaphore(%arg9 : memref<!tpu.dma_semaphore, #tpu.memory_space<semaphore_mem>>) src(%dma_wait3A_6 : memref<6144x768xf32, #tpu.memory_space<hbm>>) dst(%arg8 : memref<64x768xf32, #tpu.memory_space<vmem>>)
    "tpu.region"() ({
      %run_scoped3A = tpu.sem_alloc : memref<!tpu.dma_semaphore, #tpu.memory_space<semaphore_mem>>
      %dma_start3A_13 = arith.constant 0 : i32
      %dma_start3A_14 = tpu.memref_slice %arg5[%mul3A_2, %dma_start3A_13] : memref<2048x768xf32, #tpu.memory_space<hbm>> -> memref<64x768xf32, #tpu.memory_space<hbm>>
      %dma_start3A_15 = arith.constant 0 : i32
      %dma_start3A_16 = tpu.memref_slice %arg5[%mul3A_2, %dma_start3A_15] : memref<2048x768xf32, #tpu.memory_space<hbm>> -> memref<64x768xf32, #tpu.memory_space<hbm>>
      tpu.enqueue_dma source(%arg8 : memref<64x768xf32, #tpu.memory_space<vmem>>) target(%dma_start3A_16 : memref<64x768xf32, #tpu.memory_space<hbm>>) target_semaphore(%run_scoped3A : memref<!tpu.dma_semaphore, #tpu.memory_space<semaphore_mem>>)
      %dma_wait3A_17 = arith.constant 0 : i32
      %dma_wait3A_18 = tpu.memref_slice %arg5[%mul3A_2, %dma_wait3A_17] : memref<2048x768xf32, #tpu.memory_space<hbm>> -> memref<64x768xf32, #tpu.memory_space<hbm>>
      %dma_wait3A_19 = arith.constant 0 : i32
      %dma_wait3A_20 = tpu.memref_slice %arg5[%mul3A_2, %dma_wait3A_19] : memref<2048x768xf32, #tpu.memory_space<hbm>> -> memref<64x768xf32, #tpu.memory_space<hbm>>
      tpu.wait_dma2 semaphore(%run_scoped3A : memref<!tpu.dma_semaphore, #tpu.memory_space<semaphore_mem>>) src(%arg8 : memref<64x768xf32, #tpu.memory_space<vmem>>) dst(%dma_wait3A_20 : memref<64x768xf32, #tpu.memory_space<hbm>>)
      tpu.yield
    }) : () -> ()
    "tpu.region"() ({
      %run_scoped3A = tpu.sem_alloc : memref<!tpu.dma_semaphore, #tpu.memory_space<semaphore_mem>>
      %dma_start3A_13 = arith.constant 0 : i32
      %dma_start3A_14 = tpu.memref_slice %arg4[%add3A, %dma_start3A_13] : memref<32x64xi32, #tpu.memory_space<hbm>> -> memref<1x64xi32, #tpu.memory_space<hbm>>
      %dma_start3A_15 = tpu.memref_squeeze %dma_start3A_14 : memref<1x64xi32, #tpu.memory_space<hbm>> -> memref<64xi32, #tpu.memory_space<hbm>>
      %dma_start3A_16 = arith.constant 0 : i32
      %dma_start3A_17 = tpu.memref_slice %arg4[%add3A, %dma_start3A_16] : memref<32x64xi32, #tpu.memory_space<hbm>> -> memref<1x64xi32, #tpu.memory_space<hbm>>
      %dma_start3A_18 = tpu.memref_squeeze %dma_start3A_17 : memref<1x64xi32, #tpu.memory_space<hbm>> -> memref<64xi32, #tpu.memory_space<hbm>>
      tpu.enqueue_dma source(%dma_start3A_18 : memref<64xi32, #tpu.memory_space<hbm>>) target(%arg7 : memref<64xi32, #tpu.memory_space<vmem>>) target_semaphore(%run_scoped3A : memref<!tpu.dma_semaphore, #tpu.memory_space<semaphore_mem>>)
      %dma_wait3A_19 = arith.constant 0 : i32
      %dma_wait3A_20 = tpu.memref_slice %arg4[%add3A, %dma_wait3A_19] : memref<32x64xi32, #tpu.memory_space<hbm>> -> memref<1x64xi32, #tpu.memory_space<hbm>>
      %dma_wait3A_21 = tpu.memref_squeeze %dma_wait3A_20 : memref<1x64xi32, #tpu.memory_space<hbm>> -> memref<64xi32, #tpu.memory_space<hbm>>
      %dma_wait3A_22 = arith.constant 0 : i32
      %dma_wait3A_23 = tpu.memref_slice %arg4[%add3A, %dma_wait3A_22] : memref<32x64xi32, #tpu.memory_space<hbm>> -> memref<1x64xi32, #tpu.memory_space<hbm>>
      %dma_wait3A_24 = tpu.memref_squeeze %dma_wait3A_23 : memref<1x64xi32, #tpu.memory_space<hbm>> -> memref<64xi32, #tpu.memory_space<hbm>>
      tpu.wait_dma2 semaphore(%run_scoped3A : memref<!tpu.dma_semaphore, #tpu.memory_space<semaphore_mem>>) src(%dma_wait3A_24 : memref<64xi32, #tpu.memory_space<hbm>>) dst(%arg7 : memref<64xi32, #tpu.memory_space<vmem>>)
      tpu.yield
    }) : () -> ()
    %dma_start3A_7 = arith.constant 0 : i32
    %dma_start3A_8 = arith.constant 0 : i32
    %dma_start3A_9 = tpu.memref_slice %arg2[%dma_start3A_7, %dma_start3A_8] : memref<6144x768xf32, #tpu.memory_space<hbm>> -> memref<6144x768xf32, #tpu.memory_space<hbm>>
    tpu.enqueue_indirect_dma source(%dma_start3A_9 : memref<6144x768xf32, #tpu.memory_space<hbm>>) target(%arg8 : memref<64x768xf32, #tpu.memory_space<vmem>>) offsets(%arg7 : memref<64xi32, #tpu.memory_space<vmem>>) semaphore(%arg9 : memref<!tpu.dma_semaphore, #tpu.memory_space<semaphore_mem>>)
    %dma_wait3A_10 = arith.constant 0 : i32
    %dma_wait3A_11 = arith.constant 0 : i32
    %dma_wait3A_12 = tpu.memref_slice %arg2[%dma_wait3A_10, %dma_wait3A_11] : memref<6144x768xf32, #tpu.memory_space<hbm>> -> memref<6144x768xf32, #tpu.memory_space<hbm>>
    tpu.wait_indirect_dma semaphore(%arg9 : memref<!tpu.dma_semaphore, #tpu.memory_space<semaphore_mem>>) src(%dma_wait3A_12 : memref<6144x768xf32, #tpu.memory_space<hbm>>) dst(%arg8 : memref<64x768xf32, #tpu.memory_space<vmem>>)
    "tpu.region"() ({
      %run_scoped3A = tpu.sem_alloc : memref<!tpu.dma_semaphore, #tpu.memory_space<semaphore_mem>>
      %dma_start3A_13 = arith.constant 0 : i32
      %dma_start3A_14 = tpu.memref_slice %arg6[%mul3A_2, %dma_start3A_13] : memref<2048x768xf32, #tpu.memory_space<hbm>> -> memref<64x768xf32, #tpu.memory_space<hbm>>
      %dma_start3A_15 = arith.constant 0 : i32
      %dma_start3A_16 = tpu.memref_slice %arg6[%mul3A_2, %dma_start3A_15] : memref<2048x768xf32, #tpu.memory_space<hbm>> -> memref<64x768xf32, #tpu.memory_space<hbm>>
      tpu.enqueue_dma source(%arg8 : memref<64x768xf32, #tpu.memory_space<vmem>>) target(%dma_start3A_16 : memref<64x768xf32, #tpu.memory_space<hbm>>) target_semaphore(%run_scoped3A : memref<!tpu.dma_semaphore, #tpu.memory_space<semaphore_mem>>)
      %dma_wait3A_17 = arith.constant 0 : i32
      %dma_wait3A_18 = tpu.memref_slice %arg6[%mul3A_2, %dma_wait3A_17] : memref<2048x768xf32, #tpu.memory_space<hbm>> -> memref<64x768xf32, #tpu.memory_space<hbm>>
      %dma_wait3A_19 = arith.constant 0 : i32
      %dma_wait3A_20 = tpu.memref_slice %arg6[%mul3A_2, %dma_wait3A_19] : memref<2048x768xf32, #tpu.memory_space<hbm>> -> memref<64x768xf32, #tpu.memory_space<hbm>>
      tpu.wait_dma2 semaphore(%run_scoped3A : memref<!tpu.dma_semaphore, #tpu.memory_space<semaphore_mem>>) src(%arg8 : memref<64x768xf32, #tpu.memory_space<vmem>>) dst(%dma_wait3A_20 : memref<64x768xf32, #tpu.memory_space<hbm>>)
      tpu.yield
    }) : () -> ()
    return
  }
}

#map = affine_map<(d0, d1) -> (0, 0)>
module attributes {stable_mosaic.version = 14 : i64} {
  func.func @run(%arg0: i32, %arg1: i32, %arg2: memref<2048x768xf32, #tpu.memory_space<hbm>>, %arg3: memref<32x64xi32, #tpu.memory_space<hbm>>, %arg4: memref<32x64xi32, #tpu.memory_space<hbm>>, %arg5: memref<6144x768xf32, #tpu.memory_space<hbm>>, %arg6: memref<64xi32, #tpu.memory_space<vmem>>, %arg7: memref<64x768xf32, #tpu.memory_space<vmem>>, %arg8: memref<!tpu.dma_semaphore, #tpu.memory_space<semaphore_mem>>) attributes {dimension_semantics = [#tpu.dimension_semantics<core_parallel>, #tpu.dimension_semantics<subcore_parallel>], iteration_bounds = array<i64: 2, 16>, scalar_prefetch = 0 : i64, scratch_operands = 3 : i64, tpu.core_type = #tpu.core_type<sc_vector_subcore>, window_params = [{transform_indices = #map}, {transform_indices = #map}, {transform_indices = #map}, {transform_indices = #map}]} {
    %mul3A = arith.constant 2 : i32
    %mul3A_0 = arith.muli %arg1, %mul3A : i32
    %add3A = arith.addi %mul3A_0, %arg0 : i32
    %mul3A_1 = arith.constant 64 : i32
    %mul3A_2 = arith.muli %add3A, %mul3A_1 : i32
    "tpu.region"() ({
      %run_scoped3A = tpu.sem_alloc : memref<!tpu.dma_semaphore, #tpu.memory_space<semaphore_mem>>
      %dma_start3A_13 = arith.constant 0 : i32
      %dma_start3A_14 = tpu.memref_slice %arg2[%mul3A_2, %dma_start3A_13] : memref<2048x768xf32, #tpu.memory_space<hbm>> -> memref<64x768xf32, #tpu.memory_space<hbm>>
      %dma_start3A_15 = arith.constant 0 : i32
      %dma_start3A_16 = tpu.memref_slice %arg2[%mul3A_2, %dma_start3A_15] : memref<2048x768xf32, #tpu.memory_space<hbm>> -> memref<64x768xf32, #tpu.memory_space<hbm>>
      tpu.enqueue_dma source(%dma_start3A_16 : memref<64x768xf32, #tpu.memory_space<hbm>>) target(%arg7 : memref<64x768xf32, #tpu.memory_space<vmem>>) target_semaphore(%run_scoped3A : memref<!tpu.dma_semaphore, #tpu.memory_space<semaphore_mem>>)
      %dma_wait3A_17 = arith.constant 0 : i32
      %dma_wait3A_18 = tpu.memref_slice %arg2[%mul3A_2, %dma_wait3A_17] : memref<2048x768xf32, #tpu.memory_space<hbm>> -> memref<64x768xf32, #tpu.memory_space<hbm>>
      %dma_wait3A_19 = arith.constant 0 : i32
      %dma_wait3A_20 = tpu.memref_slice %arg2[%mul3A_2, %dma_wait3A_19] : memref<2048x768xf32, #tpu.memory_space<hbm>> -> memref<64x768xf32, #tpu.memory_space<hbm>>
      tpu.wait_dma2 semaphore(%run_scoped3A : memref<!tpu.dma_semaphore, #tpu.memory_space<semaphore_mem>>) src(%dma_wait3A_20 : memref<64x768xf32, #tpu.memory_space<hbm>>) dst(%arg7 : memref<64x768xf32, #tpu.memory_space<vmem>>)
      tpu.yield
    }) : () -> ()
    "tpu.region"() ({
      %run_scoped3A = tpu.sem_alloc : memref<!tpu.dma_semaphore, #tpu.memory_space<semaphore_mem>>
      %dma_start3A_13 = arith.constant 0 : i32
      %dma_start3A_14 = tpu.memref_slice %arg3[%add3A, %dma_start3A_13] : memref<32x64xi32, #tpu.memory_space<hbm>> -> memref<1x64xi32, #tpu.memory_space<hbm>>
      %dma_start3A_15 = tpu.memref_squeeze %dma_start3A_14 : memref<1x64xi32, #tpu.memory_space<hbm>> -> memref<64xi32, #tpu.memory_space<hbm>>
      %dma_start3A_16 = arith.constant 0 : i32
      %dma_start3A_17 = tpu.memref_slice %arg3[%add3A, %dma_start3A_16] : memref<32x64xi32, #tpu.memory_space<hbm>> -> memref<1x64xi32, #tpu.memory_space<hbm>>
      %dma_start3A_18 = tpu.memref_squeeze %dma_start3A_17 : memref<1x64xi32, #tpu.memory_space<hbm>> -> memref<64xi32, #tpu.memory_space<hbm>>
      tpu.enqueue_dma source(%dma_start3A_18 : memref<64xi32, #tpu.memory_space<hbm>>) target(%arg6 : memref<64xi32, #tpu.memory_space<vmem>>) target_semaphore(%run_scoped3A : memref<!tpu.dma_semaphore, #tpu.memory_space<semaphore_mem>>)
      %dma_wait3A_19 = arith.constant 0 : i32
      %dma_wait3A_20 = tpu.memref_slice %arg3[%add3A, %dma_wait3A_19] : memref<32x64xi32, #tpu.memory_space<hbm>> -> memref<1x64xi32, #tpu.memory_space<hbm>>
      %dma_wait3A_21 = tpu.memref_squeeze %dma_wait3A_20 : memref<1x64xi32, #tpu.memory_space<hbm>> -> memref<64xi32, #tpu.memory_space<hbm>>
      %dma_wait3A_22 = arith.constant 0 : i32
      %dma_wait3A_23 = tpu.memref_slice %arg3[%add3A, %dma_wait3A_22] : memref<32x64xi32, #tpu.memory_space<hbm>> -> memref<1x64xi32, #tpu.memory_space<hbm>>
      %dma_wait3A_24 = tpu.memref_squeeze %dma_wait3A_23 : memref<1x64xi32, #tpu.memory_space<hbm>> -> memref<64xi32, #tpu.memory_space<hbm>>
      tpu.wait_dma2 semaphore(%run_scoped3A : memref<!tpu.dma_semaphore, #tpu.memory_space<semaphore_mem>>) src(%dma_wait3A_24 : memref<64xi32, #tpu.memory_space<hbm>>) dst(%arg6 : memref<64xi32, #tpu.memory_space<vmem>>)
      tpu.yield
    }) : () -> ()
    %dma_start3A = arith.constant 0 : i32
    %dma_start3A_3 = arith.constant 0 : i32
    %dma_start3A_4 = tpu.memref_slice %arg5[%dma_start3A, %dma_start3A_3] : memref<6144x768xf32, #tpu.memory_space<hbm>> -> memref<6144x768xf32, #tpu.memory_space<hbm>>
    tpu.enqueue_indirect_dma source(%arg7 : memref<64x768xf32, #tpu.memory_space<vmem>>) target(%dma_start3A_4 : memref<6144x768xf32, #tpu.memory_space<hbm>>) offsets(%arg6 : memref<64xi32, #tpu.memory_space<vmem>>) semaphore(%arg8 : memref<!tpu.dma_semaphore, #tpu.memory_space<semaphore_mem>>)
    %dma_wait3A = arith.constant 0 : i32
    %dma_wait3A_5 = arith.constant 0 : i32
    %dma_wait3A_6 = tpu.memref_slice %arg5[%dma_wait3A, %dma_wait3A_5] : memref<6144x768xf32, #tpu.memory_space<hbm>> -> memref<6144x768xf32, #tpu.memory_space<hbm>>
    tpu.wait_indirect_dma semaphore(%arg8 : memref<!tpu.dma_semaphore, #tpu.memory_space<semaphore_mem>>) src(%arg7 : memref<64x768xf32, #tpu.memory_space<vmem>>) dst(%dma_wait3A_6 : memref<6144x768xf32, #tpu.memory_space<hbm>>)
    "tpu.region"() ({
      %run_scoped3A = tpu.sem_alloc : memref<!tpu.dma_semaphore, #tpu.memory_space<semaphore_mem>>
      %dma_start3A_13 = arith.constant 0 : i32
      %dma_start3A_14 = tpu.memref_slice %arg4[%add3A, %dma_start3A_13] : memref<32x64xi32, #tpu.memory_space<hbm>> -> memref<1x64xi32, #tpu.memory_space<hbm>>
      %dma_start3A_15 = tpu.memref_squeeze %dma_start3A_14 : memref<1x64xi32, #tpu.memory_space<hbm>> -> memref<64xi32, #tpu.memory_space<hbm>>
      %dma_start3A_16 = arith.constant 0 : i32
      %dma_start3A_17 = tpu.memref_slice %arg4[%add3A, %dma_start3A_16] : memref<32x64xi32, #tpu.memory_space<hbm>> -> memref<1x64xi32, #tpu.memory_space<hbm>>
      %dma_start3A_18 = tpu.memref_squeeze %dma_start3A_17 : memref<1x64xi32, #tpu.memory_space<hbm>> -> memref<64xi32, #tpu.memory_space<hbm>>
      tpu.enqueue_dma source(%dma_start3A_18 : memref<64xi32, #tpu.memory_space<hbm>>) target(%arg6 : memref<64xi32, #tpu.memory_space<vmem>>) target_semaphore(%run_scoped3A : memref<!tpu.dma_semaphore, #tpu.memory_space<semaphore_mem>>)
      %dma_wait3A_19 = arith.constant 0 : i32
      %dma_wait3A_20 = tpu.memref_slice %arg4[%add3A, %dma_wait3A_19] : memref<32x64xi32, #tpu.memory_space<hbm>> -> memref<1x64xi32, #tpu.memory_space<hbm>>
      %dma_wait3A_21 = tpu.memref_squeeze %dma_wait3A_20 : memref<1x64xi32, #tpu.memory_space<hbm>> -> memref<64xi32, #tpu.memory_space<hbm>>
      %dma_wait3A_22 = arith.constant 0 : i32
      %dma_wait3A_23 = tpu.memref_slice %arg4[%add3A, %dma_wait3A_22] : memref<32x64xi32, #tpu.memory_space<hbm>> -> memref<1x64xi32, #tpu.memory_space<hbm>>
      %dma_wait3A_24 = tpu.memref_squeeze %dma_wait3A_23 : memref<1x64xi32, #tpu.memory_space<hbm>> -> memref<64xi32, #tpu.memory_space<hbm>>
      tpu.wait_dma2 semaphore(%run_scoped3A : memref<!tpu.dma_semaphore, #tpu.memory_space<semaphore_mem>>) src(%dma_wait3A_24 : memref<64xi32, #tpu.memory_space<hbm>>) dst(%arg6 : memref<64xi32, #tpu.memory_space<vmem>>)
      tpu.yield
    }) : () -> ()
    %dma_start3A_7 = arith.constant 0 : i32
    %dma_start3A_8 = arith.constant 0 : i32
    %dma_start3A_9 = tpu.memref_slice %arg5[%dma_start3A_7, %dma_start3A_8] : memref<6144x768xf32, #tpu.memory_space<hbm>> -> memref<6144x768xf32, #tpu.memory_space<hbm>>
    tpu.enqueue_indirect_dma source(%arg7 : memref<64x768xf32, #tpu.memory_space<vmem>>) target(%dma_start3A_9 : memref<6144x768xf32, #tpu.memory_space<hbm>>) offsets(%arg6 : memref<64xi32, #tpu.memory_space<vmem>>) semaphore(%arg8 : memref<!tpu.dma_semaphore, #tpu.memory_space<semaphore_mem>>)
    %dma_wait3A_10 = arith.constant 0 : i32
    %dma_wait3A_11 = arith.constant 0 : i32
    %dma_wait3A_12 = tpu.memref_slice %arg5[%dma_wait3A_10, %dma_wait3A_11] : memref<6144x768xf32, #tpu.memory_space<hbm>> -> memref<6144x768xf32, #tpu.memory_space<hbm>>
    tpu.wait_indirect_dma semaphore(%arg8 : memref<!tpu.dma_semaphore, #tpu.memory_space<semaphore_mem>>) src(%arg7 : memref<64x768xf32, #tpu.memory_space<vmem>>) dst(%dma_wait3A_12 : memref<6144x768xf32, #tpu.memory_space<hbm>>)
    return
  }
}

module attributes {stable_mosaic.version = 14 : i64} {
  func.func @_attn_body(%arg0: i32, %arg1: i32, %arg2: memref<1x2048x64xbf16, #tpu.memory_space<vmem>>, %arg3: memref<1x2048x64xbf16, #tpu.memory_space<vmem>>, %arg4: memref<1x2048x128xbf16, #tpu.memory_space<vmem>>, %arg5: memref<1x2048x64xbf16, #tpu.memory_space<vmem>>) attributes {dimension_semantics = [#tpu.dimension_semantics<arbitrary>, #tpu.dimension_semantics<arbitrary>], iteration_bounds = array<i64: 12, 1>, scalar_prefetch = 0 : i64, scratch_operands = 0 : i64, tpu.core_type = #tpu.core_type<tc>, window_params = [{transform_indices = @transform_0, window_bounds = array<i64: 1, 2048, 64>}, {transform_indices = @transform_1, window_bounds = array<i64: 1, 2048, 64>}, {transform_indices = @transform_2, window_bounds = array<i64: 1, 2048, 128>}, {transform_indices = @transform_3, window_bounds = array<i64: 1, 2048, 64>}]} {
    %get3A = arith.constant 0 : index
    %get3A_0 = arith.constant 0 : index
    %get3A_1 = arith.constant 0 : index
    %get3A_2 = vector.load %arg2[%get3A, %get3A_0, %get3A_1] : memref<1x2048x64xbf16, #tpu.memory_space<vmem>>, vector<1x2048x64xbf16>
    %get3A_3 = vector.shape_cast %get3A_2 : vector<1x2048x64xbf16> to vector<2048x64xbf16>
    %get3A_4 = arith.constant 0 : index
    %get3A_5 = arith.constant 0 : index
    %get3A_6 = arith.constant 0 : index
    %get3A_7 = vector.load %arg3[%get3A_4, %get3A_5, %get3A_6] : memref<1x2048x64xbf16, #tpu.memory_space<vmem>>, vector<1x2048x64xbf16>
    %get3A_8 = vector.shape_cast %get3A_7 : vector<1x2048x64xbf16> to vector<2048x64xbf16>
    %dot_general3A = arith.constant dense<0.000000e+00> : vector<2048x2048xf32>
    %dot_general3A_9 = tpu.matmul %get3A_3, %get3A_8, %dot_general3A {dimension_numbers = #tpu.dot_dimension_numbers<[1], [1], [0], [0], [0, 0, 1, 0], [], []>, transpose_lhs_hint = false} : vector<2048x64xbf16>, vector<2048x64xbf16>, vector<2048x2048xf32> -> vector<2048x2048xf32>
    %convert_element_type3A = arith.truncf %dot_general3A_9 : vector<2048x2048xf32> to vector<2048x2048xbf16>
    %exp3A = math.exp %convert_element_type3A : vector<2048x2048xbf16>
    %get3A_10 = arith.constant 0 : index
    %get3A_11 = arith.constant 0 : index
    %get3A_12 = arith.constant 0 : index
    %get3A_13 = vector.load %arg4[%get3A_10, %get3A_11, %get3A_12] : memref<1x2048x128xbf16, #tpu.memory_space<vmem>>, vector<1x2048x128xbf16>
    %get3A_14 = vector.shape_cast %get3A_13 : vector<1x2048x128xbf16> to vector<2048x128xbf16>
    %dot_general3A_15 = arith.constant dense<0.000000e+00> : vector<2048x128xf32>
    %dot_general3A_16 = tpu.matmul %exp3A, %get3A_14, %dot_general3A_15 {dimension_numbers = #tpu.dot_dimension_numbers<[1], [0], [0], [1], [0, 0, 1, 1], [], []>, transpose_lhs_hint = false} : vector<2048x2048xbf16>, vector<2048x128xbf16>, vector<2048x128xf32> -> vector<2048x128xf32>
    %slice3A = vector.extract_strided_slice %dot_general3A_16 {offsets = [0, 64], sizes = [2048, 1], strides = [1, 1]} : vector<2048x128xf32> to vector<2048x1xf32>
    %slice3A_17 = vector.extract_strided_slice %dot_general3A_16 {offsets = [0, 0], sizes = [2048, 64], strides = [1, 1]} : vector<2048x128xf32> to vector<2048x64xf32>
    %div3A = arith.constant 1.000000e+00 : f32
    %div3A_18 = vector.broadcast %div3A : f32 to vector<2048x1xf32>
    %div3A_19 = arith.divf %div3A_18, %slice3A : vector<2048x1xf32>
    %mul3A = vector.broadcast %div3A_19 : vector<2048x1xf32> to vector<2048x64xf32>
    %mul3A_20 = arith.mulf %slice3A_17, %mul3A : vector<2048x64xf32>
    %convert_element_type3A_21 = arith.truncf %mul3A_20 : vector<2048x64xf32> to vector<2048x64xbf16>
    %swap3A = arith.constant 0 : index
    %swap3A_22 = arith.constant 0 : index
    %swap3A_23 = arith.constant 0 : index
    %swap3A_24 = vector.load %arg5[%swap3A, %swap3A_22, %swap3A_23] : memref<1x2048x64xbf16, #tpu.memory_space<vmem>>, vector<1x2048x64xbf16>
    %swap3A_25 = vector.shape_cast %swap3A_24 : vector<1x2048x64xbf16> to vector<2048x64xbf16>
    %swap3A_26 = vector.shape_cast %convert_element_type3A_21 : vector<2048x64xbf16> to vector<1x2048x64xbf16>
    tpu.vector_store %arg5[%swap3A, %swap3A_22, %swap3A_23], %swap3A_26 {strides = array<i32>} : memref<1x2048x64xbf16, #tpu.memory_space<vmem>>, vector<1x2048x64xbf16>,
    return
  }
  func.func @transform_0(%arg0: i32, %arg1: i32) -> (i32, i32, i32) {
    %c0_i32 = arith.constant 0 : i32
    %c0_i32_0 = arith.constant 0 : i32
    return %arg0, %arg1, %c0_i32 : i32, i32, i32
  }
  func.func @transform_1(%arg0: i32, %arg1: i32) -> (i32, i32, i32) {
    %c0_i32 = arith.constant 0 : i32
    %c0_i32_0 = arith.constant 0 : i32
    %c0_i32_1 = arith.constant 0 : i32
    return %arg0, %c0_i32, %c0_i32_0 : i32, i32, i32
  }
  func.func @transform_2(%arg0: i32, %arg1: i32) -> (i32, i32, i32) {
    %c0_i32 = arith.constant 0 : i32
    %c0_i32_0 = arith.constant 0 : i32
    %c0_i32_1 = arith.constant 0 : i32
    return %arg0, %c0_i32, %c0_i32_0 : i32, i32, i32
  }
  func.func @transform_3(%arg0: i32, %arg1: i32) -> (i32, i32, i32) {
    %c0_i32 = arith.constant 0 : i32
    %c0_i32_0 = arith.constant 0 : i32
    return %arg0, %arg1, %c0_i32 : i32, i32, i32
  }
}

module attributes {stable_mosaic.version = 14 : i64} {
  func.func @_oproj_body(%arg0: i32, %arg1: memref<256x768xf32, #tpu.memory_space<vmem>>, %arg2: memref<12x256x64xbf16, #tpu.memory_space<vmem>>, %arg3: memref<768x768xbf16, #tpu.memory_space<vmem>>, %arg4: memref<256x768xf32, #tpu.memory_space<vmem>>) attributes {dimension_semantics = [#tpu.dimension_semantics<arbitrary>], iteration_bounds = array<i64: 8>, scalar_prefetch = 0 : i64, scratch_operands = 0 : i64, tpu.core_type = #tpu.core_type<tc>, window_params = [{transform_indices = @transform_0, window_bounds = array<i64: 256, 768>}, {transform_indices = @transform_1, window_bounds = array<i64: 12, 256, 64>}, {pipeline_mode = #tpu.pipeline_mode<synchronous>, transform_indices = @transform_2, window_bounds = array<i64: 768, 768>}, {transform_indices = @transform_3, window_bounds = array<i64: 256, 768>}]} {
    %get3A = arith.constant 0 : index
    %get3A_0 = arith.constant 0 : index
    %get3A_1 = arith.constant 0 : index
    %get3A_2 = vector.load %arg2[%get3A, %get3A_0, %get3A_1] : memref<12x256x64xbf16, #tpu.memory_space<vmem>>, vector<1x256x64xbf16>
    %get3A_3 = vector.shape_cast %get3A_2 : vector<1x256x64xbf16> to vector<256x64xbf16>
    %get3A_4 = arith.constant 1 : index
    %get3A_5 = arith.constant 0 : index
    %get3A_6 = arith.constant 0 : index
    %get3A_7 = vector.load %arg2[%get3A_4, %get3A_5, %get3A_6] : memref<12x256x64xbf16, #tpu.memory_space<vmem>>, vector<1x256x64xbf16>
    %get3A_8 = vector.shape_cast %get3A_7 : vector<1x256x64xbf16> to vector<256x64xbf16>
    %get3A_9 = arith.constant 2 : index
    %get3A_10 = arith.constant 0 : index
    %get3A_11 = arith.constant 0 : index
    %get3A_12 = vector.load %arg2[%get3A_9, %get3A_10, %get3A_11] : memref<12x256x64xbf16, #tpu.memory_space<vmem>>, vector<1x256x64xbf16>
    %get3A_13 = vector.shape_cast %get3A_12 : vector<1x256x64xbf16> to vector<256x64xbf16>
    %get3A_14 = arith.constant 3 : index
    %get3A_15 = arith.constant 0 : index
    %get3A_16 = arith.constant 0 : index
    %get3A_17 = vector.load %arg2[%get3A_14, %get3A_15, %get3A_16] : memref<12x256x64xbf16, #tpu.memory_space<vmem>>, vector<1x256x64xbf16>
    %get3A_18 = vector.shape_cast %get3A_17 : vector<1x256x64xbf16> to vector<256x64xbf16>
    %get3A_19 = arith.constant 4 : index
    %get3A_20 = arith.constant 0 : index
    %get3A_21 = arith.constant 0 : index
    %get3A_22 = vector.load %arg2[%get3A_19, %get3A_20, %get3A_21] : memref<12x256x64xbf16, #tpu.memory_space<vmem>>, vector<1x256x64xbf16>
    %get3A_23 = vector.shape_cast %get3A_22 : vector<1x256x64xbf16> to vector<256x64xbf16>
    %get3A_24 = arith.constant 5 : index
    %get3A_25 = arith.constant 0 : index
    %get3A_26 = arith.constant 0 : index
    %get3A_27 = vector.load %arg2[%get3A_24, %get3A_25, %get3A_26] : memref<12x256x64xbf16, #tpu.memory_space<vmem>>, vector<1x256x64xbf16>
    %get3A_28 = vector.shape_cast %get3A_27 : vector<1x256x64xbf16> to vector<256x64xbf16>
    %get3A_29 = arith.constant 6 : index
    %get3A_30 = arith.constant 0 : index
    %get3A_31 = arith.constant 0 : index
    %get3A_32 = vector.load %arg2[%get3A_29, %get3A_30, %get3A_31] : memref<12x256x64xbf16, #tpu.memory_space<vmem>>, vector<1x256x64xbf16>
    %get3A_33 = vector.shape_cast %get3A_32 : vector<1x256x64xbf16> to vector<256x64xbf16>
    %get3A_34 = arith.constant 7 : index
    %get3A_35 = arith.constant 0 : index
    %get3A_36 = arith.constant 0 : index
    %get3A_37 = vector.load %arg2[%get3A_34, %get3A_35, %get3A_36] : memref<12x256x64xbf16, #tpu.memory_space<vmem>>, vector<1x256x64xbf16>
    %get3A_38 = vector.shape_cast %get3A_37 : vector<1x256x64xbf16> to vector<256x64xbf16>
    %get3A_39 = arith.constant 8 : index
    %get3A_40 = arith.constant 0 : index
    %get3A_41 = arith.constant 0 : index
    %get3A_42 = vector.load %arg2[%get3A_39, %get3A_40, %get3A_41] : memref<12x256x64xbf16, #tpu.memory_space<vmem>>, vector<1x256x64xbf16>
    %get3A_43 = vector.shape_cast %get3A_42 : vector<1x256x64xbf16> to vector<256x64xbf16>
    %get3A_44 = arith.constant 9 : index
    %get3A_45 = arith.constant 0 : index
    %get3A_46 = arith.constant 0 : index
    %get3A_47 = vector.load %arg2[%get3A_44, %get3A_45, %get3A_46] : memref<12x256x64xbf16, #tpu.memory_space<vmem>>, vector<1x256x64xbf16>
    %get3A_48 = vector.shape_cast %get3A_47 : vector<1x256x64xbf16> to vector<256x64xbf16>
    %get3A_49 = arith.constant 10 : index
    %get3A_50 = arith.constant 0 : index
    %get3A_51 = arith.constant 0 : index
    %get3A_52 = vector.load %arg2[%get3A_49, %get3A_50, %get3A_51] : memref<12x256x64xbf16, #tpu.memory_space<vmem>>, vector<1x256x64xbf16>
    %get3A_53 = vector.shape_cast %get3A_52 : vector<1x256x64xbf16> to vector<256x64xbf16>
    %get3A_54 = arith.constant 11 : index
    %get3A_55 = arith.constant 0 : index
    %get3A_56 = arith.constant 0 : index
    %get3A_57 = vector.load %arg2[%get3A_54, %get3A_55, %get3A_56] : memref<12x256x64xbf16, #tpu.memory_space<vmem>>, vector<1x256x64xbf16>
    %get3A_58 = vector.shape_cast %get3A_57 : vector<1x256x64xbf16> to vector<256x64xbf16>
    %concatenate3A = tpu.concatenate %get3A_3, %get3A_8, %get3A_13, %get3A_18, %get3A_23, %get3A_28, %get3A_33, %get3A_38, %get3A_43, %get3A_48, %get3A_53, %get3A_58 in 1 : vector<256x64xbf16>, vector<256x64xbf16>, vector<256x64xbf16>, vector<256x64xbf16>, vector<256x64xbf16>, vector<256x64xbf16>, vector<256x64xbf16>, vector<256x64xbf16>, vector<256x64xbf16>, vector<256x64xbf16>, vector<256x64xbf16>, vector<256x64xbf16> -> vector<256x768xbf16>
    %get3A_59 = arith.constant 0 : index
    %get3A_60 = arith.constant 0 : index
    %get3A_61 = vector.load %arg1[%get3A_59, %get3A_60] : memref<256x768xf32, #tpu.memory_space<vmem>>, vector<256x768xf32>
    %get3A_62 = arith.constant 0 : index
    %get3A_63 = arith.constant 0 : index
    %get3A_64 = vector.load %arg3[%get3A_62, %get3A_63] : memref<768x768xbf16, #tpu.memory_space<vmem>>, vector<768x768xbf16>
    %dot_general3A = arith.constant dense<0.000000e+00> : vector<256x768xf32>
    %dot_general3A_65 = tpu.matmul %concatenate3A, %get3A_64, %dot_general3A {dimension_numbers = #tpu.dot_dimension_numbers<[1], [1], [0], [0], [0, 0, 1, 0], [], []>, transpose_lhs_hint = false} : vector<256x768xbf16>, vector<768x768xbf16>, vector<256x768xf32> -> vector<256x768xf32>
    %add3A = arith.addf %get3A_61, %dot_general3A_65 : vector<256x768xf32>
    %swap3A = arith.constant 0 : index
    %swap3A_66 = arith.constant 0 : index
    %swap3A_67 = vector.load %arg4[%swap3A, %swap3A_66] : memref<256x768xf32, #tpu.memory_space<vmem>>, vector<256x768xf32>
    tpu.vector_store %arg4[%swap3A, %swap3A_66], %add3A {strides = array<i32>} : memref<256x768xf32, #tpu.memory_space<vmem>>, vector<256x768xf32>,
    return
  }
  func.func @transform_0(%arg0: i32) -> (i32, i32) {
    %c0_i32 = arith.constant 0 : i32
    %c0_i32_0 = arith.constant 0 : i32
    return %arg0, %c0_i32 : i32, i32
  }
  func.func @transform_1(%arg0: i32) -> (i32, i32, i32) {
    %c0_i32 = arith.constant 0 : i32
    %c0_i32_0 = arith.constant 0 : i32
    %c0_i32_1 = arith.constant 0 : i32
    return %c0_i32, %arg0, %c0_i32_0 : i32, i32, i32
  }
  func.func @transform_2(%arg0: i32) -> (i32, i32) {
    %c0_i32 = arith.constant 0 : i32
    %c0_i32_0 = arith.constant 0 : i32
    %c0_i32_1 = arith.constant 0 : i32
    return %c0_i32, %c0_i32_0 : i32, i32
  }
  func.func @transform_3(%arg0: i32) -> (i32, i32) {
    %c0_i32 = arith.constant 0 : i32
    %c0_i32_0 = arith.constant 0 : i32
    return %arg0, %c0_i32 : i32, i32
  }
}

module attributes {stable_mosaic.version = 14 : i64} {
  func.func @_qkv_body(%arg0: i32, %arg1: memref<256x768xf32, #tpu.memory_space<vmem>>, %arg2: memref<1x768xf32, #tpu.memory_space<vmem>>, %arg3: memref<768x768xf32, #tpu.memory_space<vmem>>, %arg4: memref<768x768xf32, #tpu.memory_space<vmem>>, %arg5: memref<768x768xf32, #tpu.memory_space<vmem>>, %arg6: memref<12x256x64xbf16, #tpu.memory_space<vmem>>, %arg7: memref<12x256x64xbf16, #tpu.memory_space<vmem>>, %arg8: memref<12x256x128xbf16, #tpu.memory_space<vmem>>, %arg9: memref<768x768xbf16, #tpu.memory_space<vmem>>, %arg10: memref<768x768xbf16, #tpu.memory_space<vmem>>, %arg11: memref<768x768xbf16, #tpu.memory_space<vmem>>) attributes {dimension_semantics = [#tpu.dimension_semantics<arbitrary>], iteration_bounds = array<i64: 8>, scalar_prefetch = 0 : i64, scratch_operands = 3 : i64, tpu.core_type = #tpu.core_type<tc>, window_params = [{transform_indices = @transform_0, window_bounds = array<i64: 256, 768>}, {pipeline_mode = #tpu.pipeline_mode<synchronous>, transform_indices = @transform_1, window_bounds = array<i64: 1, 768>}, {pipeline_mode = #tpu.pipeline_mode<synchronous>, transform_indices = @transform_2, window_bounds = array<i64: 768, 768>}, {pipeline_mode = #tpu.pipeline_mode<synchronous>, transform_indices = @transform_3, window_bounds = array<i64: 768, 768>}, {pipeline_mode = #tpu.pipeline_mode<synchronous>, transform_indices = @transform_4, window_bounds = array<i64: 768, 768>}, {transform_indices = @transform_5, window_bounds = array<i64: 12, 256, 64>}, {transform_indices = @transform_6, window_bounds = array<i64: 12, 256, 64>}, {transform_indices = @transform_7, window_bounds = array<i64: 12, 256, 128>}]} {
    %eq3A = arith.constant 0 : i32
    %eq3A_0 = arith.cmpi eq, %arg0, %eq3A : i32
    %convert_element_type3A = arith.extui %eq3A_0 : i1 to i32
    %cond3A = arith.constant 0 : i32
    %cond3A_1 = arith.cmpi ne, %convert_element_type3A, %cond3A : i32
    scf.if %cond3A_1 {
      %get3A_361 = arith.constant 0 : index
      %get3A_362 = arith.constant 0 : index
      %get3A_363 = vector.load %arg3[%get3A_361, %get3A_362] : memref<768x768xf32, #tpu.memory_space<vmem>>, vector<768x768xf32>
      %convert_element_type3A_364 = arith.truncf %get3A_363 : vector<768x768xf32> to vector<768x768xbf16>
      %swap3A_365 = arith.constant 0 : index
      %swap3A_366 = arith.constant 0 : index
      %swap3A_367 = vector.load %arg9[%swap3A_365, %swap3A_366] : memref<768x768xbf16, #tpu.memory_space<vmem>>, vector<768x768xbf16>
      tpu.vector_store %arg9[%swap3A_365, %swap3A_366], %convert_element_type3A_364 {strides = array<i32>} : memref<768x768xbf16, #tpu.memory_space<vmem>>, vector<768x768xbf16>,
      %get3A_368 = arith.constant 0 : index
      %get3A_369 = arith.constant 0 : index
      %get3A_370 = vector.load %arg4[%get3A_368, %get3A_369] : memref<768x768xf32, #tpu.memory_space<vmem>>, vector<768x768xf32>
      %convert_element_type3A_371 = arith.truncf %get3A_370 : vector<768x768xf32> to vector<768x768xbf16>
      %swap3A_372 = arith.constant 0 : index
      %swap3A_373 = arith.constant 0 : index
      %swap3A_374 = vector.load %arg10[%swap3A_372, %swap3A_373] : memref<768x768xbf16, #tpu.memory_space<vmem>>, vector<768x768xbf16>
      tpu.vector_store %arg10[%swap3A_372, %swap3A_373], %convert_element_type3A_371 {strides = array<i32>} : memref<768x768xbf16, #tpu.memory_space<vmem>>, vector<768x768xbf16>,
      %get3A_375 = arith.constant 0 : index
      %get3A_376 = arith.constant 0 : index
      %get3A_377 = vector.load %arg5[%get3A_375, %get3A_376] : memref<768x768xf32, #tpu.memory_space<vmem>>, vector<768x768xf32>
      %convert_element_type3A_378 = arith.truncf %get3A_377 : vector<768x768xf32> to vector<768x768xbf16>
      %swap3A_379 = arith.constant 0 : index
      %swap3A_380 = arith.constant 0 : index
      %swap3A_381 = vector.load %arg11[%swap3A_379, %swap3A_380] : memref<768x768xbf16, #tpu.memory_space<vmem>>, vector<768x768xbf16>
      tpu.vector_store %arg11[%swap3A_379, %swap3A_380], %convert_element_type3A_378 {strides = array<i32>} : memref<768x768xbf16, #tpu.memory_space<vmem>>, vector<768x768xbf16>,
    } else {
    }
    %get3A = arith.constant 0 : index
    %get3A_2 = arith.constant 0 : index
    %get3A_3 = vector.load %arg1[%get3A, %get3A_2] : memref<256x768xf32, #tpu.memory_space<vmem>>, vector<256x768xf32>
    %get3A_4 = arith.constant 0 : index
    %get3A_5 = arith.constant 0 : index
    %get3A_6 = vector.load %arg2[%get3A_4, %get3A_5] : memref<1x768xf32, #tpu.memory_space<vmem>>, vector<1x768xf32>
    %mul3A = arith.mulf %get3A_3, %get3A_3 : vector<256x768xf32>
    %reduce_sum3A = arith.constant dense<0.000000e+00> : vector<256xf32>
    %reduce_sum3A_7 = vector.multi_reduction <add>, %mul3A, %reduce_sum3A [1] : vector<256x768xf32> to vector<256xf32>
    %broadcast_in_dim3A = vector.shape_cast %reduce_sum3A_7 : vector<256xf32> to vector<256x1xf32>
    %div3A = arith.constant 7.680000e+02 : f32
    %div3A_8 = vector.broadcast %div3A : f32 to vector<256x1xf32>
    %div3A_9 = arith.divf %broadcast_in_dim3A, %div3A_8 : vector<256x1xf32>
    %add3A = arith.constant 9.99999997E-7 : f32
    %add3A_10 = vector.broadcast %add3A : f32 to vector<256x1xf32>
    %add3A_11 = arith.addf %div3A_9, %add3A_10 : vector<256x1xf32>
    %rsqrt3A = math.rsqrt %add3A_11 : vector<256x1xf32>
    %mul3A_12 = vector.broadcast %rsqrt3A : vector<256x1xf32> to vector<256x768xf32>
    %mul3A_13 = arith.mulf %get3A_3, %mul3A_12 : vector<256x768xf32>
    %mul3A_14 = vector.broadcast %get3A_6 : vector<1x768xf32> to vector<256x768xf32>
    %mul3A_15 = arith.mulf %mul3A_13, %mul3A_14 : vector<256x768xf32>
    %convert_element_type3A_16 = arith.truncf %mul3A_15 : vector<256x768xf32> to vector<256x768xbf16>
    %get3A_17 = arith.constant 0 : index
    %get3A_18 = arith.constant 0 : index
    %get3A_19 = vector.load %arg9[%get3A_17, %get3A_18] : memref<768x768xbf16, #tpu.memory_space<vmem>>, vector<768x768xbf16>
    %dot_general3A = arith.constant dense<0.000000e+00> : vector<256x768xf32>
    %dot_general3A_20 = tpu.matmul %convert_element_type3A_16, %get3A_19, %dot_general3A {dimension_numbers = #tpu.dot_dimension_numbers<[1], [1], [0], [0], [0, 0, 1, 0], [], []>, transpose_lhs_hint = false} : vector<256x768xbf16>, vector<768x768xbf16>, vector<256x768xf32> -> vector<256x768xf32>
    %mul3A_21 = arith.constant 1.250000e-01 : f32
    %mul3A_22 = vector.broadcast %mul3A_21 : f32 to vector<256x768xf32>
    %mul3A_23 = arith.mulf %dot_general3A_20, %mul3A_22 : vector<256x768xf32>
    %convert_element_type3A_24 = arith.truncf %mul3A_23 : vector<256x768xf32> to vector<256x768xbf16>
    %get3A_25 = arith.constant 0 : index
    %get3A_26 = arith.constant 0 : index
    %get3A_27 = vector.load %arg10[%get3A_25, %get3A_26] : memref<768x768xbf16, #tpu.memory_space<vmem>>, vector<768x768xbf16>
    %dot_general3A_28 = arith.constant dense<0.000000e+00> : vector<256x768xf32>
    %dot_general3A_29 = tpu.matmul %convert_element_type3A_16, %get3A_27, %dot_general3A_28 {dimension_numbers = #tpu.dot_dimension_numbers<[1], [1], [0], [0], [0, 0, 1, 0], [], []>, transpose_lhs_hint = false} : vector<256x768xbf16>, vector<768x768xbf16>, vector<256x768xf32> -> vector<256x768xf32>
    %convert_element_type3A_30 = arith.truncf %dot_general3A_29 : vector<256x768xf32> to vector<256x768xbf16>
    %get3A_31 = arith.constant 0 : index
    %get3A_32 = arith.constant 0 : index
    %get3A_33 = vector.load %arg11[%get3A_31, %get3A_32] : memref<768x768xbf16, #tpu.memory_space<vmem>>, vector<768x768xbf16>
    %dot_general3A_34 = arith.constant dense<0.000000e+00> : vector<256x768xf32>
    %dot_general3A_35 = tpu.matmul %convert_element_type3A_16, %get3A_33, %dot_general3A_34 {dimension_numbers = #tpu.dot_dimension_numbers<[1], [1], [0], [0], [0, 0, 1, 0], [], []>, transpose_lhs_hint = false} : vector<256x768xbf16>, vector<768x768xbf16>, vector<256x768xf32> -> vector<256x768xf32>
    %convert_element_type3A_36 = arith.truncf %dot_general3A_35 : vector<256x768xf32> to vector<256x768xbf16>
    %broadcast_in_dim3A_37 = arith.constant 1.000000e+00 : bf16
    %broadcast_in_dim3A_38 = vector.broadcast %broadcast_in_dim3A_37 : bf16 to vector<256x64xbf16>
    %slice3A = vector.extract_strided_slice %convert_element_type3A_24 {offsets = [0, 0], sizes = [256, 64], strides = [1, 1]} : vector<256x768xbf16> to vector<256x64xbf16>
    %swap3A = arith.constant 0 : index
    %swap3A_39 = arith.constant 0 : index
    %swap3A_40 = arith.constant 0 : index
    %swap3A_41 = vector.load %arg6[%swap3A, %swap3A_39, %swap3A_40] : memref<12x256x64xbf16, #tpu.memory_space<vmem>>, vector<1x256x64xbf16>
    %swap3A_42 = vector.shape_cast %swap3A_41 : vector<1x256x64xbf16> to vector<256x64xbf16>
    %swap3A_43 = vector.shape_cast %slice3A : vector<256x64xbf16> to vector<1x256x64xbf16>
    tpu.vector_store %arg6[%swap3A, %swap3A_39, %swap3A_40], %swap3A_43 {strides = array<i32>} : memref<12x256x64xbf16, #tpu.memory_space<vmem>>, vector<1x256x64xbf16>,
    %slice3A_44 = vector.extract_strided_slice %convert_element_type3A_30 {offsets = [0, 0], sizes = [256, 64], strides = [1, 1]} : vector<256x768xbf16> to vector<256x64xbf16>
    %swap3A_45 = arith.constant 0 : index
    %swap3A_46 = arith.constant 0 : index
    %swap3A_47 = arith.constant 0 : index
    %swap3A_48 = vector.load %arg7[%swap3A_45, %swap3A_46, %swap3A_47] : memref<12x256x64xbf16, #tpu.memory_space<vmem>>, vector<1x256x64xbf16>
    %swap3A_49 = vector.shape_cast %swap3A_48 : vector<1x256x64xbf16> to vector<256x64xbf16>
    %swap3A_50 = vector.shape_cast %slice3A_44 : vector<256x64xbf16> to vector<1x256x64xbf16>
    tpu.vector_store %arg7[%swap3A_45, %swap3A_46, %swap3A_47], %swap3A_50 {strides = array<i32>} : memref<12x256x64xbf16, #tpu.memory_space<vmem>>, vector<1x256x64xbf16>,
    %slice3A_51 = vector.extract_strided_slice %convert_element_type3A_36 {offsets = [0, 0], sizes = [256, 64], strides = [1, 1]} : vector<256x768xbf16> to vector<256x64xbf16>
    %swap3A_52 = arith.constant 0 : index
    %swap3A_53 = arith.constant 0 : index
    %swap3A_54 = arith.constant 0 : index
    %swap3A_55 = vector.load %arg8[%swap3A_52, %swap3A_53, %swap3A_54] : memref<12x256x128xbf16, #tpu.memory_space<vmem>>, vector<1x256x64xbf16>
    %swap3A_56 = vector.shape_cast %swap3A_55 : vector<1x256x64xbf16> to vector<256x64xbf16>
    %swap3A_57 = vector.shape_cast %slice3A_51 : vector<256x64xbf16> to vector<1x256x64xbf16>
    tpu.vector_store %arg8[%swap3A_52, %swap3A_53, %swap3A_54], %swap3A_57 {strides = array<i32>} : memref<12x256x128xbf16, #tpu.memory_space<vmem>>, vector<1x256x64xbf16>,
    %swap3A_58 = arith.constant 0 : index
    %swap3A_59 = arith.constant 0 : index
    %swap3A_60 = arith.constant 64 : index
    %swap3A_61 = vector.load %arg8[%swap3A_58, %swap3A_59, %swap3A_60] : memref<12x256x128xbf16, #tpu.memory_space<vmem>>, vector<1x256x64xbf16>
    %swap3A_62 = vector.shape_cast %swap3A_61 : vector<1x256x64xbf16> to vector<256x64xbf16>
    %swap3A_63 = vector.shape_cast %broadcast_in_dim3A_38 : vector<256x64xbf16> to vector<1x256x64xbf16>
    tpu.vector_store %arg8[%swap3A_58, %swap3A_59, %swap3A_60], %swap3A_63 {strides = array<i32>} : memref<12x256x128xbf16, #tpu.memory_space<vmem>>, vector<1x256x64xbf16>,
    %slice3A_64 = vector.extract_strided_slice %convert_element_type3A_24 {offsets = [0, 64], sizes = [256, 64], strides = [1, 1]} : vector<256x768xbf16> to vector<256x64xbf16>
    %swap3A_65 = arith.constant 1 : index
    %swap3A_66 = arith.constant 0 : index
    %swap3A_67 = arith.constant 0 : index
    %swap3A_68 = vector.load %arg6[%swap3A_65, %swap3A_66, %swap3A_67] : memref<12x256x64xbf16, #tpu.memory_space<vmem>>, vector<1x256x64xbf16>
    %swap3A_69 = vector.shape_cast %swap3A_68 : vector<1x256x64xbf16> to vector<256x64xbf16>
    %swap3A_70 = vector.shape_cast %slice3A_64 : vector<256x64xbf16> to vector<1x256x64xbf16>
    tpu.vector_store %arg6[%swap3A_65, %swap3A_66, %swap3A_67], %swap3A_70 {strides = array<i32>} : memref<12x256x64xbf16, #tpu.memory_space<vmem>>, vector<1x256x64xbf16>,
    %slice3A_71 = vector.extract_strided_slice %convert_element_type3A_30 {offsets = [0, 64], sizes = [256, 64], strides = [1, 1]} : vector<256x768xbf16> to vector<256x64xbf16>
    %swap3A_72 = arith.constant 1 : index
    %swap3A_73 = arith.constant 0 : index
    %swap3A_74 = arith.constant 0 : index
    %swap3A_75 = vector.load %arg7[%swap3A_72, %swap3A_73, %swap3A_74] : memref<12x256x64xbf16, #tpu.memory_space<vmem>>, vector<1x256x64xbf16>
    %swap3A_76 = vector.shape_cast %swap3A_75 : vector<1x256x64xbf16> to vector<256x64xbf16>
    %swap3A_77 = vector.shape_cast %slice3A_71 : vector<256x64xbf16> to vector<1x256x64xbf16>
    tpu.vector_store %arg7[%swap3A_72, %swap3A_73, %swap3A_74], %swap3A_77 {strides = array<i32>} : memref<12x256x64xbf16, #tpu.memory_space<vmem>>, vector<1x256x64xbf16>,
    %slice3A_78 = vector.extract_strided_slice %convert_element_type3A_36 {offsets = [0, 64], sizes = [256, 64], strides = [1, 1]} : vector<256x768xbf16> to vector<256x64xbf16>
    %swap3A_79 = arith.constant 1 : index
    %swap3A_80 = arith.constant 0 : index
    %swap3A_81 = arith.constant 0 : index
    %swap3A_82 = vector.load %arg8[%swap3A_79, %swap3A_80, %swap3A_81] : memref<12x256x128xbf16, #tpu.memory_space<vmem>>, vector<1x256x64xbf16>
    %swap3A_83 = vector.shape_cast %swap3A_82 : vector<1x256x64xbf16> to vector<256x64xbf16>
    %swap3A_84 = vector.shape_cast %slice3A_78 : vector<256x64xbf16> to vector<1x256x64xbf16>
    tpu.vector_store %arg8[%swap3A_79, %swap3A_80, %swap3A_81], %swap3A_84 {strides = array<i32>} : memref<12x256x128xbf16, #tpu.memory_space<vmem>>, vector<1x256x64xbf16>,
    %swap3A_85 = arith.constant 1 : index
    %swap3A_86 = arith.constant 0 : index
    %swap3A_87 = arith.constant 64 : index
    %swap3A_88 = vector.load %arg8[%swap3A_85, %swap3A_86, %swap3A_87] : memref<12x256x128xbf16, #tpu.memory_space<vmem>>, vector<1x256x64xbf16>
    %swap3A_89 = vector.shape_cast %swap3A_88 : vector<1x256x64xbf16> to vector<256x64xbf16>
    %swap3A_90 = vector.shape_cast %broadcast_in_dim3A_38 : vector<256x64xbf16> to vector<1x256x64xbf16>
    tpu.vector_store %arg8[%swap3A_85, %swap3A_86, %swap3A_87], %swap3A_90 {strides = array<i32>} : memref<12x256x128xbf16, #tpu.memory_space<vmem>>, vector<1x256x64xbf16>,
    %slice3A_91 = vector.extract_strided_slice %convert_element_type3A_24 {offsets = [0, 128], sizes = [256, 64], strides = [1, 1]} : vector<256x768xbf16> to vector<256x64xbf16>
    %swap3A_92 = arith.constant 2 : index
    %swap3A_93 = arith.constant 0 : index
    %swap3A_94 = arith.constant 0 : index
    %swap3A_95 = vector.load %arg6[%swap3A_92, %swap3A_93, %swap3A_94] : memref<12x256x64xbf16, #tpu.memory_space<vmem>>, vector<1x256x64xbf16>
    %swap3A_96 = vector.shape_cast %swap3A_95 : vector<1x256x64xbf16> to vector<256x64xbf16>
    %swap3A_97 = vector.shape_cast %slice3A_91 : vector<256x64xbf16> to vector<1x256x64xbf16>
    tpu.vector_store %arg6[%swap3A_92, %swap3A_93, %swap3A_94], %swap3A_97 {strides = array<i32>} : memref<12x256x64xbf16, #tpu.memory_space<vmem>>, vector<1x256x64xbf16>,
    %slice3A_98 = vector.extract_strided_slice %convert_element_type3A_30 {offsets = [0, 128], sizes = [256, 64], strides = [1, 1]} : vector<256x768xbf16> to vector<256x64xbf16>
    %swap3A_99 = arith.constant 2 : index
    %swap3A_100 = arith.constant 0 : index
    %swap3A_101 = arith.constant 0 : index
    %swap3A_102 = vector.load %arg7[%swap3A_99, %swap3A_100, %swap3A_101] : memref<12x256x64xbf16, #tpu.memory_space<vmem>>, vector<1x256x64xbf16>
    %swap3A_103 = vector.shape_cast %swap3A_102 : vector<1x256x64xbf16> to vector<256x64xbf16>
    %swap3A_104 = vector.shape_cast %slice3A_98 : vector<256x64xbf16> to vector<1x256x64xbf16>
    tpu.vector_store %arg7[%swap3A_99, %swap3A_100, %swap3A_101], %swap3A_104 {strides = array<i32>} : memref<12x256x64xbf16, #tpu.memory_space<vmem>>, vector<1x256x64xbf16>,
    %slice3A_105 = vector.extract_strided_slice %convert_element_type3A_36 {offsets = [0, 128], sizes = [256, 64], strides = [1, 1]} : vector<256x768xbf16> to vector<256x64xbf16>
    %swap3A_106 = arith.constant 2 : index
    %swap3A_107 = arith.constant 0 : index
    %swap3A_108 = arith.constant 0 : index
    %swap3A_109 = vector.load %arg8[%swap3A_106, %swap3A_107, %swap3A_108] : memref<12x256x128xbf16, #tpu.memory_space<vmem>>, vector<1x256x64xbf16>
    %swap3A_110 = vector.shape_cast %swap3A_109 : vector<1x256x64xbf16> to vector<256x64xbf16>
    %swap3A_111 = vector.shape_cast %slice3A_105 : vector<256x64xbf16> to vector<1x256x64xbf16>
    tpu.vector_store %arg8[%swap3A_106, %swap3A_107, %swap3A_108], %swap3A_111 {strides = array<i32>} : memref<12x256x128xbf16, #tpu.memory_space<vmem>>, vector<1x256x64xbf16>,
    %swap3A_112 = arith.constant 2 : index
    %swap3A_113 = arith.constant 0 : index
    %swap3A_114 = arith.constant 64 : index
    %swap3A_115 = vector.load %arg8[%swap3A_112, %swap3A_113, %swap3A_114] : memref<12x256x128xbf16, #tpu.memory_space<vmem>>, vector<1x256x64xbf16>
    %swap3A_116 = vector.shape_cast %swap3A_115 : vector<1x256x64xbf16> to vector<256x64xbf16>
    %swap3A_117 = vector.shape_cast %broadcast_in_dim3A_38 : vector<256x64xbf16> to vector<1x256x64xbf16>
    tpu.vector_store %arg8[%swap3A_112, %swap3A_113, %swap3A_114], %swap3A_117 {strides = array<i32>} : memref<12x256x128xbf16, #tpu.memory_space<vmem>>, vector<1x256x64xbf16>,
    %slice3A_118 = vector.extract_strided_slice %convert_element_type3A_24 {offsets = [0, 192], sizes = [256, 64], strides = [1, 1]} : vector<256x768xbf16> to vector<256x64xbf16>
    %swap3A_119 = arith.constant 3 : index
    %swap3A_120 = arith.constant 0 : index
    %swap3A_121 = arith.constant 0 : index
    %swap3A_122 = vector.load %arg6[%swap3A_119, %swap3A_120, %swap3A_121] : memref<12x256x64xbf16, #tpu.memory_space<vmem>>, vector<1x256x64xbf16>
    %swap3A_123 = vector.shape_cast %swap3A_122 : vector<1x256x64xbf16> to vector<256x64xbf16>
    %swap3A_124 = vector.shape_cast %slice3A_118 : vector<256x64xbf16> to vector<1x256x64xbf16>
    tpu.vector_store %arg6[%swap3A_119, %swap3A_120, %swap3A_121], %swap3A_124 {strides = array<i32>} : memref<12x256x64xbf16, #tpu.memory_space<vmem>>, vector<1x256x64xbf16>,
    %slice3A_125 = vector.extract_strided_slice %convert_element_type3A_30 {offsets = [0, 192], sizes = [256, 64], strides = [1, 1]} : vector<256x768xbf16> to vector<256x64xbf16>
    %swap3A_126 = arith.constant 3 : index
    %swap3A_127 = arith.constant 0 : index
    %swap3A_128 = arith.constant 0 : index
    %swap3A_129 = vector.load %arg7[%swap3A_126, %swap3A_127, %swap3A_128] : memref<12x256x64xbf16, #tpu.memory_space<vmem>>, vector<1x256x64xbf16>
    %swap3A_130 = vector.shape_cast %swap3A_129 : vector<1x256x64xbf16> to vector<256x64xbf16>
    %swap3A_131 = vector.shape_cast %slice3A_125 : vector<256x64xbf16> to vector<1x256x64xbf16>
    tpu.vector_store %arg7[%swap3A_126, %swap3A_127, %swap3A_128], %swap3A_131 {strides = array<i32>} : memref<12x256x64xbf16, #tpu.memory_space<vmem>>, vector<1x256x64xbf16>,
    %slice3A_132 = vector.extract_strided_slice %convert_element_type3A_36 {offsets = [0, 192], sizes = [256, 64], strides = [1, 1]} : vector<256x768xbf16> to vector<256x64xbf16>
    %swap3A_133 = arith.constant 3 : index
    %swap3A_134 = arith.constant 0 : index
    %swap3A_135 = arith.constant 0 : index
    %swap3A_136 = vector.load %arg8[%swap3A_133, %swap3A_134, %swap3A_135] : memref<12x256x128xbf16, #tpu.memory_space<vmem>>, vector<1x256x64xbf16>
    %swap3A_137 = vector.shape_cast %swap3A_136 : vector<1x256x64xbf16> to vector<256x64xbf16>
    %swap3A_138 = vector.shape_cast %slice3A_132 : vector<256x64xbf16> to vector<1x256x64xbf16>
    tpu.vector_store %arg8[%swap3A_133, %swap3A_134, %swap3A_135], %swap3A_138 {strides = array<i32>} : memref<12x256x128xbf16, #tpu.memory_space<vmem>>, vector<1x256x64xbf16>,
    %swap3A_139 = arith.constant 3 : index
    %swap3A_140 = arith.constant 0 : index
    %swap3A_141 = arith.constant 64 : index
    %swap3A_142 = vector.load %arg8[%swap3A_139, %swap3A_140, %swap3A_141] : memref<12x256x128xbf16, #tpu.memory_space<vmem>>, vector<1x256x64xbf16>
    %swap3A_143 = vector.shape_cast %swap3A_142 : vector<1x256x64xbf16> to vector<256x64xbf16>
    %swap3A_144 = vector.shape_cast %broadcast_in_dim3A_38 : vector<256x64xbf16> to vector<1x256x64xbf16>
    tpu.vector_store %arg8[%swap3A_139, %swap3A_140, %swap3A_141], %swap3A_144 {strides = array<i32>} : memref<12x256x128xbf16, #tpu.memory_space<vmem>>, vector<1x256x64xbf16>,
    %slice3A_145 = vector.extract_strided_slice %convert_element_type3A_24 {offsets = [0, 256], sizes = [256, 64], strides = [1, 1]} : vector<256x768xbf16> to vector<256x64xbf16>
    %swap3A_146 = arith.constant 4 : index
    %swap3A_147 = arith.constant 0 : index
    %swap3A_148 = arith.constant 0 : index
    %swap3A_149 = vector.load %arg6[%swap3A_146, %swap3A_147, %swap3A_148] : memref<12x256x64xbf16, #tpu.memory_space<vmem>>, vector<1x256x64xbf16>
    %swap3A_150 = vector.shape_cast %swap3A_149 : vector<1x256x64xbf16> to vector<256x64xbf16>
    %swap3A_151 = vector.shape_cast %slice3A_145 : vector<256x64xbf16> to vector<1x256x64xbf16>
    tpu.vector_store %arg6[%swap3A_146, %swap3A_147, %swap3A_148], %swap3A_151 {strides = array<i32>} : memref<12x256x64xbf16, #tpu.memory_space<vmem>>, vector<1x256x64xbf16>,
    %slice3A_152 = vector.extract_strided_slice %convert_element_type3A_30 {offsets = [0, 256], sizes = [256, 64], strides = [1, 1]} : vector<256x768xbf16> to vector<256x64xbf16>
    %swap3A_153 = arith.constant 4 : index
    %swap3A_154 = arith.constant 0 : index
    %swap3A_155 = arith.constant 0 : index
    %swap3A_156 = vector.load %arg7[%swap3A_153, %swap3A_154, %swap3A_155] : memref<12x256x64xbf16, #tpu.memory_space<vmem>>, vector<1x256x64xbf16>
    %swap3A_157 = vector.shape_cast %swap3A_156 : vector<1x256x64xbf16> to vector<256x64xbf16>
    %swap3A_158 = vector.shape_cast %slice3A_152 : vector<256x64xbf16> to vector<1x256x64xbf16>
    tpu.vector_store %arg7[%swap3A_153, %swap3A_154, %swap3A_155], %swap3A_158 {strides = array<i32>} : memref<12x256x64xbf16, #tpu.memory_space<vmem>>, vector<1x256x64xbf16>,
    %slice3A_159 = vector.extract_strided_slice %convert_element_type3A_36 {offsets = [0, 256], sizes = [256, 64], strides = [1, 1]} : vector<256x768xbf16> to vector<256x64xbf16>
    %swap3A_160 = arith.constant 4 : index
    %swap3A_161 = arith.constant 0 : index
    %swap3A_162 = arith.constant 0 : index
    %swap3A_163 = vector.load %arg8[%swap3A_160, %swap3A_161, %swap3A_162] : memref<12x256x128xbf16, #tpu.memory_space<vmem>>, vector<1x256x64xbf16>
    %swap3A_164 = vector.shape_cast %swap3A_163 : vector<1x256x64xbf16> to vector<256x64xbf16>
    %swap3A_165 = vector.shape_cast %slice3A_159 : vector<256x64xbf16> to vector<1x256x64xbf16>
    tpu.vector_store %arg8[%swap3A_160, %swap3A_161, %swap3A_162], %swap3A_165 {strides = array<i32>} : memref<12x256x128xbf16, #tpu.memory_space<vmem>>, vector<1x256x64xbf16>,
    %swap3A_166 = arith.constant 4 : index
    %swap3A_167 = arith.constant 0 : index
    %swap3A_168 = arith.constant 64 : index
    %swap3A_169 = vector.load %arg8[%swap3A_166, %swap3A_167, %swap3A_168] : memref<12x256x128xbf16, #tpu.memory_space<vmem>>, vector<1x256x64xbf16>
    %swap3A_170 = vector.shape_cast %swap3A_169 : vector<1x256x64xbf16> to vector<256x64xbf16>
    %swap3A_171 = vector.shape_cast %broadcast_in_dim3A_38 : vector<256x64xbf16> to vector<1x256x64xbf16>
    tpu.vector_store %arg8[%swap3A_166, %swap3A_167, %swap3A_168], %swap3A_171 {strides = array<i32>} : memref<12x256x128xbf16, #tpu.memory_space<vmem>>, vector<1x256x64xbf16>,
    %slice3A_172 = vector.extract_strided_slice %convert_element_type3A_24 {offsets = [0, 320], sizes = [256, 64], strides = [1, 1]} : vector<256x768xbf16> to vector<256x64xbf16>
    %swap3A_173 = arith.constant 5 : index
    %swap3A_174 = arith.constant 0 : index
    %swap3A_175 = arith.constant 0 : index
    %swap3A_176 = vector.load %arg6[%swap3A_173, %swap3A_174, %swap3A_175] : memref<12x256x64xbf16, #tpu.memory_space<vmem>>, vector<1x256x64xbf16>
    %swap3A_177 = vector.shape_cast %swap3A_176 : vector<1x256x64xbf16> to vector<256x64xbf16>
    %swap3A_178 = vector.shape_cast %slice3A_172 : vector<256x64xbf16> to vector<1x256x64xbf16>
    tpu.vector_store %arg6[%swap3A_173, %swap3A_174, %swap3A_175], %swap3A_178 {strides = array<i32>} : memref<12x256x64xbf16, #tpu.memory_space<vmem>>, vector<1x256x64xbf16>,
    %slice3A_179 = vector.extract_strided_slice %convert_element_type3A_30 {offsets = [0, 320], sizes = [256, 64], strides = [1, 1]} : vector<256x768xbf16> to vector<256x64xbf16>
    %swap3A_180 = arith.constant 5 : index
    %swap3A_181 = arith.constant 0 : index
    %swap3A_182 = arith.constant 0 : index
    %swap3A_183 = vector.load %arg7[%swap3A_180, %swap3A_181, %swap3A_182] : memref<12x256x64xbf16, #tpu.memory_space<vmem>>, vector<1x256x64xbf16>
    %swap3A_184 = vector.shape_cast %swap3A_183 : vector<1x256x64xbf16> to vector<256x64xbf16>
    %swap3A_185 = vector.shape_cast %slice3A_179 : vector<256x64xbf16> to vector<1x256x64xbf16>
    tpu.vector_store %arg7[%swap3A_180, %swap3A_181, %swap3A_182], %swap3A_185 {strides = array<i32>} : memref<12x256x64xbf16, #tpu.memory_space<vmem>>, vector<1x256x64xbf16>,
    %slice3A_186 = vector.extract_strided_slice %convert_element_type3A_36 {offsets = [0, 320], sizes = [256, 64], strides = [1, 1]} : vector<256x768xbf16> to vector<256x64xbf16>
    %swap3A_187 = arith.constant 5 : index
    %swap3A_188 = arith.constant 0 : index
    %swap3A_189 = arith.constant 0 : index
    %swap3A_190 = vector.load %arg8[%swap3A_187, %swap3A_188, %swap3A_189] : memref<12x256x128xbf16, #tpu.memory_space<vmem>>, vector<1x256x64xbf16>
    %swap3A_191 = vector.shape_cast %swap3A_190 : vector<1x256x64xbf16> to vector<256x64xbf16>
    %swap3A_192 = vector.shape_cast %slice3A_186 : vector<256x64xbf16> to vector<1x256x64xbf16>
    tpu.vector_store %arg8[%swap3A_187, %swap3A_188, %swap3A_189], %swap3A_192 {strides = array<i32>} : memref<12x256x128xbf16, #tpu.memory_space<vmem>>, vector<1x256x64xbf16>,
    %swap3A_193 = arith.constant 5 : index
    %swap3A_194 = arith.constant 0 : index
    %swap3A_195 = arith.constant 64 : index
    %swap3A_196 = vector.load %arg8[%swap3A_193, %swap3A_194, %swap3A_195] : memref<12x256x128xbf16, #tpu.memory_space<vmem>>, vector<1x256x64xbf16>
    %swap3A_197 = vector.shape_cast %swap3A_196 : vector<1x256x64xbf16> to vector<256x64xbf16>
    %swap3A_198 = vector.shape_cast %broadcast_in_dim3A_38 : vector<256x64xbf16> to vector<1x256x64xbf16>
    tpu.vector_store %arg8[%swap3A_193, %swap3A_194, %swap3A_195], %swap3A_198 {strides = array<i32>} : memref<12x256x128xbf16, #tpu.memory_space<vmem>>, vector<1x256x64xbf16>,
    %slice3A_199 = vector.extract_strided_slice %convert_element_type3A_24 {offsets = [0, 384], sizes = [256, 64], strides = [1, 1]} : vector<256x768xbf16> to vector<256x64xbf16>
    %swap3A_200 = arith.constant 6 : index
    %swap3A_201 = arith.constant 0 : index
    %swap3A_202 = arith.constant 0 : index
    %swap3A_203 = vector.load %arg6[%swap3A_200, %swap3A_201, %swap3A_202] : memref<12x256x64xbf16, #tpu.memory_space<vmem>>, vector<1x256x64xbf16>
    %swap3A_204 = vector.shape_cast %swap3A_203 : vector<1x256x64xbf16> to vector<256x64xbf16>
    %swap3A_205 = vector.shape_cast %slice3A_199 : vector<256x64xbf16> to vector<1x256x64xbf16>
    tpu.vector_store %arg6[%swap3A_200, %swap3A_201, %swap3A_202], %swap3A_205 {strides = array<i32>} : memref<12x256x64xbf16, #tpu.memory_space<vmem>>, vector<1x256x64xbf16>,
    %slice3A_206 = vector.extract_strided_slice %convert_element_type3A_30 {offsets = [0, 384], sizes = [256, 64], strides = [1, 1]} : vector<256x768xbf16> to vector<256x64xbf16>
    %swap3A_207 = arith.constant 6 : index
    %swap3A_208 = arith.constant 0 : index
    %swap3A_209 = arith.constant 0 : index
    %swap3A_210 = vector.load %arg7[%swap3A_207, %swap3A_208, %swap3A_209] : memref<12x256x64xbf16, #tpu.memory_space<vmem>>, vector<1x256x64xbf16>
    %swap3A_211 = vector.shape_cast %swap3A_210 : vector<1x256x64xbf16> to vector<256x64xbf16>
    %swap3A_212 = vector.shape_cast %slice3A_206 : vector<256x64xbf16> to vector<1x256x64xbf16>
    tpu.vector_store %arg7[%swap3A_207, %swap3A_208, %swap3A_209], %swap3A_212 {strides = array<i32>} : memref<12x256x64xbf16, #tpu.memory_space<vmem>>, vector<1x256x64xbf16>,
    %slice3A_213 = vector.extract_strided_slice %convert_element_type3A_36 {offsets = [0, 384], sizes = [256, 64], strides = [1, 1]} : vector<256x768xbf16> to vector<256x64xbf16>
    %swap3A_214 = arith.constant 6 : index
    %swap3A_215 = arith.constant 0 : index
    %swap3A_216 = arith.constant 0 : index
    %swap3A_217 = vector.load %arg8[%swap3A_214, %swap3A_215, %swap3A_216] : memref<12x256x128xbf16, #tpu.memory_space<vmem>>, vector<1x256x64xbf16>
    %swap3A_218 = vector.shape_cast %swap3A_217 : vector<1x256x64xbf16> to vector<256x64xbf16>
    %swap3A_219 = vector.shape_cast %slice3A_213 : vector<256x64xbf16> to vector<1x256x64xbf16>
    tpu.vector_store %arg8[%swap3A_214, %swap3A_215, %swap3A_216], %swap3A_219 {strides = array<i32>} : memref<12x256x128xbf16, #tpu.memory_space<vmem>>, vector<1x256x64xbf16>,
    %swap3A_220 = arith.constant 6 : index
    %swap3A_221 = arith.constant 0 : index
    %swap3A_222 = arith.constant 64 : index
    %swap3A_223 = vector.load %arg8[%swap3A_220, %swap3A_221, %swap3A_222] : memref<12x256x128xbf16, #tpu.memory_space<vmem>>, vector<1x256x64xbf16>
    %swap3A_224 = vector.shape_cast %swap3A_223 : vector<1x256x64xbf16> to vector<256x64xbf16>
    %swap3A_225 = vector.shape_cast %broadcast_in_dim3A_38 : vector<256x64xbf16> to vector<1x256x64xbf16>
    tpu.vector_store %arg8[%swap3A_220, %swap3A_221, %swap3A_222], %swap3A_225 {strides = array<i32>} : memref<12x256x128xbf16, #tpu.memory_space<vmem>>, vector<1x256x64xbf16>,
    %slice3A_226 = vector.extract_strided_slice %convert_element_type3A_24 {offsets = [0, 448], sizes = [256, 64], strides = [1, 1]} : vector<256x768xbf16> to vector<256x64xbf16>
    %swap3A_227 = arith.constant 7 : index
    %swap3A_228 = arith.constant 0 : index
    %swap3A_229 = arith.constant 0 : index
    %swap3A_230 = vector.load %arg6[%swap3A_227, %swap3A_228, %swap3A_229] : memref<12x256x64xbf16, #tpu.memory_space<vmem>>, vector<1x256x64xbf16>
    %swap3A_231 = vector.shape_cast %swap3A_230 : vector<1x256x64xbf16> to vector<256x64xbf16>
    %swap3A_232 = vector.shape_cast %slice3A_226 : vector<256x64xbf16> to vector<1x256x64xbf16>
    tpu.vector_store %arg6[%swap3A_227, %swap3A_228, %swap3A_229], %swap3A_232 {strides = array<i32>} : memref<12x256x64xbf16, #tpu.memory_space<vmem>>, vector<1x256x64xbf16>,
    %slice3A_233 = vector.extract_strided_slice %convert_element_type3A_30 {offsets = [0, 448], sizes = [256, 64], strides = [1, 1]} : vector<256x768xbf16> to vector<256x64xbf16>
    %swap3A_234 = arith.constant 7 : index
    %swap3A_235 = arith.constant 0 : index
    %swap3A_236 = arith.constant 0 : index
    %swap3A_237 = vector.load %arg7[%swap3A_234, %swap3A_235, %swap3A_236] : memref<12x256x64xbf16, #tpu.memory_space<vmem>>, vector<1x256x64xbf16>
    %swap3A_238 = vector.shape_cast %swap3A_237 : vector<1x256x64xbf16> to vector<256x64xbf16>
    %swap3A_239 = vector.shape_cast %slice3A_233 : vector<256x64xbf16> to vector<1x256x64xbf16>
    tpu.vector_store %arg7[%swap3A_234, %swap3A_235, %swap3A_236], %swap3A_239 {strides = array<i32>} : memref<12x256x64xbf16, #tpu.memory_space<vmem>>, vector<1x256x64xbf16>,
    %slice3A_240 = vector.extract_strided_slice %convert_element_type3A_36 {offsets = [0, 448], sizes = [256, 64], strides = [1, 1]} : vector<256x768xbf16> to vector<256x64xbf16>
    %swap3A_241 = arith.constant 7 : index
    %swap3A_242 = arith.constant 0 : index
    %swap3A_243 = arith.constant 0 : index
    %swap3A_244 = vector.load %arg8[%swap3A_241, %swap3A_242, %swap3A_243] : memref<12x256x128xbf16, #tpu.memory_space<vmem>>, vector<1x256x64xbf16>
    %swap3A_245 = vector.shape_cast %swap3A_244 : vector<1x256x64xbf16> to vector<256x64xbf16>
    %swap3A_246 = vector.shape_cast %slice3A_240 : vector<256x64xbf16> to vector<1x256x64xbf16>
    tpu.vector_store %arg8[%swap3A_241, %swap3A_242, %swap3A_243], %swap3A_246 {strides = array<i32>} : memref<12x256x128xbf16, #tpu.memory_space<vmem>>, vector<1x256x64xbf16>,
    %swap3A_247 = arith.constant 7 : index
    %swap3A_248 = arith.constant 0 : index
    %swap3A_249 = arith.constant 64 : index
    %swap3A_250 = vector.load %arg8[%swap3A_247, %swap3A_248, %swap3A_249] : memref<12x256x128xbf16, #tpu.memory_space<vmem>>, vector<1x256x64xbf16>
    %swap3A_251 = vector.shape_cast %swap3A_250 : vector<1x256x64xbf16> to vector<256x64xbf16>
    %swap3A_252 = vector.shape_cast %broadcast_in_dim3A_38 : vector<256x64xbf16> to vector<1x256x64xbf16>
    tpu.vector_store %arg8[%swap3A_247, %swap3A_248, %swap3A_249], %swap3A_252 {strides = array<i32>} : memref<12x256x128xbf16, #tpu.memory_space<vmem>>, vector<1x256x64xbf16>,
    %slice3A_253 = vector.extract_strided_slice %convert_element_type3A_24 {offsets = [0, 512], sizes = [256, 64], strides = [1, 1]} : vector<256x768xbf16> to vector<256x64xbf16>
    %swap3A_254 = arith.constant 8 : index
    %swap3A_255 = arith.constant 0 : index
    %swap3A_256 = arith.constant 0 : index
    %swap3A_257 = vector.load %arg6[%swap3A_254, %swap3A_255, %swap3A_256] : memref<12x256x64xbf16, #tpu.memory_space<vmem>>, vector<1x256x64xbf16>
    %swap3A_258 = vector.shape_cast %swap3A_257 : vector<1x256x64xbf16> to vector<256x64xbf16>
    %swap3A_259 = vector.shape_cast %slice3A_253 : vector<256x64xbf16> to vector<1x256x64xbf16>
    tpu.vector_store %arg6[%swap3A_254, %swap3A_255, %swap3A_256], %swap3A_259 {strides = array<i32>} : memref<12x256x64xbf16, #tpu.memory_space<vmem>>, vector<1x256x64xbf16>,
    %slice3A_260 = vector.extract_strided_slice %convert_element_type3A_30 {offsets = [0, 512], sizes = [256, 64], strides = [1, 1]} : vector<256x768xbf16> to vector<256x64xbf16>
    %swap3A_261 = arith.constant 8 : index
    %swap3A_262 = arith.constant 0 : index
    %swap3A_263 = arith.constant 0 : index
    %swap3A_264 = vector.load %arg7[%swap3A_261, %swap3A_262, %swap3A_263] : memref<12x256x64xbf16, #tpu.memory_space<vmem>>, vector<1x256x64xbf16>
    %swap3A_265 = vector.shape_cast %swap3A_264 : vector<1x256x64xbf16> to vector<256x64xbf16>
    %swap3A_266 = vector.shape_cast %slice3A_260 : vector<256x64xbf16> to vector<1x256x64xbf16>
    tpu.vector_store %arg7[%swap3A_261, %swap3A_262, %swap3A_263], %swap3A_266 {strides = array<i32>} : memref<12x256x64xbf16, #tpu.memory_space<vmem>>, vector<1x256x64xbf16>,
    %slice3A_267 = vector.extract_strided_slice %convert_element_type3A_36 {offsets = [0, 512], sizes = [256, 64], strides = [1, 1]} : vector<256x768xbf16> to vector<256x64xbf16>
    %swap3A_268 = arith.constant 8 : index
    %swap3A_269 = arith.constant 0 : index
    %swap3A_270 = arith.constant 0 : index
    %swap3A_271 = vector.load %arg8[%swap3A_268, %swap3A_269, %swap3A_270] : memref<12x256x128xbf16, #tpu.memory_space<vmem>>, vector<1x256x64xbf16>
    %swap3A_272 = vector.shape_cast %swap3A_271 : vector<1x256x64xbf16> to vector<256x64xbf16>
    %swap3A_273 = vector.shape_cast %slice3A_267 : vector<256x64xbf16> to vector<1x256x64xbf16>
    tpu.vector_store %arg8[%swap3A_268, %swap3A_269, %swap3A_270], %swap3A_273 {strides = array<i32>} : memref<12x256x128xbf16, #tpu.memory_space<vmem>>, vector<1x256x64xbf16>,
    %swap3A_274 = arith.constant 8 : index
    %swap3A_275 = arith.constant 0 : index
    %swap3A_276 = arith.constant 64 : index
    %swap3A_277 = vector.load %arg8[%swap3A_274, %swap3A_275, %swap3A_276] : memref<12x256x128xbf16, #tpu.memory_space<vmem>>, vector<1x256x64xbf16>
    %swap3A_278 = vector.shape_cast %swap3A_277 : vector<1x256x64xbf16> to vector<256x64xbf16>
    %swap3A_279 = vector.shape_cast %broadcast_in_dim3A_38 : vector<256x64xbf16> to vector<1x256x64xbf16>
    tpu.vector_store %arg8[%swap3A_274, %swap3A_275, %swap3A_276], %swap3A_279 {strides = array<i32>} : memref<12x256x128xbf16, #tpu.memory_space<vmem>>, vector<1x256x64xbf16>,
    %slice3A_280 = vector.extract_strided_slice %convert_element_type3A_24 {offsets = [0, 576], sizes = [256, 64], strides = [1, 1]} : vector<256x768xbf16> to vector<256x64xbf16>
    %swap3A_281 = arith.constant 9 : index
    %swap3A_282 = arith.constant 0 : index
    %swap3A_283 = arith.constant 0 : index
    %swap3A_284 = vector.load %arg6[%swap3A_281, %swap3A_282, %swap3A_283] : memref<12x256x64xbf16, #tpu.memory_space<vmem>>, vector<1x256x64xbf16>
    %swap3A_285 = vector.shape_cast %swap3A_284 : vector<1x256x64xbf16> to vector<256x64xbf16>
    %swap3A_286 = vector.shape_cast %slice3A_280 : vector<256x64xbf16> to vector<1x256x64xbf16>
    tpu.vector_store %arg6[%swap3A_281, %swap3A_282, %swap3A_283], %swap3A_286 {strides = array<i32>} : memref<12x256x64xbf16, #tpu.memory_space<vmem>>, vector<1x256x64xbf16>,
    %slice3A_287 = vector.extract_strided_slice %convert_element_type3A_30 {offsets = [0, 576], sizes = [256, 64], strides = [1, 1]} : vector<256x768xbf16> to vector<256x64xbf16>
    %swap3A_288 = arith.constant 9 : index
    %swap3A_289 = arith.constant 0 : index
    %swap3A_290 = arith.constant 0 : index
    %swap3A_291 = vector.load %arg7[%swap3A_288, %swap3A_289, %swap3A_290] : memref<12x256x64xbf16, #tpu.memory_space<vmem>>, vector<1x256x64xbf16>
    %swap3A_292 = vector.shape_cast %swap3A_291 : vector<1x256x64xbf16> to vector<256x64xbf16>
    %swap3A_293 = vector.shape_cast %slice3A_287 : vector<256x64xbf16> to vector<1x256x64xbf16>
    tpu.vector_store %arg7[%swap3A_288, %swap3A_289, %swap3A_290], %swap3A_293 {strides = array<i32>} : memref<12x256x64xbf16, #tpu.memory_space<vmem>>, vector<1x256x64xbf16>,
    %slice3A_294 = vector.extract_strided_slice %convert_element_type3A_36 {offsets = [0, 576], sizes = [256, 64], strides = [1, 1]} : vector<256x768xbf16> to vector<256x64xbf16>
    %swap3A_295 = arith.constant 9 : index
    %swap3A_296 = arith.constant 0 : index
    %swap3A_297 = arith.constant 0 : index
    %swap3A_298 = vector.load %arg8[%swap3A_295, %swap3A_296, %swap3A_297] : memref<12x256x128xbf16, #tpu.memory_space<vmem>>, vector<1x256x64xbf16>
    %swap3A_299 = vector.shape_cast %swap3A_298 : vector<1x256x64xbf16> to vector<256x64xbf16>
    %swap3A_300 = vector.shape_cast %slice3A_294 : vector<256x64xbf16> to vector<1x256x64xbf16>
    tpu.vector_store %arg8[%swap3A_295, %swap3A_296, %swap3A_297], %swap3A_300 {strides = array<i32>} : memref<12x256x128xbf16, #tpu.memory_space<vmem>>, vector<1x256x64xbf16>,
    %swap3A_301 = arith.constant 9 : index
    %swap3A_302 = arith.constant 0 : index
    %swap3A_303 = arith.constant 64 : index
    %swap3A_304 = vector.load %arg8[%swap3A_301, %swap3A_302, %swap3A_303] : memref<12x256x128xbf16, #tpu.memory_space<vmem>>, vector<1x256x64xbf16>
    %swap3A_305 = vector.shape_cast %swap3A_304 : vector<1x256x64xbf16> to vector<256x64xbf16>
    %swap3A_306 = vector.shape_cast %broadcast_in_dim3A_38 : vector<256x64xbf16> to vector<1x256x64xbf16>
    tpu.vector_store %arg8[%swap3A_301, %swap3A_302, %swap3A_303], %swap3A_306 {strides = array<i32>} : memref<12x256x128xbf16, #tpu.memory_space<vmem>>, vector<1x256x64xbf16>,
    %slice3A_307 = vector.extract_strided_slice %convert_element_type3A_24 {offsets = [0, 640], sizes = [256, 64], strides = [1, 1]} : vector<256x768xbf16> to vector<256x64xbf16>
    %swap3A_308 = arith.constant 10 : index
    %swap3A_309 = arith.constant 0 : index
    %swap3A_310 = arith.constant 0 : index
    %swap3A_311 = vector.load %arg6[%swap3A_308, %swap3A_309, %swap3A_310] : memref<12x256x64xbf16, #tpu.memory_space<vmem>>, vector<1x256x64xbf16>
    %swap3A_312 = vector.shape_cast %swap3A_311 : vector<1x256x64xbf16> to vector<256x64xbf16>
    %swap3A_313 = vector.shape_cast %slice3A_307 : vector<256x64xbf16> to vector<1x256x64xbf16>
    tpu.vector_store %arg6[%swap3A_308, %swap3A_309, %swap3A_310], %swap3A_313 {strides = array<i32>} : memref<12x256x64xbf16, #tpu.memory_space<vmem>>, vector<1x256x64xbf16>,
    %slice3A_314 = vector.extract_strided_slice %convert_element_type3A_30 {offsets = [0, 640], sizes = [256, 64], strides = [1, 1]} : vector<256x768xbf16> to vector<256x64xbf16>
    %swap3A_315 = arith.constant 10 : index
    %swap3A_316 = arith.constant 0 : index
    %swap3A_317 = arith.constant 0 : index
    %swap3A_318 = vector.load %arg7[%swap3A_315, %swap3A_316, %swap3A_317] : memref<12x256x64xbf16, #tpu.memory_space<vmem>>, vector<1x256x64xbf16>
    %swap3A_319 = vector.shape_cast %swap3A_318 : vector<1x256x64xbf16> to vector<256x64xbf16>
    %swap3A_320 = vector.shape_cast %slice3A_314 : vector<256x64xbf16> to vector<1x256x64xbf16>
    tpu.vector_store %arg7[%swap3A_315, %swap3A_316, %swap3A_317], %swap3A_320 {strides = array<i32>} : memref<12x256x64xbf16, #tpu.memory_space<vmem>>, vector<1x256x64xbf16>,
    %slice3A_321 = vector.extract_strided_slice %convert_element_type3A_36 {offsets = [0, 640], sizes = [256, 64], strides = [1, 1]} : vector<256x768xbf16> to vector<256x64xbf16>
    %swap3A_322 = arith.constant 10 : index
    %swap3A_323 = arith.constant 0 : index
    %swap3A_324 = arith.constant 0 : index
    %swap3A_325 = vector.load %arg8[%swap3A_322, %swap3A_323, %swap3A_324] : memref<12x256x128xbf16, #tpu.memory_space<vmem>>, vector<1x256x64xbf16>
    %swap3A_326 = vector.shape_cast %swap3A_325 : vector<1x256x64xbf16> to vector<256x64xbf16>
    %swap3A_327 = vector.shape_cast %slice3A_321 : vector<256x64xbf16> to vector<1x256x64xbf16>
    tpu.vector_store %arg8[%swap3A_322, %swap3A_323, %swap3A_324], %swap3A_327 {strides = array<i32>} : memref<12x256x128xbf16, #tpu.memory_space<vmem>>, vector<1x256x64xbf16>,
    %swap3A_328 = arith.constant 10 : index
    %swap3A_329 = arith.constant 0 : index
    %swap3A_330 = arith.constant 64 : index
    %swap3A_331 = vector.load %arg8[%swap3A_328, %swap3A_329, %swap3A_330] : memref<12x256x128xbf16, #tpu.memory_space<vmem>>, vector<1x256x64xbf16>
    %swap3A_332 = vector.shape_cast %swap3A_331 : vector<1x256x64xbf16> to vector<256x64xbf16>
    %swap3A_333 = vector.shape_cast %broadcast_in_dim3A_38 : vector<256x64xbf16> to vector<1x256x64xbf16>
    tpu.vector_store %arg8[%swap3A_328, %swap3A_329, %swap3A_330], %swap3A_333 {strides = array<i32>} : memref<12x256x128xbf16, #tpu.memory_space<vmem>>, vector<1x256x64xbf16>,
    %slice3A_334 = vector.extract_strided_slice %convert_element_type3A_24 {offsets = [0, 704], sizes = [256, 64], strides = [1, 1]} : vector<256x768xbf16> to vector<256x64xbf16>
    %swap3A_335 = arith.constant 11 : index
    %swap3A_336 = arith.constant 0 : index
    %swap3A_337 = arith.constant 0 : index
    %swap3A_338 = vector.load %arg6[%swap3A_335, %swap3A_336, %swap3A_337] : memref<12x256x64xbf16, #tpu.memory_space<vmem>>, vector<1x256x64xbf16>
    %swap3A_339 = vector.shape_cast %swap3A_338 : vector<1x256x64xbf16> to vector<256x64xbf16>
    %swap3A_340 = vector.shape_cast %slice3A_334 : vector<256x64xbf16> to vector<1x256x64xbf16>
    tpu.vector_store %arg6[%swap3A_335, %swap3A_336, %swap3A_337], %swap3A_340 {strides = array<i32>} : memref<12x256x64xbf16, #tpu.memory_space<vmem>>, vector<1x256x64xbf16>,
    %slice3A_341 = vector.extract_strided_slice %convert_element_type3A_30 {offsets = [0, 704], sizes = [256, 64], strides = [1, 1]} : vector<256x768xbf16> to vector<256x64xbf16>
    %swap3A_342 = arith.constant 11 : index
    %swap3A_343 = arith.constant 0 : index
    %swap3A_344 = arith.constant 0 : index
    %swap3A_345 = vector.load %arg7[%swap3A_342, %swap3A_343, %swap3A_344] : memref<12x256x64xbf16, #tpu.memory_space<vmem>>, vector<1x256x64xbf16>
    %swap3A_346 = vector.shape_cast %swap3A_345 : vector<1x256x64xbf16> to vector<256x64xbf16>
    %swap3A_347 = vector.shape_cast %slice3A_341 : vector<256x64xbf16> to vector<1x256x64xbf16>
    tpu.vector_store %arg7[%swap3A_342, %swap3A_343, %swap3A_344], %swap3A_347 {strides = array<i32>} : memref<12x256x64xbf16, #tpu.memory_space<vmem>>, vector<1x256x64xbf16>,
    %slice3A_348 = vector.extract_strided_slice %convert_element_type3A_36 {offsets = [0, 704], sizes = [256, 64], strides = [1, 1]} : vector<256x768xbf16> to vector<256x64xbf16>
    %swap3A_349 = arith.constant 11 : index
    %swap3A_350 = arith.constant 0 : index
    %swap3A_351 = arith.constant 0 : index
    %swap3A_352 = vector.load %arg8[%swap3A_349, %swap3A_350, %swap3A_351] : memref<12x256x128xbf16, #tpu.memory_space<vmem>>, vector<1x256x64xbf16>
    %swap3A_353 = vector.shape_cast %swap3A_352 : vector<1x256x64xbf16> to vector<256x64xbf16>
    %swap3A_354 = vector.shape_cast %slice3A_348 : vector<256x64xbf16> to vector<1x256x64xbf16>
    tpu.vector_store %arg8[%swap3A_349, %swap3A_350, %swap3A_351], %swap3A_354 {strides = array<i32>} : memref<12x256x128xbf16, #tpu.memory_space<vmem>>, vector<1x256x64xbf16>,
    %swap3A_355 = arith.constant 11 : index
    %swap3A_356 = arith.constant 0 : index
    %swap3A_357 = arith.constant 64 : index
    %swap3A_358 = vector.load %arg8[%swap3A_355, %swap3A_356, %swap3A_357] : memref<12x256x128xbf16, #tpu.memory_space<vmem>>, vector<1x256x64xbf16>
    %swap3A_359 = vector.shape_cast %swap3A_358 : vector<1x256x64xbf16> to vector<256x64xbf16>
    %swap3A_360 = vector.shape_cast %broadcast_in_dim3A_38 : vector<256x64xbf16> to vector<1x256x64xbf16>
    tpu.vector_store %arg8[%swap3A_355, %swap3A_356, %swap3A_357], %swap3A_360 {strides = array<i32>} : memref<12x256x128xbf16, #tpu.memory_space<vmem>>, vector<1x256x64xbf16>,
    return
  }
  func.func @transform_0(%arg0: i32) -> (i32, i32) {
    %c0_i32 = arith.constant 0 : i32
    %c0_i32_0 = arith.constant 0 : i32
    return %arg0, %c0_i32 : i32, i32
  }
  func.func @transform_1(%arg0: i32) -> (i32, i32) {
    %c0_i32 = arith.constant 0 : i32
    %c0_i32_0 = arith.constant 0 : i32
    %c0_i32_1 = arith.constant 0 : i32
    return %c0_i32, %c0_i32_0 : i32, i32
  }
  func.func @transform_2(%arg0: i32) -> (i32, i32) {
    %c0_i32 = arith.constant 0 : i32
    %c0_i32_0 = arith.constant 0 : i32
    %c0_i32_1 = arith.constant 0 : i32
    return %c0_i32, %c0_i32_0 : i32, i32
  }
  func.func @transform_3(%arg0: i32) -> (i32, i32) {
    %c0_i32 = arith.constant 0 : i32
    %c0_i32_0 = arith.constant 0 : i32
    %c0_i32_1 = arith.constant 0 : i32
    return %c0_i32, %c0_i32_0 : i32, i32
  }
  func.func @transform_4(%arg0: i32) -> (i32, i32) {
    %c0_i32 = arith.constant 0 : i32
    %c0_i32_0 = arith.constant 0 : i32
    %c0_i32_1 = arith.constant 0 : i32
    return %c0_i32, %c0_i32_0 : i32, i32
  }
  func.func @transform_5(%arg0: i32) -> (i32, i32, i32) {
    %c0_i32 = arith.constant 0 : i32
    %c0_i32_0 = arith.constant 0 : i32
    %c0_i32_1 = arith.constant 0 : i32
    return %c0_i32, %arg0, %c0_i32_0 : i32, i32, i32
  }
  func.func @transform_6(%arg0: i32) -> (i32, i32, i32) {
    %c0_i32 = arith.constant 0 : i32
    %c0_i32_0 = arith.constant 0 : i32
    %c0_i32_1 = arith.constant 0 : i32
    return %c0_i32, %arg0, %c0_i32_0 : i32, i32, i32
  }
  func.func @transform_7(%arg0: i32) -> (i32, i32, i32) {
    %c0_i32 = arith.constant 0 : i32
    %c0_i32_0 = arith.constant 0 : i32
    %c0_i32_1 = arith.constant 0 : i32
    return %c0_i32, %arg0, %c0_i32_0 : i32, i32, i32
  }
}

module attributes {stable_mosaic.version = 14 : i64} {
  func.func @_router_body(%arg0: memref<2048x768xf32, #tpu.memory_space<vmem>>, %arg1: memref<1x768xf32, #tpu.memory_space<vmem>>, %arg2: memref<8x768xf32, #tpu.memory_space<vmem>>, %arg3: memref<2048x768xf32, #tpu.memory_space<vmem>>, %arg4: memref<2048x1xf32, #tpu.memory_space<vmem>>, %arg5: memref<2048x1xf32, #tpu.memory_space<vmem>>, %arg6: memref<2048x1xi32, #tpu.memory_space<vmem>>, %arg7: memref<2048x1xi32, #tpu.memory_space<vmem>>, %arg8: memref<1x128xi32, #tpu.memory_space<vmem>>, %arg9: memref<1x128xi32, #tpu.memory_space<vmem>>) attributes {dimension_semantics = [], scalar_prefetch = 0 : i64, scratch_operands = 0 : i64, tpu.core_type = #tpu.core_type<tc>} {
    %get3A = arith.constant 0 : index
    %get3A_0 = arith.constant 0 : index
    %get3A_1 = vector.load %arg0[%get3A, %get3A_0] : memref<2048x768xf32, #tpu.memory_space<vmem>>, vector<2048x768xf32>
    %get3A_2 = arith.constant 0 : index
    %get3A_3 = arith.constant 0 : index
    %get3A_4 = vector.load %arg1[%get3A_2, %get3A_3] : memref<1x768xf32, #tpu.memory_space<vmem>>, vector<1x768xf32>
    %mul3A = arith.mulf %get3A_1, %get3A_1 : vector<2048x768xf32>
    %reduce_sum3A = arith.constant dense<0.000000e+00> : vector<2048xf32>
    %reduce_sum3A_5 = vector.multi_reduction <add>, %mul3A, %reduce_sum3A [1] : vector<2048x768xf32> to vector<2048xf32>
    %broadcast_in_dim3A = vector.shape_cast %reduce_sum3A_5 : vector<2048xf32> to vector<2048x1xf32>
    %div3A = arith.constant 7.680000e+02 : f32
    %div3A_6 = vector.broadcast %div3A : f32 to vector<2048x1xf32>
    %div3A_7 = arith.divf %broadcast_in_dim3A, %div3A_6 : vector<2048x1xf32>
    %add3A = arith.constant 9.99999997E-7 : f32
    %add3A_8 = vector.broadcast %add3A : f32 to vector<2048x1xf32>
    %add3A_9 = arith.addf %div3A_7, %add3A_8 : vector<2048x1xf32>
    %rsqrt3A = math.rsqrt %add3A_9 : vector<2048x1xf32>
    %mul3A_10 = vector.broadcast %rsqrt3A : vector<2048x1xf32> to vector<2048x768xf32>
    %mul3A_11 = arith.mulf %get3A_1, %mul3A_10 : vector<2048x768xf32>
    %mul3A_12 = vector.broadcast %get3A_4 : vector<1x768xf32> to vector<2048x768xf32>
    %mul3A_13 = arith.mulf %mul3A_11, %mul3A_12 : vector<2048x768xf32>
    %swap3A = arith.constant 0 : index
    %swap3A_14 = arith.constant 0 : index
    %swap3A_15 = vector.load %arg3[%swap3A, %swap3A_14] : memref<2048x768xf32, #tpu.memory_space<vmem>>, vector<2048x768xf32>
    tpu.vector_store %arg3[%swap3A, %swap3A_14], %mul3A_13 {strides = array<i32>} : memref<2048x768xf32, #tpu.memory_space<vmem>>, vector<2048x768xf32>,
    %get3A_16 = arith.constant 0 : index
    %get3A_17 = arith.constant 0 : index
    %get3A_18 = vector.load %arg2[%get3A_16, %get3A_17] : memref<8x768xf32, #tpu.memory_space<vmem>>, vector<8x768xf32>
    %dot_general3A = arith.constant dense<0.000000e+00> : vector<2048x8xf32>
    %dot_general3A_19 = tpu.matmul %mul3A_13, %get3A_18, %dot_general3A {dimension_numbers = #tpu.dot_dimension_numbers<[1], [1], [0], [0], [0, 0, 1, 0], [], []>, transpose_lhs_hint = false} : vector<2048x768xf32>, vector<8x768xf32>, vector<2048x8xf32> -> vector<2048x8xf32>
    %reduce_max3A = arith.constant dense<0xFF800000> : vector<2048xf32>
    %reduce_max3A_20 = vector.multi_reduction <maximumf>, %dot_general3A_19, %reduce_max3A [1] : vector<2048x8xf32> to vector<2048xf32>
    %broadcast_in_dim3A_21 = vector.shape_cast %reduce_max3A_20 : vector<2048xf32> to vector<2048x1xf32>
    %sub3A = vector.broadcast %broadcast_in_dim3A_21 : vector<2048x1xf32> to vector<2048x8xf32>
    %sub3A_22 = arith.subf %dot_general3A_19, %sub3A : vector<2048x8xf32>
    %exp3A = math.exp %sub3A_22 : vector<2048x8xf32>
    %reduce_sum3A_23 = arith.constant dense<0.000000e+00> : vector<2048xf32>
    %reduce_sum3A_24 = vector.multi_reduction <add>, %exp3A, %reduce_sum3A_23 [1] : vector<2048x8xf32> to vector<2048xf32>
    %broadcast_in_dim3A_25 = vector.shape_cast %reduce_sum3A_24 : vector<2048xf32> to vector<2048x1xf32>
    %div3A_26 = vector.broadcast %broadcast_in_dim3A_25 : vector<2048x1xf32> to vector<2048x8xf32>
    %div3A_27 = arith.divf %exp3A, %div3A_26 : vector<2048x8xf32>
    %iota3A = tpu.iota {dimensions = array<i32: 1>} : vector<2048x8xi32>
    %reduce_max3A_28 = arith.constant dense<0xFF800000> : vector<2048xf32>
    %reduce_max3A_29 = vector.multi_reduction <maximumf>, %div3A_27, %reduce_max3A_28 [1] : vector<2048x8xf32> to vector<2048xf32>
    %broadcast_in_dim3A_30 = vector.shape_cast %reduce_max3A_29 : vector<2048xf32> to vector<2048x1xf32>
    %eq3A = vector.broadcast %broadcast_in_dim3A_30 : vector<2048x1xf32> to vector<2048x8xf32>
    %eq3A_31 = arith.cmpf oeq, %div3A_27, %eq3A : vector<2048x8xf32>
    %jit3A = arith.constant 8 : i32
    %broadcast_in_dim3A_32 = vector.broadcast %jit3A : i32 to vector<2048x8xi32>
    %select_n3A = arith.select %eq3A_31, %iota3A, %broadcast_in_dim3A_32 : vector<2048x8xi1>, vector<2048x8xi32>
    %reduce_min3A = arith.constant dense<2147483647> : vector<2048xi32>
    %reduce_min3A_33 = vector.multi_reduction <minsi>, %select_n3A, %reduce_min3A [1] : vector<2048x8xi32> to vector<2048xi32>
    %broadcast_in_dim3A_34 = vector.shape_cast %reduce_min3A_33 : vector<2048xi32> to vector<2048x1xi32>
    %eq3A_35 = vector.broadcast %broadcast_in_dim3A_34 : vector<2048x1xi32> to vector<2048x8xi32>
    %eq3A_36 = arith.cmpi eq, %iota3A, %eq3A_35 : vector<2048x8xi32>
    %jit3A_37 = arith.constant -1.000000e+00 : f32
    %broadcast_in_dim3A_38 = vector.broadcast %jit3A_37 : f32 to vector<2048x8xf32>
    %select_n3A_39 = arith.select %eq3A_36, %broadcast_in_dim3A_38, %div3A_27 : vector<2048x8xi1>, vector<2048x8xf32>
    %reduce_max3A_40 = arith.constant dense<0xFF800000> : vector<2048xf32>
    %reduce_max3A_41 = vector.multi_reduction <maximumf>, %select_n3A_39, %reduce_max3A_40 [1] : vector<2048x8xf32> to vector<2048xf32>
    %broadcast_in_dim3A_42 = vector.shape_cast %reduce_max3A_41 : vector<2048xf32> to vector<2048x1xf32>
    %eq3A_43 = vector.broadcast %broadcast_in_dim3A_42 : vector<2048x1xf32> to vector<2048x8xf32>
    %eq3A_44 = arith.cmpf oeq, %select_n3A_39, %eq3A_43 : vector<2048x8xf32>
    %jit3A_45 = arith.constant 8 : i32
    %broadcast_in_dim3A_46 = vector.broadcast %jit3A_45 : i32 to vector<2048x8xi32>
    %select_n3A_47 = arith.select %eq3A_44, %iota3A, %broadcast_in_dim3A_46 : vector<2048x8xi1>, vector<2048x8xi32>
    %reduce_min3A_48 = arith.constant dense<2147483647> : vector<2048xi32>
    %reduce_min3A_49 = vector.multi_reduction <minsi>, %select_n3A_47, %reduce_min3A_48 [1] : vector<2048x8xi32> to vector<2048xi32>
    %broadcast_in_dim3A_50 = vector.shape_cast %reduce_min3A_49 : vector<2048xi32> to vector<2048x1xi32>
    %sub3A_51 = arith.subf %broadcast_in_dim3A_30, %broadcast_in_dim3A_42 : vector<2048x1xf32>
    %logistic3A = arith.negf %sub3A_51 : vector<2048x1xf32>
    %logistic3A_52 = math.exp %logistic3A : vector<2048x1xf32>
    %logistic3A_53 = arith.constant 1.000000e+00 : f32
    %logistic3A_54 = vector.broadcast %logistic3A_53 : f32 to vector<2048x1xf32>
    %logistic3A_55 = arith.addf %logistic3A_54, %logistic3A_52 : vector<2048x1xf32>
    %logistic3A_56 = arith.divf %logistic3A_54, %logistic3A_55 : vector<2048x1xf32>
    %swap3A_57 = arith.constant 0 : index
    %swap3A_58 = arith.constant 0 : index
    %swap3A_59 = vector.load %arg4[%swap3A_57, %swap3A_58] : memref<2048x1xf32, #tpu.memory_space<vmem>>, vector<2048x1xf32>
    tpu.vector_store %arg4[%swap3A_57, %swap3A_58], %logistic3A_56 {strides = array<i32>} : memref<2048x1xf32, #tpu.memory_space<vmem>>, vector<2048x1xf32>,
    %sub3A_60 = arith.subf %broadcast_in_dim3A_42, %broadcast_in_dim3A_30 : vector<2048x1xf32>
    %logistic3A_61 = arith.negf %sub3A_60 : vector<2048x1xf32>
    %logistic3A_62 = math.exp %logistic3A_61 : vector<2048x1xf32>
    %logistic3A_63 = arith.constant 1.000000e+00 : f32
    %logistic3A_64 = vector.broadcast %logistic3A_63 : f32 to vector<2048x1xf32>
    %logistic3A_65 = arith.addf %logistic3A_64, %logistic3A_62 : vector<2048x1xf32>
    %logistic3A_66 = arith.divf %logistic3A_64, %logistic3A_65 : vector<2048x1xf32>
    %swap3A_67 = arith.constant 0 : index
    %swap3A_68 = arith.constant 0 : index
    %swap3A_69 = vector.load %arg5[%swap3A_67, %swap3A_68] : memref<2048x1xf32, #tpu.memory_space<vmem>>, vector<2048x1xf32>
    tpu.vector_store %arg5[%swap3A_67, %swap3A_68], %logistic3A_66 {strides = array<i32>} : memref<2048x1xf32, #tpu.memory_space<vmem>>, vector<2048x1xf32>,
    %eq3A_70 = vector.broadcast %broadcast_in_dim3A_34 : vector<2048x1xi32> to vector<2048x8xi32>
    %eq3A_71 = arith.cmpi eq, %iota3A, %eq3A_70 : vector<2048x8xi32>
    %convert_element_type3A = arith.extui %eq3A_71 : vector<2048x8xi1> to vector<2048x8xi32>
    %eq3A_72 = vector.broadcast %broadcast_in_dim3A_50 : vector<2048x1xi32> to vector<2048x8xi32>
    %eq3A_73 = arith.cmpi eq, %iota3A, %eq3A_72 : vector<2048x8xi32>
    %convert_element_type3A_74 = arith.extui %eq3A_73 : vector<2048x8xi1> to vector<2048x8xi32>
    %broadcast_in_dim3A_75 = arith.constant 0 : i32
    %broadcast_in_dim3A_76 = vector.broadcast %broadcast_in_dim3A_75 : i32 to vector<1x8xi32>
    %slice3A = vector.extract_strided_slice %convert_element_type3A {offsets = [0, 0], sizes = [2047, 8], strides = [1, 1]} : vector<2048x8xi32> to vector<2047x8xi32>
    %concatenate3A = tpu.concatenate %broadcast_in_dim3A_76, %slice3A in 0 : vector<1x8xi32>, vector<2047x8xi32> -> vector<2048x8xi32>
    %add3A_77 = arith.addi %convert_element_type3A, %concatenate3A : vector<2048x8xi32>
    %broadcast_in_dim3A_78 = arith.constant 0 : i32
    %broadcast_in_dim3A_79 = vector.broadcast %broadcast_in_dim3A_78 : i32 to vector<2x8xi32>
    %slice3A_80 = vector.extract_strided_slice %add3A_77 {offsets = [0, 0], sizes = [2046, 8], strides = [1, 1]} : vector<2048x8xi32> to vector<2046x8xi32>
    %concatenate3A_81 = tpu.concatenate %broadcast_in_dim3A_79, %slice3A_80 in 0 : vector<2x8xi32>, vector<2046x8xi32> -> vector<2048x8xi32>
    %add3A_82 = arith.addi %add3A_77, %concatenate3A_81 : vector<2048x8xi32>
    %broadcast_in_dim3A_83 = arith.constant 0 : i32
    %broadcast_in_dim3A_84 = vector.broadcast %broadcast_in_dim3A_83 : i32 to vector<4x8xi32>
    %slice3A_85 = vector.extract_strided_slice %add3A_82 {offsets = [0, 0], sizes = [2044, 8], strides = [1, 1]} : vector<2048x8xi32> to vector<2044x8xi32>
    %concatenate3A_86 = tpu.concatenate %broadcast_in_dim3A_84, %slice3A_85 in 0 : vector<4x8xi32>, vector<2044x8xi32> -> vector<2048x8xi32>
    %add3A_87 = arith.addi %add3A_82, %concatenate3A_86 : vector<2048x8xi32>
    %broadcast_in_dim3A_88 = arith.constant 0 : i32
    %broadcast_in_dim3A_89 = vector.broadcast %broadcast_in_dim3A_88 : i32 to vector<8x8xi32>
    %slice3A_90 = vector.extract_strided_slice %add3A_87 {offsets = [0, 0], sizes = [2040, 8], strides = [1, 1]} : vector<2048x8xi32> to vector<2040x8xi32>
    %concatenate3A_91 = tpu.concatenate %broadcast_in_dim3A_89, %slice3A_90 in 0 : vector<8x8xi32>, vector<2040x8xi32> -> vector<2048x8xi32>
    %add3A_92 = arith.addi %add3A_87, %concatenate3A_91 : vector<2048x8xi32>
    %broadcast_in_dim3A_93 = arith.constant 0 : i32
    %broadcast_in_dim3A_94 = vector.broadcast %broadcast_in_dim3A_93 : i32 to vector<16x8xi32>
    %slice3A_95 = vector.extract_strided_slice %add3A_92 {offsets = [0, 0], sizes = [2032, 8], strides = [1, 1]} : vector<2048x8xi32> to vector<2032x8xi32>
    %concatenate3A_96 = tpu.concatenate %broadcast_in_dim3A_94, %slice3A_95 in 0 : vector<16x8xi32>, vector<2032x8xi32> -> vector<2048x8xi32>
    %add3A_97 = arith.addi %add3A_92, %concatenate3A_96 : vector<2048x8xi32>
    %broadcast_in_dim3A_98 = arith.constant 0 : i32
    %broadcast_in_dim3A_99 = vector.broadcast %broadcast_in_dim3A_98 : i32 to vector<32x8xi32>
    %slice3A_100 = vector.extract_strided_slice %add3A_97 {offsets = [0, 0], sizes = [2016, 8], strides = [1, 1]} : vector<2048x8xi32> to vector<2016x8xi32>
    %concatenate3A_101 = tpu.concatenate %broadcast_in_dim3A_99, %slice3A_100 in 0 : vector<32x8xi32>, vector<2016x8xi32> -> vector<2048x8xi32>
    %add3A_102 = arith.addi %add3A_97, %concatenate3A_101 : vector<2048x8xi32>
    %broadcast_in_dim3A_103 = arith.constant 0 : i32
    %broadcast_in_dim3A_104 = vector.broadcast %broadcast_in_dim3A_103 : i32 to vector<64x8xi32>
    %slice3A_105 = vector.extract_strided_slice %add3A_102 {offsets = [0, 0], sizes = [1984, 8], strides = [1, 1]} : vector<2048x8xi32> to vector<1984x8xi32>
    %concatenate3A_106 = tpu.concatenate %broadcast_in_dim3A_104, %slice3A_105 in 0 : vector<64x8xi32>, vector<1984x8xi32> -> vector<2048x8xi32>
    %add3A_107 = arith.addi %add3A_102, %concatenate3A_106 : vector<2048x8xi32>
    %broadcast_in_dim3A_108 = arith.constant 0 : i32
    %broadcast_in_dim3A_109 = vector.broadcast %broadcast_in_dim3A_108 : i32 to vector<128x8xi32>
    %slice3A_110 = vector.extract_strided_slice %add3A_107 {offsets = [0, 0], sizes = [1920, 8], strides = [1, 1]} : vector<2048x8xi32> to vector<1920x8xi32>
    %concatenate3A_111 = tpu.concatenate %broadcast_in_dim3A_109, %slice3A_110 in 0 : vector<128x8xi32>, vector<1920x8xi32> -> vector<2048x8xi32>
    %add3A_112 = arith.addi %add3A_107, %concatenate3A_111 : vector<2048x8xi32>
    %broadcast_in_dim3A_113 = arith.constant 0 : i32
    %broadcast_in_dim3A_114 = vector.broadcast %broadcast_in_dim3A_113 : i32 to vector<256x8xi32>
    %slice3A_115 = vector.extract_strided_slice %add3A_112 {offsets = [0, 0], sizes = [1792, 8], strides = [1, 1]} : vector<2048x8xi32> to vector<1792x8xi32>
    %concatenate3A_116 = tpu.concatenate %broadcast_in_dim3A_114, %slice3A_115 in 0 : vector<256x8xi32>, vector<1792x8xi32> -> vector<2048x8xi32>
    %add3A_117 = arith.addi %add3A_112, %concatenate3A_116 : vector<2048x8xi32>
    %broadcast_in_dim3A_118 = arith.constant 0 : i32
    %broadcast_in_dim3A_119 = vector.broadcast %broadcast_in_dim3A_118 : i32 to vector<512x8xi32>
    %slice3A_120 = vector.extract_strided_slice %add3A_117 {offsets = [0, 0], sizes = [1536, 8], strides = [1, 1]} : vector<2048x8xi32> to vector<1536x8xi32>
    %concatenate3A_121 = tpu.concatenate %broadcast_in_dim3A_119, %slice3A_120 in 0 : vector<512x8xi32>, vector<1536x8xi32> -> vector<2048x8xi32>
    %add3A_122 = arith.addi %add3A_117, %concatenate3A_121 : vector<2048x8xi32>
    %broadcast_in_dim3A_123 = arith.constant 0 : i32
    %broadcast_in_dim3A_124 = vector.broadcast %broadcast_in_dim3A_123 : i32 to vector<1024x8xi32>
    %slice3A_125 = vector.extract_strided_slice %add3A_122 {offsets = [0, 0], sizes = [1024, 8], strides = [1, 1]} : vector<2048x8xi32> to vector<1024x8xi32>
    %concatenate3A_126 = tpu.concatenate %broadcast_in_dim3A_124, %slice3A_125 in 0 : vector<1024x8xi32>, vector<1024x8xi32> -> vector<2048x8xi32>
    %add3A_127 = arith.addi %add3A_122, %concatenate3A_126 : vector<2048x8xi32>
    %broadcast_in_dim3A_128 = arith.constant 0 : i32
    %broadcast_in_dim3A_129 = vector.broadcast %broadcast_in_dim3A_128 : i32 to vector<1x8xi32>
    %slice3A_130 = vector.extract_strided_slice %convert_element_type3A_74 {offsets = [0, 0], sizes = [2047, 8], strides = [1, 1]} : vector<2048x8xi32> to vector<2047x8xi32>
    %concatenate3A_131 = tpu.concatenate %broadcast_in_dim3A_129, %slice3A_130 in 0 : vector<1x8xi32>, vector<2047x8xi32> -> vector<2048x8xi32>
    %add3A_132 = arith.addi %convert_element_type3A_74, %concatenate3A_131 : vector<2048x8xi32>
    %broadcast_in_dim3A_133 = arith.constant 0 : i32
    %broadcast_in_dim3A_134 = vector.broadcast %broadcast_in_dim3A_133 : i32 to vector<2x8xi32>
    %slice3A_135 = vector.extract_strided_slice %add3A_132 {offsets = [0, 0], sizes = [2046, 8], strides = [1, 1]} : vector<2048x8xi32> to vector<2046x8xi32>
    %concatenate3A_136 = tpu.concatenate %broadcast_in_dim3A_134, %slice3A_135 in 0 : vector<2x8xi32>, vector<2046x8xi32> -> vector<2048x8xi32>
    %add3A_137 = arith.addi %add3A_132, %concatenate3A_136 : vector<2048x8xi32>
    %broadcast_in_dim3A_138 = arith.constant 0 : i32
    %broadcast_in_dim3A_139 = vector.broadcast %broadcast_in_dim3A_138 : i32 to vector<4x8xi32>
    %slice3A_140 = vector.extract_strided_slice %add3A_137 {offsets = [0, 0], sizes = [2044, 8], strides = [1, 1]} : vector<2048x8xi32> to vector<2044x8xi32>
    %concatenate3A_141 = tpu.concatenate %broadcast_in_dim3A_139, %slice3A_140 in 0 : vector<4x8xi32>, vector<2044x8xi32> -> vector<2048x8xi32>
    %add3A_142 = arith.addi %add3A_137, %concatenate3A_141 : vector<2048x8xi32>
    %broadcast_in_dim3A_143 = arith.constant 0 : i32
    %broadcast_in_dim3A_144 = vector.broadcast %broadcast_in_dim3A_143 : i32 to vector<8x8xi32>
    %slice3A_145 = vector.extract_strided_slice %add3A_142 {offsets = [0, 0], sizes = [2040, 8], strides = [1, 1]} : vector<2048x8xi32> to vector<2040x8xi32>
    %concatenate3A_146 = tpu.concatenate %broadcast_in_dim3A_144, %slice3A_145 in 0 : vector<8x8xi32>, vector<2040x8xi32> -> vector<2048x8xi32>
    %add3A_147 = arith.addi %add3A_142, %concatenate3A_146 : vector<2048x8xi32>
    %broadcast_in_dim3A_148 = arith.constant 0 : i32
    %broadcast_in_dim3A_149 = vector.broadcast %broadcast_in_dim3A_148 : i32 to vector<16x8xi32>
    %slice3A_150 = vector.extract_strided_slice %add3A_147 {offsets = [0, 0], sizes = [2032, 8], strides = [1, 1]} : vector<2048x8xi32> to vector<2032x8xi32>
    %concatenate3A_151 = tpu.concatenate %broadcast_in_dim3A_149, %slice3A_150 in 0 : vector<16x8xi32>, vector<2032x8xi32> -> vector<2048x8xi32>
    %add3A_152 = arith.addi %add3A_147, %concatenate3A_151 : vector<2048x8xi32>
    %broadcast_in_dim3A_153 = arith.constant 0 : i32
    %broadcast_in_dim3A_154 = vector.broadcast %broadcast_in_dim3A_153 : i32 to vector<32x8xi32>
    %slice3A_155 = vector.extract_strided_slice %add3A_152 {offsets = [0, 0], sizes = [2016, 8], strides = [1, 1]} : vector<2048x8xi32> to vector<2016x8xi32>
    %concatenate3A_156 = tpu.concatenate %broadcast_in_dim3A_154, %slice3A_155 in 0 : vector<32x8xi32>, vector<2016x8xi32> -> vector<2048x8xi32>
    %add3A_157 = arith.addi %add3A_152, %concatenate3A_156 : vector<2048x8xi32>
    %broadcast_in_dim3A_158 = arith.constant 0 : i32
    %broadcast_in_dim3A_159 = vector.broadcast %broadcast_in_dim3A_158 : i32 to vector<64x8xi32>
    %slice3A_160 = vector.extract_strided_slice %add3A_157 {offsets = [0, 0], sizes = [1984, 8], strides = [1, 1]} : vector<2048x8xi32> to vector<1984x8xi32>
    %concatenate3A_161 = tpu.concatenate %broadcast_in_dim3A_159, %slice3A_160 in 0 : vector<64x8xi32>, vector<1984x8xi32> -> vector<2048x8xi32>
    %add3A_162 = arith.addi %add3A_157, %concatenate3A_161 : vector<2048x8xi32>
    %broadcast_in_dim3A_163 = arith.constant 0 : i32
    %broadcast_in_dim3A_164 = vector.broadcast %broadcast_in_dim3A_163 : i32 to vector<128x8xi32>
    %slice3A_165 = vector.extract_strided_slice %add3A_162 {offsets = [0, 0], sizes = [1920, 8], strides = [1, 1]} : vector<2048x8xi32> to vector<1920x8xi32>
    %concatenate3A_166 = tpu.concatenate %broadcast_in_dim3A_164, %slice3A_165 in 0 : vector<128x8xi32>, vector<1920x8xi32> -> vector<2048x8xi32>
    %add3A_167 = arith.addi %add3A_162, %concatenate3A_166 : vector<2048x8xi32>
    %broadcast_in_dim3A_168 = arith.constant 0 : i32
    %broadcast_in_dim3A_169 = vector.broadcast %broadcast_in_dim3A_168 : i32 to vector<256x8xi32>
    %slice3A_170 = vector.extract_strided_slice %add3A_167 {offsets = [0, 0], sizes = [1792, 8], strides = [1, 1]} : vector<2048x8xi32> to vector<1792x8xi32>
    %concatenate3A_171 = tpu.concatenate %broadcast_in_dim3A_169, %slice3A_170 in 0 : vector<256x8xi32>, vector<1792x8xi32> -> vector<2048x8xi32>
    %add3A_172 = arith.addi %add3A_167, %concatenate3A_171 : vector<2048x8xi32>
    %broadcast_in_dim3A_173 = arith.constant 0 : i32
    %broadcast_in_dim3A_174 = vector.broadcast %broadcast_in_dim3A_173 : i32 to vector<512x8xi32>
    %slice3A_175 = vector.extract_strided_slice %add3A_172 {offsets = [0, 0], sizes = [1536, 8], strides = [1, 1]} : vector<2048x8xi32> to vector<1536x8xi32>
    %concatenate3A_176 = tpu.concatenate %broadcast_in_dim3A_174, %slice3A_175 in 0 : vector<512x8xi32>, vector<1536x8xi32> -> vector<2048x8xi32>
    %add3A_177 = arith.addi %add3A_172, %concatenate3A_176 : vector<2048x8xi32>
    %broadcast_in_dim3A_178 = arith.constant 0 : i32
    %broadcast_in_dim3A_179 = vector.broadcast %broadcast_in_dim3A_178 : i32 to vector<1024x8xi32>
    %slice3A_180 = vector.extract_strided_slice %add3A_177 {offsets = [0, 0], sizes = [1024, 8], strides = [1, 1]} : vector<2048x8xi32> to vector<1024x8xi32>
    %concatenate3A_181 = tpu.concatenate %broadcast_in_dim3A_179, %slice3A_180 in 0 : vector<1024x8xi32>, vector<1024x8xi32> -> vector<2048x8xi32>
    %add3A_182 = arith.addi %add3A_177, %concatenate3A_181 : vector<2048x8xi32>
    %slice3A_183 = vector.extract_strided_slice %add3A_127 {offsets = [2047, 0], sizes = [1, 8], strides = [1, 1]} : vector<2048x8xi32> to vector<1x8xi32>
    %slice3A_184 = vector.extract_strided_slice %add3A_182 {offsets = [2047, 0], sizes = [1, 8], strides = [1, 1]} : vector<2048x8xi32> to vector<1x8xi32>
    %add3A_185 = arith.addi %slice3A_183, %slice3A_184 : vector<1x8xi32>
    %add3A_186 = arith.constant 255 : i32
    %add3A_187 = vector.broadcast %add3A_186 : i32 to vector<1x8xi32>
    %add3A_188 = arith.addi %add3A_185, %add3A_187 : vector<1x8xi32>
    %jit3A_189 = arith.constant 256 : i32
    %div3A_190 = vector.broadcast %jit3A_189 : i32 to vector<1x8xi32>
    %div3A_191 = arith.divsi %add3A_188, %div3A_190 : vector<1x8xi32>
    %sign3A = arith.constant 0 : i32
    %sign3A_192 = vector.broadcast %sign3A : i32 to vector<1x8xi32>
    %sign3A_193 = arith.cmpi sgt, %add3A_188, %sign3A_192 : vector<1x8xi32>
    %sign3A_194 = arith.extui %sign3A_193 : vector<1x8xi1> to vector<1x8xi32>
    %sign3A_195 = arith.constant 0 : i32
    %sign3A_196 = vector.broadcast %sign3A_195 : i32 to vector<1x8xi32>
    %sign3A_197 = arith.cmpi slt, %add3A_188, %sign3A_196 : vector<1x8xi32>
    %sign3A_198 = arith.extui %sign3A_197 : vector<1x8xi1> to vector<1x8xi32>
    %sign3A_199 = arith.subi %sign3A_194, %sign3A_198 : vector<1x8xi32>
    %sign3A_200 = arith.constant 0 : i32
    %sign3A_201 = arith.cmpi sgt, %jit3A_189, %sign3A_200 : i32
    %sign3A_202 = arith.extui %sign3A_201 : i1 to i32
    %sign3A_203 = arith.constant 0 : i32
    %sign3A_204 = arith.cmpi slt, %jit3A_189, %sign3A_203 : i32
    %sign3A_205 = arith.extui %sign3A_204 : i1 to i32
    %sign3A_206 = arith.subi %sign3A_202, %sign3A_205 : i32
    %ne3A = vector.broadcast %sign3A_206 : i32 to vector<1x8xi32>
    %ne3A_207 = arith.cmpi ne, %sign3A_199, %ne3A : vector<1x8xi32>
    %rem3A = vector.broadcast %jit3A_189 : i32 to vector<1x8xi32>
    %rem3A_208 = arith.remsi %add3A_188, %rem3A : vector<1x8xi32>
    %ne3A_209 = arith.constant 0 : i32
    %ne3A_210 = vector.broadcast %ne3A_209 : i32 to vector<1x8xi32>
    %ne3A_211 = arith.cmpi ne, %rem3A_208, %ne3A_210 : vector<1x8xi32>
    %and3A = arith.andi %ne3A_207, %ne3A_211 : vector<1x8xi1>
    %sub3A_212 = arith.constant 1 : i32
    %sub3A_213 = vector.broadcast %sub3A_212 : i32 to vector<1x8xi32>
    %sub3A_214 = arith.subi %div3A_191, %sub3A_213 : vector<1x8xi32>
    %select_n3A_215 = arith.select %and3A, %sub3A_214, %div3A_191 : vector<1x8xi1>, vector<1x8xi32>
    %mul3A_216 = arith.constant 256 : i32
    %mul3A_217 = vector.broadcast %mul3A_216 : i32 to vector<1x8xi32>
    %mul3A_218 = arith.muli %select_n3A_215, %mul3A_217 : vector<1x8xi32>
    %broadcast_in_dim3A_219 = arith.constant 0 : i32
    %broadcast_in_dim3A_220 = vector.broadcast %broadcast_in_dim3A_219 : i32 to vector<1x1xi32>
    %slice3A_221 = vector.extract_strided_slice %mul3A_218 {offsets = [0, 0], sizes = [1, 7], strides = [1, 1]} : vector<1x8xi32> to vector<1x7xi32>
    %concatenate3A_222 = tpu.concatenate %broadcast_in_dim3A_220, %slice3A_221 in 1 : vector<1x1xi32>, vector<1x7xi32> -> vector<1x8xi32>
    %add3A_223 = arith.addi %mul3A_218, %concatenate3A_222 : vector<1x8xi32>
    %broadcast_in_dim3A_224 = arith.constant 0 : i32
    %broadcast_in_dim3A_225 = vector.broadcast %broadcast_in_dim3A_224 : i32 to vector<1x2xi32>
    %slice3A_226 = vector.extract_strided_slice %add3A_223 {offsets = [0, 0], sizes = [1, 6], strides = [1, 1]} : vector<1x8xi32> to vector<1x6xi32>
    %concatenate3A_227 = tpu.concatenate %broadcast_in_dim3A_225, %slice3A_226 in 1 : vector<1x2xi32>, vector<1x6xi32> -> vector<1x8xi32>
    %add3A_228 = arith.addi %add3A_223, %concatenate3A_227 : vector<1x8xi32>
    %broadcast_in_dim3A_229 = arith.constant 0 : i32
    %broadcast_in_dim3A_230 = vector.broadcast %broadcast_in_dim3A_229 : i32 to vector<1x4xi32>
    %slice3A_231 = vector.extract_strided_slice %add3A_228 {offsets = [0, 0], sizes = [1, 4], strides = [1, 1]} : vector<1x8xi32> to vector<1x4xi32>
    %concatenate3A_232 = tpu.concatenate %broadcast_in_dim3A_230, %slice3A_231 in 1 : vector<1x4xi32>, vector<1x4xi32> -> vector<1x8xi32>
    %add3A_233 = arith.addi %add3A_228, %concatenate3A_232 : vector<1x8xi32>
    %sub3A_234 = arith.subi %add3A_233, %mul3A_218 : vector<1x8xi32>
    %sub3A_235 = arith.subi %add3A_127, %convert_element_type3A : vector<2048x8xi32>
    %add3A_236 = vector.broadcast %sub3A_234 : vector<1x8xi32> to vector<2048x8xi32>
    %add3A_237 = arith.addi %sub3A_235, %add3A_236 : vector<2048x8xi32>
    %mul3A_238 = arith.muli %convert_element_type3A, %add3A_237 : vector<2048x8xi32>
    %reduce_sum3A_239 = arith.constant dense<0> : vector<2048xi32>
    %reduce_sum3A_240 = vector.multi_reduction <add>, %mul3A_238, %reduce_sum3A_239 [1] : vector<2048x8xi32> to vector<2048xi32>
    %broadcast_in_dim3A_241 = vector.shape_cast %reduce_sum3A_240 : vector<2048xi32> to vector<2048x1xi32>
    %swap3A_242 = arith.constant 0 : index
    %swap3A_243 = arith.constant 0 : index
    %swap3A_244 = vector.load %arg6[%swap3A_242, %swap3A_243] : memref<2048x1xi32, #tpu.memory_space<vmem>>, vector<2048x1xi32>
    tpu.vector_store %arg6[%swap3A_242, %swap3A_243], %broadcast_in_dim3A_241 {strides = array<i32>} : memref<2048x1xi32, #tpu.memory_space<vmem>>, vector<2048x1xi32>,
    %sub3A_245 = arith.subi %add3A_182, %convert_element_type3A_74 : vector<2048x8xi32>
    %add3A_246 = vector.broadcast %slice3A_183 : vector<1x8xi32> to vector<2048x8xi32>
    %add3A_247 = arith.addi %sub3A_245, %add3A_246 : vector<2048x8xi32>
    %add3A_248 = vector.broadcast %sub3A_234 : vector<1x8xi32> to vector<2048x8xi32>
    %add3A_249 = arith.addi %add3A_247, %add3A_248 : vector<2048x8xi32>
    %mul3A_250 = arith.muli %convert_element_type3A_74, %add3A_249 : vector<2048x8xi32>
    %reduce_sum3A_251 = arith.constant dense<0> : vector<2048xi32>
    %reduce_sum3A_252 = vector.multi_reduction <add>, %mul3A_250, %reduce_sum3A_251 [1] : vector<2048x8xi32> to vector<2048xi32>
    %broadcast_in_dim3A_253 = vector.shape_cast %reduce_sum3A_252 : vector<2048xi32> to vector<2048x1xi32>
    %swap3A_254 = arith.constant 0 : index
    %swap3A_255 = arith.constant 0 : index
    %swap3A_256 = vector.load %arg7[%swap3A_254, %swap3A_255] : memref<2048x1xi32, #tpu.memory_space<vmem>>, vector<2048x1xi32>
    tpu.vector_store %arg7[%swap3A_254, %swap3A_255], %broadcast_in_dim3A_253 {strides = array<i32>} : memref<2048x1xi32, #tpu.memory_space<vmem>>, vector<2048x1xi32>,
    %iota3A_257 = tpu.iota {dimensions = array<i32: 1>} : vector<1x8xi32>
    %iota3A_258 = tpu.iota {dimensions = array<i32: 1>} : vector<1x128xi32>
    %mul3A_259 = arith.constant 256 : i32
    %mul3A_260 = vector.broadcast %mul3A_259 : i32 to vector<1x128xi32>
    %mul3A_261 = arith.muli %iota3A_258, %mul3A_260 : vector<1x128xi32>
    %broadcast_in_dim3A_262 = arith.constant 7 : i32
    %broadcast_in_dim3A_263 = vector.broadcast %broadcast_in_dim3A_262 : i32 to vector<1x128xi32>
    %broadcast_in_dim3A_264 = arith.constant 0 : i32
    %broadcast_in_dim3A_265 = vector.broadcast %broadcast_in_dim3A_264 : i32 to vector<1x128xi32>
    %eq3A_266 = arith.constant 0 : i32
    %eq3A_267 = vector.broadcast %eq3A_266 : i32 to vector<1x8xi32>
    %eq3A_268 = arith.cmpi eq, %iota3A_257, %eq3A_267 : vector<1x8xi32>
    %jit3A_269 = arith.constant 0 : i32
    %broadcast_in_dim3A_270 = vector.broadcast %jit3A_269 : i32 to vector<1x8xi32>
    %select_n3A_271 = arith.select %eq3A_268, %sub3A_234, %broadcast_in_dim3A_270 : vector<1x8xi1>, vector<1x8xi32>
    %reduce_sum3A_272 = vector.shape_cast %select_n3A_271 : vector<1x8xi32> to vector<1x1x8xi32>
    %reduce_sum3A_273 = arith.constant dense<0> : vector<1xi32>
    %reduce_sum3A_274 = vector.multi_reduction <add>, %reduce_sum3A_272, %reduce_sum3A_273 [1, 2] : vector<1x1x8xi32> to vector<1xi32>
    %reduce_sum3A_275 = vector.shape_cast %reduce_sum3A_274 : vector<1xi32> to vector<1x1x1xi32>
    %reduce_sum3A_276 = vector.extract %reduce_sum3A_275[0, 0, 0] : i32 from vector<1x1x1xi32>
    %eq3A_277 = arith.constant 0 : i32
    %eq3A_278 = vector.broadcast %eq3A_277 : i32 to vector<1x8xi32>
    %eq3A_279 = arith.cmpi eq, %iota3A_257, %eq3A_278 : vector<1x8xi32>
    %jit3A_280 = arith.constant 0 : i32
    %broadcast_in_dim3A_281 = vector.broadcast %jit3A_280 : i32 to vector<1x8xi32>
    %select_n3A_282 = arith.select %eq3A_279, %mul3A_218, %broadcast_in_dim3A_281 : vector<1x8xi1>, vector<1x8xi32>
    %reduce_sum3A_283 = vector.shape_cast %select_n3A_282 : vector<1x8xi32> to vector<1x1x8xi32>
    %reduce_sum3A_284 = arith.constant dense<0> : vector<1xi32>
    %reduce_sum3A_285 = vector.multi_reduction <add>, %reduce_sum3A_283, %reduce_sum3A_284 [1, 2] : vector<1x1x8xi32> to vector<1xi32>
    %reduce_sum3A_286 = vector.shape_cast %reduce_sum3A_285 : vector<1xi32> to vector<1x1x1xi32>
    %reduce_sum3A_287 = vector.extract %reduce_sum3A_286[0, 0, 0] : i32 from vector<1x1x1xi32>
    %eq3A_288 = arith.constant 0 : i32
    %eq3A_289 = vector.broadcast %eq3A_288 : i32 to vector<1x8xi32>
    %eq3A_290 = arith.cmpi eq, %iota3A_257, %eq3A_289 : vector<1x8xi32>
    %jit3A_291 = arith.constant 0 : i32
    %broadcast_in_dim3A_292 = vector.broadcast %jit3A_291 : i32 to vector<1x8xi32>
    %select_n3A_293 = arith.select %eq3A_290, %add3A_185, %broadcast_in_dim3A_292 : vector<1x8xi1>, vector<1x8xi32>
    %reduce_sum3A_294 = vector.shape_cast %select_n3A_293 : vector<1x8xi32> to vector<1x1x8xi32>
    %reduce_sum3A_295 = arith.constant dense<0> : vector<1xi32>
    %reduce_sum3A_296 = vector.multi_reduction <add>, %reduce_sum3A_294, %reduce_sum3A_295 [1, 2] : vector<1x1x8xi32> to vector<1xi32>
    %reduce_sum3A_297 = vector.shape_cast %reduce_sum3A_296 : vector<1xi32> to vector<1x1x1xi32>
    %reduce_sum3A_298 = vector.extract %reduce_sum3A_297[0, 0, 0] : i32 from vector<1x1x1xi32>
    %ge3A = vector.broadcast %reduce_sum3A_276 : i32 to vector<1x128xi32>
    %ge3A_299 = arith.cmpi sge, %mul3A_261, %ge3A : vector<1x128xi32>
    %add3A_300 = arith.addi %reduce_sum3A_276, %reduce_sum3A_287 : i32
    %lt3A = vector.broadcast %add3A_300 : i32 to vector<1x128xi32>
    %lt3A_301 = arith.cmpi slt, %mul3A_261, %lt3A : vector<1x128xi32>
    %and3A_302 = arith.andi %ge3A_299, %lt3A_301 : vector<1x128xi1>
    %jit3A_303 = arith.constant 0 : i32
    %broadcast_in_dim3A_304 = vector.broadcast %jit3A_303 : i32 to vector<1x128xi32>
    %select_n3A_305 = arith.select %and3A_302, %broadcast_in_dim3A_304, %broadcast_in_dim3A_263 : vector<1x128xi1>, vector<1x128xi32>
    %add3A_306 = arith.addi %reduce_sum3A_276, %reduce_sum3A_298 : i32
    %lt3A_307 = vector.broadcast %add3A_306 : i32 to vector<1x128xi32>
    %lt3A_308 = arith.cmpi slt, %mul3A_261, %lt3A_307 : vector<1x128xi32>
    %and3A_309 = arith.andi %and3A_302, %lt3A_308 : vector<1x128xi1>
    %jit3A_310 = arith.constant 1 : i32
    %broadcast_in_dim3A_311 = vector.broadcast %jit3A_310 : i32 to vector<1x128xi32>
    %select_n3A_312 = arith.select %and3A_309, %broadcast_in_dim3A_311, %broadcast_in_dim3A_265 : vector<1x128xi1>, vector<1x128xi32>
    %eq3A_313 = arith.constant 1 : i32
    %eq3A_314 = vector.broadcast %eq3A_313 : i32 to vector<1x8xi32>
    %eq3A_315 = arith.cmpi eq, %iota3A_257, %eq3A_314 : vector<1x8xi32>
    %jit3A_316 = arith.constant 0 : i32
    %broadcast_in_dim3A_317 = vector.broadcast %jit3A_316 : i32 to vector<1x8xi32>
    %select_n3A_318 = arith.select %eq3A_315, %sub3A_234, %broadcast_in_dim3A_317 : vector<1x8xi1>, vector<1x8xi32>
    %reduce_sum3A_319 = vector.shape_cast %select_n3A_318 : vector<1x8xi32> to vector<1x1x8xi32>
    %reduce_sum3A_320 = arith.constant dense<0> : vector<1xi32>
    %reduce_sum3A_321 = vector.multi_reduction <add>, %reduce_sum3A_319, %reduce_sum3A_320 [1, 2] : vector<1x1x8xi32> to vector<1xi32>
    %reduce_sum3A_322 = vector.shape_cast %reduce_sum3A_321 : vector<1xi32> to vector<1x1x1xi32>
    %reduce_sum3A_323 = vector.extract %reduce_sum3A_322[0, 0, 0] : i32 from vector<1x1x1xi32>
    %eq3A_324 = arith.constant 1 : i32
    %eq3A_325 = vector.broadcast %eq3A_324 : i32 to vector<1x8xi32>
    %eq3A_326 = arith.cmpi eq, %iota3A_257, %eq3A_325 : vector<1x8xi32>
    %jit3A_327 = arith.constant 0 : i32
    %broadcast_in_dim3A_328 = vector.broadcast %jit3A_327 : i32 to vector<1x8xi32>
    %select_n3A_329 = arith.select %eq3A_326, %mul3A_218, %broadcast_in_dim3A_328 : vector<1x8xi1>, vector<1x8xi32>
    %reduce_sum3A_330 = vector.shape_cast %select_n3A_329 : vector<1x8xi32> to vector<1x1x8xi32>
    %reduce_sum3A_331 = arith.constant dense<0> : vector<1xi32>
    %reduce_sum3A_332 = vector.multi_reduction <add>, %reduce_sum3A_330, %reduce_sum3A_331 [1, 2] : vector<1x1x8xi32> to vector<1xi32>
    %reduce_sum3A_333 = vector.shape_cast %reduce_sum3A_332 : vector<1xi32> to vector<1x1x1xi32>
    %reduce_sum3A_334 = vector.extract %reduce_sum3A_333[0, 0, 0] : i32 from vector<1x1x1xi32>
    %eq3A_335 = arith.constant 1 : i32
    %eq3A_336 = vector.broadcast %eq3A_335 : i32 to vector<1x8xi32>
    %eq3A_337 = arith.cmpi eq, %iota3A_257, %eq3A_336 : vector<1x8xi32>
    %jit3A_338 = arith.constant 0 : i32
    %broadcast_in_dim3A_339 = vector.broadcast %jit3A_338 : i32 to vector<1x8xi32>
    %select_n3A_340 = arith.select %eq3A_337, %add3A_185, %broadcast_in_dim3A_339 : vector<1x8xi1>, vector<1x8xi32>
    %reduce_sum3A_341 = vector.shape_cast %select_n3A_340 : vector<1x8xi32> to vector<1x1x8xi32>
    %reduce_sum3A_342 = arith.constant dense<0> : vector<1xi32>
    %reduce_sum3A_343 = vector.multi_reduction <add>, %reduce_sum3A_341, %reduce_sum3A_342 [1, 2] : vector<1x1x8xi32> to vector<1xi32>
    %reduce_sum3A_344 = vector.shape_cast %reduce_sum3A_343 : vector<1xi32> to vector<1x1x1xi32>
    %reduce_sum3A_345 = vector.extract %reduce_sum3A_344[0, 0, 0] : i32 from vector<1x1x1xi32>
    %ge3A_346 = vector.broadcast %reduce_sum3A_323 : i32 to vector<1x128xi32>
    %ge3A_347 = arith.cmpi sge, %mul3A_261, %ge3A_346 : vector<1x128xi32>
    %add3A_348 = arith.addi %reduce_sum3A_323, %reduce_sum3A_334 : i32
    %lt3A_349 = vector.broadcast %add3A_348 : i32 to vector<1x128xi32>
    %lt3A_350 = arith.cmpi slt, %mul3A_261, %lt3A_349 : vector<1x128xi32>
    %and3A_351 = arith.andi %ge3A_347, %lt3A_350 : vector<1x128xi1>
    %jit3A_352 = arith.constant 1 : i32
    %broadcast_in_dim3A_353 = vector.broadcast %jit3A_352 : i32 to vector<1x128xi32>
    %select_n3A_354 = arith.select %and3A_351, %broadcast_in_dim3A_353, %select_n3A_305 : vector<1x128xi1>, vector<1x128xi32>
    %add3A_355 = arith.addi %reduce_sum3A_323, %reduce_sum3A_345 : i32
    %lt3A_356 = vector.broadcast %add3A_355 : i32 to vector<1x128xi32>
    %lt3A_357 = arith.cmpi slt, %mul3A_261, %lt3A_356 : vector<1x128xi32>
    %and3A_358 = arith.andi %and3A_351, %lt3A_357 : vector<1x128xi1>
    %jit3A_359 = arith.constant 1 : i32
    %broadcast_in_dim3A_360 = vector.broadcast %jit3A_359 : i32 to vector<1x128xi32>
    %select_n3A_361 = arith.select %and3A_358, %broadcast_in_dim3A_360, %select_n3A_312 : vector<1x128xi1>, vector<1x128xi32>
    %eq3A_362 = arith.constant 2 : i32
    %eq3A_363 = vector.broadcast %eq3A_362 : i32 to vector<1x8xi32>
    %eq3A_364 = arith.cmpi eq, %iota3A_257, %eq3A_363 : vector<1x8xi32>
    %jit3A_365 = arith.constant 0 : i32
    %broadcast_in_dim3A_366 = vector.broadcast %jit3A_365 : i32 to vector<1x8xi32>
    %select_n3A_367 = arith.select %eq3A_364, %sub3A_234, %broadcast_in_dim3A_366 : vector<1x8xi1>, vector<1x8xi32>
    %reduce_sum3A_368 = vector.shape_cast %select_n3A_367 : vector<1x8xi32> to vector<1x1x8xi32>
    %reduce_sum3A_369 = arith.constant dense<0> : vector<1xi32>
    %reduce_sum3A_370 = vector.multi_reduction <add>, %reduce_sum3A_368, %reduce_sum3A_369 [1, 2] : vector<1x1x8xi32> to vector<1xi32>
    %reduce_sum3A_371 = vector.shape_cast %reduce_sum3A_370 : vector<1xi32> to vector<1x1x1xi32>
    %reduce_sum3A_372 = vector.extract %reduce_sum3A_371[0, 0, 0] : i32 from vector<1x1x1xi32>
    %eq3A_373 = arith.constant 2 : i32
    %eq3A_374 = vector.broadcast %eq3A_373 : i32 to vector<1x8xi32>
    %eq3A_375 = arith.cmpi eq, %iota3A_257, %eq3A_374 : vector<1x8xi32>
    %jit3A_376 = arith.constant 0 : i32
    %broadcast_in_dim3A_377 = vector.broadcast %jit3A_376 : i32 to vector<1x8xi32>
    %select_n3A_378 = arith.select %eq3A_375, %mul3A_218, %broadcast_in_dim3A_377 : vector<1x8xi1>, vector<1x8xi32>
    %reduce_sum3A_379 = vector.shape_cast %select_n3A_378 : vector<1x8xi32> to vector<1x1x8xi32>
    %reduce_sum3A_380 = arith.constant dense<0> : vector<1xi32>
    %reduce_sum3A_381 = vector.multi_reduction <add>, %reduce_sum3A_379, %reduce_sum3A_380 [1, 2] : vector<1x1x8xi32> to vector<1xi32>
    %reduce_sum3A_382 = vector.shape_cast %reduce_sum3A_381 : vector<1xi32> to vector<1x1x1xi32>
    %reduce_sum3A_383 = vector.extract %reduce_sum3A_382[0, 0, 0] : i32 from vector<1x1x1xi32>
    %eq3A_384 = arith.constant 2 : i32
    %eq3A_385 = vector.broadcast %eq3A_384 : i32 to vector<1x8xi32>
    %eq3A_386 = arith.cmpi eq, %iota3A_257, %eq3A_385 : vector<1x8xi32>
    %jit3A_387 = arith.constant 0 : i32
    %broadcast_in_dim3A_388 = vector.broadcast %jit3A_387 : i32 to vector<1x8xi32>
    %select_n3A_389 = arith.select %eq3A_386, %add3A_185, %broadcast_in_dim3A_388 : vector<1x8xi1>, vector<1x8xi32>
    %reduce_sum3A_390 = vector.shape_cast %select_n3A_389 : vector<1x8xi32> to vector<1x1x8xi32>
    %reduce_sum3A_391 = arith.constant dense<0> : vector<1xi32>
    %reduce_sum3A_392 = vector.multi_reduction <add>, %reduce_sum3A_390, %reduce_sum3A_391 [1, 2] : vector<1x1x8xi32> to vector<1xi32>
    %reduce_sum3A_393 = vector.shape_cast %reduce_sum3A_392 : vector<1xi32> to vector<1x1x1xi32>
    %reduce_sum3A_394 = vector.extract %reduce_sum3A_393[0, 0, 0] : i32 from vector<1x1x1xi32>
    %ge3A_395 = vector.broadcast %reduce_sum3A_372 : i32 to vector<1x128xi32>
    %ge3A_396 = arith.cmpi sge, %mul3A_261, %ge3A_395 : vector<1x128xi32>
    %add3A_397 = arith.addi %reduce_sum3A_372, %reduce_sum3A_383 : i32
    %lt3A_398 = vector.broadcast %add3A_397 : i32 to vector<1x128xi32>
    %lt3A_399 = arith.cmpi slt, %mul3A_261, %lt3A_398 : vector<1x128xi32>
    %and3A_400 = arith.andi %ge3A_396, %lt3A_399 : vector<1x128xi1>
    %jit3A_401 = arith.constant 2 : i32
    %broadcast_in_dim3A_402 = vector.broadcast %jit3A_401 : i32 to vector<1x128xi32>
    %select_n3A_403 = arith.select %and3A_400, %broadcast_in_dim3A_402, %select_n3A_354 : vector<1x128xi1>, vector<1x128xi32>
    %add3A_404 = arith.addi %reduce_sum3A_372, %reduce_sum3A_394 : i32
    %lt3A_405 = vector.broadcast %add3A_404 : i32 to vector<1x128xi32>
    %lt3A_406 = arith.cmpi slt, %mul3A_261, %lt3A_405 : vector<1x128xi32>
    %and3A_407 = arith.andi %and3A_400, %lt3A_406 : vector<1x128xi1>
    %jit3A_408 = arith.constant 1 : i32
    %broadcast_in_dim3A_409 = vector.broadcast %jit3A_408 : i32 to vector<1x128xi32>
    %select_n3A_410 = arith.select %and3A_407, %broadcast_in_dim3A_409, %select_n3A_361 : vector<1x128xi1>, vector<1x128xi32>
    %eq3A_411 = arith.constant 3 : i32
    %eq3A_412 = vector.broadcast %eq3A_411 : i32 to vector<1x8xi32>
    %eq3A_413 = arith.cmpi eq, %iota3A_257, %eq3A_412 : vector<1x8xi32>
    %jit3A_414 = arith.constant 0 : i32
    %broadcast_in_dim3A_415 = vector.broadcast %jit3A_414 : i32 to vector<1x8xi32>
    %select_n3A_416 = arith.select %eq3A_413, %sub3A_234, %broadcast_in_dim3A_415 : vector<1x8xi1>, vector<1x8xi32>
    %reduce_sum3A_417 = vector.shape_cast %select_n3A_416 : vector<1x8xi32> to vector<1x1x8xi32>
    %reduce_sum3A_418 = arith.constant dense<0> : vector<1xi32>
    %reduce_sum3A_419 = vector.multi_reduction <add>, %reduce_sum3A_417, %reduce_sum3A_418 [1, 2] : vector<1x1x8xi32> to vector<1xi32>
    %reduce_sum3A_420 = vector.shape_cast %reduce_sum3A_419 : vector<1xi32> to vector<1x1x1xi32>
    %reduce_sum3A_421 = vector.extract %reduce_sum3A_420[0, 0, 0] : i32 from vector<1x1x1xi32>
    %eq3A_422 = arith.constant 3 : i32
    %eq3A_423 = vector.broadcast %eq3A_422 : i32 to vector<1x8xi32>
    %eq3A_424 = arith.cmpi eq, %iota3A_257, %eq3A_423 : vector<1x8xi32>
    %jit3A_425 = arith.constant 0 : i32
    %broadcast_in_dim3A_426 = vector.broadcast %jit3A_425 : i32 to vector<1x8xi32>
    %select_n3A_427 = arith.select %eq3A_424, %mul3A_218, %broadcast_in_dim3A_426 : vector<1x8xi1>, vector<1x8xi32>
    %reduce_sum3A_428 = vector.shape_cast %select_n3A_427 : vector<1x8xi32> to vector<1x1x8xi32>
    %reduce_sum3A_429 = arith.constant dense<0> : vector<1xi32>
    %reduce_sum3A_430 = vector.multi_reduction <add>, %reduce_sum3A_428, %reduce_sum3A_429 [1, 2] : vector<1x1x8xi32> to vector<1xi32>
    %reduce_sum3A_431 = vector.shape_cast %reduce_sum3A_430 : vector<1xi32> to vector<1x1x1xi32>
    %reduce_sum3A_432 = vector.extract %reduce_sum3A_431[0, 0, 0] : i32 from vector<1x1x1xi32>
    %eq3A_433 = arith.constant 3 : i32
    %eq3A_434 = vector.broadcast %eq3A_433 : i32 to vector<1x8xi32>
    %eq3A_435 = arith.cmpi eq, %iota3A_257, %eq3A_434 : vector<1x8xi32>
    %jit3A_436 = arith.constant 0 : i32
    %broadcast_in_dim3A_437 = vector.broadcast %jit3A_436 : i32 to vector<1x8xi32>
    %select_n3A_438 = arith.select %eq3A_435, %add3A_185, %broadcast_in_dim3A_437 : vector<1x8xi1>, vector<1x8xi32>
    %reduce_sum3A_439 = vector.shape_cast %select_n3A_438 : vector<1x8xi32> to vector<1x1x8xi32>
    %reduce_sum3A_440 = arith.constant dense<0> : vector<1xi32>
    %reduce_sum3A_441 = vector.multi_reduction <add>, %reduce_sum3A_439, %reduce_sum3A_440 [1, 2] : vector<1x1x8xi32> to vector<1xi32>
    %reduce_sum3A_442 = vector.shape_cast %reduce_sum3A_441 : vector<1xi32> to vector<1x1x1xi32>
    %reduce_sum3A_443 = vector.extract %reduce_sum3A_442[0, 0, 0] : i32 from vector<1x1x1xi32>
    %ge3A_444 = vector.broadcast %reduce_sum3A_421 : i32 to vector<1x128xi32>
    %ge3A_445 = arith.cmpi sge, %mul3A_261, %ge3A_444 : vector<1x128xi32>
    %add3A_446 = arith.addi %reduce_sum3A_421, %reduce_sum3A_432 : i32
    %lt3A_447 = vector.broadcast %add3A_446 : i32 to vector<1x128xi32>
    %lt3A_448 = arith.cmpi slt, %mul3A_261, %lt3A_447 : vector<1x128xi32>
    %and3A_449 = arith.andi %ge3A_445, %lt3A_448 : vector<1x128xi1>
    %jit3A_450 = arith.constant 3 : i32
    %broadcast_in_dim3A_451 = vector.broadcast %jit3A_450 : i32 to vector<1x128xi32>
    %select_n3A_452 = arith.select %and3A_449, %broadcast_in_dim3A_451, %select_n3A_403 : vector<1x128xi1>, vector<1x128xi32>
    %add3A_453 = arith.addi %reduce_sum3A_421, %reduce_sum3A_443 : i32
    %lt3A_454 = vector.broadcast %add3A_453 : i32 to vector<1x128xi32>
    %lt3A_455 = arith.cmpi slt, %mul3A_261, %lt3A_454 : vector<1x128xi32>
    %and3A_456 = arith.andi %and3A_449, %lt3A_455 : vector<1x128xi1>
    %jit3A_457 = arith.constant 1 : i32
    %broadcast_in_dim3A_458 = vector.broadcast %jit3A_457 : i32 to vector<1x128xi32>
    %select_n3A_459 = arith.select %and3A_456, %broadcast_in_dim3A_458, %select_n3A_410 : vector<1x128xi1>, vector<1x128xi32>
    %eq3A_460 = arith.constant 4 : i32
    %eq3A_461 = vector.broadcast %eq3A_460 : i32 to vector<1x8xi32>
    %eq3A_462 = arith.cmpi eq, %iota3A_257, %eq3A_461 : vector<1x8xi32>
    %jit3A_463 = arith.constant 0 : i32
    %broadcast_in_dim3A_464 = vector.broadcast %jit3A_463 : i32 to vector<1x8xi32>
    %select_n3A_465 = arith.select %eq3A_462, %sub3A_234, %broadcast_in_dim3A_464 : vector<1x8xi1>, vector<1x8xi32>
    %reduce_sum3A_466 = vector.shape_cast %select_n3A_465 : vector<1x8xi32> to vector<1x1x8xi32>
    %reduce_sum3A_467 = arith.constant dense<0> : vector<1xi32>
    %reduce_sum3A_468 = vector.multi_reduction <add>, %reduce_sum3A_466, %reduce_sum3A_467 [1, 2] : vector<1x1x8xi32> to vector<1xi32>
    %reduce_sum3A_469 = vector.shape_cast %reduce_sum3A_468 : vector<1xi32> to vector<1x1x1xi32>
    %reduce_sum3A_470 = vector.extract %reduce_sum3A_469[0, 0, 0] : i32 from vector<1x1x1xi32>
    %eq3A_471 = arith.constant 4 : i32
    %eq3A_472 = vector.broadcast %eq3A_471 : i32 to vector<1x8xi32>
    %eq3A_473 = arith.cmpi eq, %iota3A_257, %eq3A_472 : vector<1x8xi32>
    %jit3A_474 = arith.constant 0 : i32
    %broadcast_in_dim3A_475 = vector.broadcast %jit3A_474 : i32 to vector<1x8xi32>
    %select_n3A_476 = arith.select %eq3A_473, %mul3A_218, %broadcast_in_dim3A_475 : vector<1x8xi1>, vector<1x8xi32>
    %reduce_sum3A_477 = vector.shape_cast %select_n3A_476 : vector<1x8xi32> to vector<1x1x8xi32>
    %reduce_sum3A_478 = arith.constant dense<0> : vector<1xi32>
    %reduce_sum3A_479 = vector.multi_reduction <add>, %reduce_sum3A_477, %reduce_sum3A_478 [1, 2] : vector<1x1x8xi32> to vector<1xi32>
    %reduce_sum3A_480 = vector.shape_cast %reduce_sum3A_479 : vector<1xi32> to vector<1x1x1xi32>
    %reduce_sum3A_481 = vector.extract %reduce_sum3A_480[0, 0, 0] : i32 from vector<1x1x1xi32>
    %eq3A_482 = arith.constant 4 : i32
    %eq3A_483 = vector.broadcast %eq3A_482 : i32 to vector<1x8xi32>
    %eq3A_484 = arith.cmpi eq, %iota3A_257, %eq3A_483 : vector<1x8xi32>
    %jit3A_485 = arith.constant 0 : i32
    %broadcast_in_dim3A_486 = vector.broadcast %jit3A_485 : i32 to vector<1x8xi32>
    %select_n3A_487 = arith.select %eq3A_484, %add3A_185, %broadcast_in_dim3A_486 : vector<1x8xi1>, vector<1x8xi32>
    %reduce_sum3A_488 = vector.shape_cast %select_n3A_487 : vector<1x8xi32> to vector<1x1x8xi32>
    %reduce_sum3A_489 = arith.constant dense<0> : vector<1xi32>
    %reduce_sum3A_490 = vector.multi_reduction <add>, %reduce_sum3A_488, %reduce_sum3A_489 [1, 2] : vector<1x1x8xi32> to vector<1xi32>
    %reduce_sum3A_491 = vector.shape_cast %reduce_sum3A_490 : vector<1xi32> to vector<1x1x1xi32>
    %reduce_sum3A_492 = vector.extract %reduce_sum3A_491[0, 0, 0] : i32 from vector<1x1x1xi32>
    %ge3A_493 = vector.broadcast %reduce_sum3A_470 : i32 to vector<1x128xi32>
    %ge3A_494 = arith.cmpi sge, %mul3A_261, %ge3A_493 : vector<1x128xi32>
    %add3A_495 = arith.addi %reduce_sum3A_470, %reduce_sum3A_481 : i32
    %lt3A_496 = vector.broadcast %add3A_495 : i32 to vector<1x128xi32>
    %lt3A_497 = arith.cmpi slt, %mul3A_261, %lt3A_496 : vector<1x128xi32>
    %and3A_498 = arith.andi %ge3A_494, %lt3A_497 : vector<1x128xi1>
    %jit3A_499 = arith.constant 4 : i32
    %broadcast_in_dim3A_500 = vector.broadcast %jit3A_499 : i32 to vector<1x128xi32>
    %select_n3A_501 = arith.select %and3A_498, %broadcast_in_dim3A_500, %select_n3A_452 : vector<1x128xi1>, vector<1x128xi32>
    %add3A_502 = arith.addi %reduce_sum3A_470, %reduce_sum3A_492 : i32
    %lt3A_503 = vector.broadcast %add3A_502 : i32 to vector<1x128xi32>
    %lt3A_504 = arith.cmpi slt, %mul3A_261, %lt3A_503 : vector<1x128xi32>
    %and3A_505 = arith.andi %and3A_498, %lt3A_504 : vector<1x128xi1>
    %jit3A_506 = arith.constant 1 : i32
    %broadcast_in_dim3A_507 = vector.broadcast %jit3A_506 : i32 to vector<1x128xi32>
    %select_n3A_508 = arith.select %and3A_505, %broadcast_in_dim3A_507, %select_n3A_459 : vector<1x128xi1>, vector<1x128xi32>
    %eq3A_509 = arith.constant 5 : i32
    %eq3A_510 = vector.broadcast %eq3A_509 : i32 to vector<1x8xi32>
    %eq3A_511 = arith.cmpi eq, %iota3A_257, %eq3A_510 : vector<1x8xi32>
    %jit3A_512 = arith.constant 0 : i32
    %broadcast_in_dim3A_513 = vector.broadcast %jit3A_512 : i32 to vector<1x8xi32>
    %select_n3A_514 = arith.select %eq3A_511, %sub3A_234, %broadcast_in_dim3A_513 : vector<1x8xi1>, vector<1x8xi32>
    %reduce_sum3A_515 = vector.shape_cast %select_n3A_514 : vector<1x8xi32> to vector<1x1x8xi32>
    %reduce_sum3A_516 = arith.constant dense<0> : vector<1xi32>
    %reduce_sum3A_517 = vector.multi_reduction <add>, %reduce_sum3A_515, %reduce_sum3A_516 [1, 2] : vector<1x1x8xi32> to vector<1xi32>
    %reduce_sum3A_518 = vector.shape_cast %reduce_sum3A_517 : vector<1xi32> to vector<1x1x1xi32>
    %reduce_sum3A_519 = vector.extract %reduce_sum3A_518[0, 0, 0] : i32 from vector<1x1x1xi32>
    %eq3A_520 = arith.constant 5 : i32
    %eq3A_521 = vector.broadcast %eq3A_520 : i32 to vector<1x8xi32>
    %eq3A_522 = arith.cmpi eq, %iota3A_257, %eq3A_521 : vector<1x8xi32>
    %jit3A_523 = arith.constant 0 : i32
    %broadcast_in_dim3A_524 = vector.broadcast %jit3A_523 : i32 to vector<1x8xi32>
    %select_n3A_525 = arith.select %eq3A_522, %mul3A_218, %broadcast_in_dim3A_524 : vector<1x8xi1>, vector<1x8xi32>
    %reduce_sum3A_526 = vector.shape_cast %select_n3A_525 : vector<1x8xi32> to vector<1x1x8xi32>
    %reduce_sum3A_527 = arith.constant dense<0> : vector<1xi32>
    %reduce_sum3A_528 = vector.multi_reduction <add>, %reduce_sum3A_526, %reduce_sum3A_527 [1, 2] : vector<1x1x8xi32> to vector<1xi32>
    %reduce_sum3A_529 = vector.shape_cast %reduce_sum3A_528 : vector<1xi32> to vector<1x1x1xi32>
    %reduce_sum3A_530 = vector.extract %reduce_sum3A_529[0, 0, 0] : i32 from vector<1x1x1xi32>
    %eq3A_531 = arith.constant 5 : i32
    %eq3A_532 = vector.broadcast %eq3A_531 : i32 to vector<1x8xi32>
    %eq3A_533 = arith.cmpi eq, %iota3A_257, %eq3A_532 : vector<1x8xi32>
    %jit3A_534 = arith.constant 0 : i32
    %broadcast_in_dim3A_535 = vector.broadcast %jit3A_534 : i32 to vector<1x8xi32>
    %select_n3A_536 = arith.select %eq3A_533, %add3A_185, %broadcast_in_dim3A_535 : vector<1x8xi1>, vector<1x8xi32>
    %reduce_sum3A_537 = vector.shape_cast %select_n3A_536 : vector<1x8xi32> to vector<1x1x8xi32>
    %reduce_sum3A_538 = arith.constant dense<0> : vector<1xi32>
    %reduce_sum3A_539 = vector.multi_reduction <add>, %reduce_sum3A_537, %reduce_sum3A_538 [1, 2] : vector<1x1x8xi32> to vector<1xi32>
    %reduce_sum3A_540 = vector.shape_cast %reduce_sum3A_539 : vector<1xi32> to vector<1x1x1xi32>
    %reduce_sum3A_541 = vector.extract %reduce_sum3A_540[0, 0, 0] : i32 from vector<1x1x1xi32>
    %ge3A_542 = vector.broadcast %reduce_sum3A_519 : i32 to vector<1x128xi32>
    %ge3A_543 = arith.cmpi sge, %mul3A_261, %ge3A_542 : vector<1x128xi32>
    %add3A_544 = arith.addi %reduce_sum3A_519, %reduce_sum3A_530 : i32
    %lt3A_545 = vector.broadcast %add3A_544 : i32 to vector<1x128xi32>
    %lt3A_546 = arith.cmpi slt, %mul3A_261, %lt3A_545 : vector<1x128xi32>
    %and3A_547 = arith.andi %ge3A_543, %lt3A_546 : vector<1x128xi1>
    %jit3A_548 = arith.constant 5 : i32
    %broadcast_in_dim3A_549 = vector.broadcast %jit3A_548 : i32 to vector<1x128xi32>
    %select_n3A_550 = arith.select %and3A_547, %broadcast_in_dim3A_549, %select_n3A_501 : vector<1x128xi1>, vector<1x128xi32>
    %add3A_551 = arith.addi %reduce_sum3A_519, %reduce_sum3A_541 : i32
    %lt3A_552 = vector.broadcast %add3A_551 : i32 to vector<1x128xi32>
    %lt3A_553 = arith.cmpi slt, %mul3A_261, %lt3A_552 : vector<1x128xi32>
    %and3A_554 = arith.andi %and3A_547, %lt3A_553 : vector<1x128xi1>
    %jit3A_555 = arith.constant 1 : i32
    %broadcast_in_dim3A_556 = vector.broadcast %jit3A_555 : i32 to vector<1x128xi32>
    %select_n3A_557 = arith.select %and3A_554, %broadcast_in_dim3A_556, %select_n3A_508 : vector<1x128xi1>, vector<1x128xi32>
    %eq3A_558 = arith.constant 6 : i32
    %eq3A_559 = vector.broadcast %eq3A_558 : i32 to vector<1x8xi32>
    %eq3A_560 = arith.cmpi eq, %iota3A_257, %eq3A_559 : vector<1x8xi32>
    %jit3A_561 = arith.constant 0 : i32
    %broadcast_in_dim3A_562 = vector.broadcast %jit3A_561 : i32 to vector<1x8xi32>
    %select_n3A_563 = arith.select %eq3A_560, %sub3A_234, %broadcast_in_dim3A_562 : vector<1x8xi1>, vector<1x8xi32>
    %reduce_sum3A_564 = vector.shape_cast %select_n3A_563 : vector<1x8xi32> to vector<1x1x8xi32>
    %reduce_sum3A_565 = arith.constant dense<0> : vector<1xi32>
    %reduce_sum3A_566 = vector.multi_reduction <add>, %reduce_sum3A_564, %reduce_sum3A_565 [1, 2] : vector<1x1x8xi32> to vector<1xi32>
    %reduce_sum3A_567 = vector.shape_cast %reduce_sum3A_566 : vector<1xi32> to vector<1x1x1xi32>
    %reduce_sum3A_568 = vector.extract %reduce_sum3A_567[0, 0, 0] : i32 from vector<1x1x1xi32>
    %eq3A_569 = arith.constant 6 : i32
    %eq3A_570 = vector.broadcast %eq3A_569 : i32 to vector<1x8xi32>
    %eq3A_571 = arith.cmpi eq, %iota3A_257, %eq3A_570 : vector<1x8xi32>
    %jit3A_572 = arith.constant 0 : i32
    %broadcast_in_dim3A_573 = vector.broadcast %jit3A_572 : i32 to vector<1x8xi32>
    %select_n3A_574 = arith.select %eq3A_571, %mul3A_218, %broadcast_in_dim3A_573 : vector<1x8xi1>, vector<1x8xi32>
    %reduce_sum3A_575 = vector.shape_cast %select_n3A_574 : vector<1x8xi32> to vector<1x1x8xi32>
    %reduce_sum3A_576 = arith.constant dense<0> : vector<1xi32>
    %reduce_sum3A_577 = vector.multi_reduction <add>, %reduce_sum3A_575, %reduce_sum3A_576 [1, 2] : vector<1x1x8xi32> to vector<1xi32>
    %reduce_sum3A_578 = vector.shape_cast %reduce_sum3A_577 : vector<1xi32> to vector<1x1x1xi32>
    %reduce_sum3A_579 = vector.extract %reduce_sum3A_578[0, 0, 0] : i32 from vector<1x1x1xi32>
    %eq3A_580 = arith.constant 6 : i32
    %eq3A_581 = vector.broadcast %eq3A_580 : i32 to vector<1x8xi32>
    %eq3A_582 = arith.cmpi eq, %iota3A_257, %eq3A_581 : vector<1x8xi32>
    %jit3A_583 = arith.constant 0 : i32
    %broadcast_in_dim3A_584 = vector.broadcast %jit3A_583 : i32 to vector<1x8xi32>
    %select_n3A_585 = arith.select %eq3A_582, %add3A_185, %broadcast_in_dim3A_584 : vector<1x8xi1>, vector<1x8xi32>
    %reduce_sum3A_586 = vector.shape_cast %select_n3A_585 : vector<1x8xi32> to vector<1x1x8xi32>
    %reduce_sum3A_587 = arith.constant dense<0> : vector<1xi32>
    %reduce_sum3A_588 = vector.multi_reduction <add>, %reduce_sum3A_586, %reduce_sum3A_587 [1, 2] : vector<1x1x8xi32> to vector<1xi32>
    %reduce_sum3A_589 = vector.shape_cast %reduce_sum3A_588 : vector<1xi32> to vector<1x1x1xi32>
    %reduce_sum3A_590 = vector.extract %reduce_sum3A_589[0, 0, 0] : i32 from vector<1x1x1xi32>
    %ge3A_591 = vector.broadcast %reduce_sum3A_568 : i32 to vector<1x128xi32>
    %ge3A_592 = arith.cmpi sge, %mul3A_261, %ge3A_591 : vector<1x128xi32>
    %add3A_593 = arith.addi %reduce_sum3A_568, %reduce_sum3A_579 : i32
    %lt3A_594 = vector.broadcast %add3A_593 : i32 to vector<1x128xi32>
    %lt3A_595 = arith.cmpi slt, %mul3A_261, %lt3A_594 : vector<1x128xi32>
    %and3A_596 = arith.andi %ge3A_592, %lt3A_595 : vector<1x128xi1>
    %jit3A_597 = arith.constant 6 : i32
    %broadcast_in_dim3A_598 = vector.broadcast %jit3A_597 : i32 to vector<1x128xi32>
    %select_n3A_599 = arith.select %and3A_596, %broadcast_in_dim3A_598, %select_n3A_550 : vector<1x128xi1>, vector<1x128xi32>
    %add3A_600 = arith.addi %reduce_sum3A_568, %reduce_sum3A_590 : i32
    %lt3A_601 = vector.broadcast %add3A_600 : i32 to vector<1x128xi32>
    %lt3A_602 = arith.cmpi slt, %mul3A_261, %lt3A_601 : vector<1x128xi32>
    %and3A_603 = arith.andi %and3A_596, %lt3A_602 : vector<1x128xi1>
    %jit3A_604 = arith.constant 1 : i32
    %broadcast_in_dim3A_605 = vector.broadcast %jit3A_604 : i32 to vector<1x128xi32>
    %select_n3A_606 = arith.select %and3A_603, %broadcast_in_dim3A_605, %select_n3A_557 : vector<1x128xi1>, vector<1x128xi32>
    %eq3A_607 = arith.constant 7 : i32
    %eq3A_608 = vector.broadcast %eq3A_607 : i32 to vector<1x8xi32>
    %eq3A_609 = arith.cmpi eq, %iota3A_257, %eq3A_608 : vector<1x8xi32>
    %jit3A_610 = arith.constant 0 : i32
    %broadcast_in_dim3A_611 = vector.broadcast %jit3A_610 : i32 to vector<1x8xi32>
    %select_n3A_612 = arith.select %eq3A_609, %sub3A_234, %broadcast_in_dim3A_611 : vector<1x8xi1>, vector<1x8xi32>
    %reduce_sum3A_613 = vector.shape_cast %select_n3A_612 : vector<1x8xi32> to vector<1x1x8xi32>
    %reduce_sum3A_614 = arith.constant dense<0> : vector<1xi32>
    %reduce_sum3A_615 = vector.multi_reduction <add>, %reduce_sum3A_613, %reduce_sum3A_614 [1, 2] : vector<1x1x8xi32> to vector<1xi32>
    %reduce_sum3A_616 = vector.shape_cast %reduce_sum3A_615 : vector<1xi32> to vector<1x1x1xi32>
    %reduce_sum3A_617 = vector.extract %reduce_sum3A_616[0, 0, 0] : i32 from vector<1x1x1xi32>
    %eq3A_618 = arith.constant 7 : i32
    %eq3A_619 = vector.broadcast %eq3A_618 : i32 to vector<1x8xi32>
    %eq3A_620 = arith.cmpi eq, %iota3A_257, %eq3A_619 : vector<1x8xi32>
    %jit3A_621 = arith.constant 0 : i32
    %broadcast_in_dim3A_622 = vector.broadcast %jit3A_621 : i32 to vector<1x8xi32>
    %select_n3A_623 = arith.select %eq3A_620, %mul3A_218, %broadcast_in_dim3A_622 : vector<1x8xi1>, vector<1x8xi32>
    %reduce_sum3A_624 = vector.shape_cast %select_n3A_623 : vector<1x8xi32> to vector<1x1x8xi32>
    %reduce_sum3A_625 = arith.constant dense<0> : vector<1xi32>
    %reduce_sum3A_626 = vector.multi_reduction <add>, %reduce_sum3A_624, %reduce_sum3A_625 [1, 2] : vector<1x1x8xi32> to vector<1xi32>
    %reduce_sum3A_627 = vector.shape_cast %reduce_sum3A_626 : vector<1xi32> to vector<1x1x1xi32>
    %reduce_sum3A_628 = vector.extract %reduce_sum3A_627[0, 0, 0] : i32 from vector<1x1x1xi32>
    %eq3A_629 = arith.constant 7 : i32
    %eq3A_630 = vector.broadcast %eq3A_629 : i32 to vector<1x8xi32>
    %eq3A_631 = arith.cmpi eq, %iota3A_257, %eq3A_630 : vector<1x8xi32>
    %jit3A_632 = arith.constant 0 : i32
    %broadcast_in_dim3A_633 = vector.broadcast %jit3A_632 : i32 to vector<1x8xi32>
    %select_n3A_634 = arith.select %eq3A_631, %add3A_185, %broadcast_in_dim3A_633 : vector<1x8xi1>, vector<1x8xi32>
    %reduce_sum3A_635 = vector.shape_cast %select_n3A_634 : vector<1x8xi32> to vector<1x1x8xi32>
    %reduce_sum3A_636 = arith.constant dense<0> : vector<1xi32>
    %reduce_sum3A_637 = vector.multi_reduction <add>, %reduce_sum3A_635, %reduce_sum3A_636 [1, 2] : vector<1x1x8xi32> to vector<1xi32>
    %reduce_sum3A_638 = vector.shape_cast %reduce_sum3A_637 : vector<1xi32> to vector<1x1x1xi32>
    %reduce_sum3A_639 = vector.extract %reduce_sum3A_638[0, 0, 0] : i32 from vector<1x1x1xi32>
    %ge3A_640 = vector.broadcast %reduce_sum3A_617 : i32 to vector<1x128xi32>
    %ge3A_641 = arith.cmpi sge, %mul3A_261, %ge3A_640 : vector<1x128xi32>
    %add3A_642 = arith.addi %reduce_sum3A_617, %reduce_sum3A_628 : i32
    %lt3A_643 = vector.broadcast %add3A_642 : i32 to vector<1x128xi32>
    %lt3A_644 = arith.cmpi slt, %mul3A_261, %lt3A_643 : vector<1x128xi32>
    %and3A_645 = arith.andi %ge3A_641, %lt3A_644 : vector<1x128xi1>
    %jit3A_646 = arith.constant 7 : i32
    %broadcast_in_dim3A_647 = vector.broadcast %jit3A_646 : i32 to vector<1x128xi32>
    %select_n3A_648 = arith.select %and3A_645, %broadcast_in_dim3A_647, %select_n3A_599 : vector<1x128xi1>, vector<1x128xi32>
    %add3A_649 = arith.addi %reduce_sum3A_617, %reduce_sum3A_639 : i32
    %lt3A_650 = vector.broadcast %add3A_649 : i32 to vector<1x128xi32>
    %lt3A_651 = arith.cmpi slt, %mul3A_261, %lt3A_650 : vector<1x128xi32>
    %and3A_652 = arith.andi %and3A_645, %lt3A_651 : vector<1x128xi1>
    %jit3A_653 = arith.constant 1 : i32
    %broadcast_in_dim3A_654 = vector.broadcast %jit3A_653 : i32 to vector<1x128xi32>
    %select_n3A_655 = arith.select %and3A_652, %broadcast_in_dim3A_654, %select_n3A_606 : vector<1x128xi1>, vector<1x128xi32>
    %swap3A_656 = arith.constant 0 : index
    %swap3A_657 = arith.constant 0 : index
    %swap3A_658 = vector.load %arg8[%swap3A_656, %swap3A_657] : memref<1x128xi32, #tpu.memory_space<vmem>>, vector<1x128xi32>
    tpu.vector_store %arg8[%swap3A_656, %swap3A_657], %select_n3A_648 {strides = array<i32>} : memref<1x128xi32, #tpu.memory_space<vmem>>, vector<1x128xi32>,
    %swap3A_659 = arith.constant 0 : index
    %swap3A_660 = arith.constant 0 : index
    %swap3A_661 = vector.load %arg9[%swap3A_659, %swap3A_660] : memref<1x128xi32, #tpu.memory_space<vmem>>, vector<1x128xi32>
    tpu.vector_store %arg9[%swap3A_659, %swap3A_660], %select_n3A_655 {strides = array<i32>} : memref<1x128xi32, #tpu.memory_space<vmem>>, vector<1x128xi32>,
    return
  }
}

module attributes {stable_mosaic.version = 14 : i64} {
  func.func @_group_body(%arg0: i32, %arg1: i32, %arg2: memref<24xi32, #tpu.memory_space<smem>>, %arg3: memref<24xi32, #tpu.memory_space<smem>>, %arg4: memref<24xi32, #tpu.memory_space<smem>>, %arg5: memref<256x768xf32, #tpu.memory_space<vmem>>, %arg6: memref<1x1024x768xf32, #tpu.memory_space<vmem>>, %arg7: memref<1x1024x768xf32, #tpu.memory_space<vmem>>, %arg8: memref<1x768x1024xf32, #tpu.memory_space<vmem>>, %arg9: memref<256x768xf32, #tpu.memory_space<vmem>>, %arg10: memref<2x1024x768xbf16, #tpu.memory_space<vmem>>, %arg11: memref<2x1024x768xbf16, #tpu.memory_space<vmem>>, %arg12: memref<2x768x1024xbf16, #tpu.memory_space<vmem>>) attributes {dimension_semantics = [#tpu.dimension_semantics<arbitrary>, #tpu.dimension_semantics<arbitrary>], iteration_bounds = array<i64: 24, 2>, scalar_prefetch = 3 : i64, scratch_operands = 3 : i64, tpu.core_type = #tpu.core_type<tc>, window_params = [{transform_indices = @transform_0, window_bounds = array<i64: 256, 768>}, {transform_indices = @transform_1, window_bounds = array<i64: 1, 1024, 768>}, {transform_indices = @transform_2, window_bounds = array<i64: 1, 1024, 768>}, {transform_indices = @transform_3, window_bounds = array<i64: 1, 768, 1024>}, {transform_indices = @transform_4, window_bounds = array<i64: 256, 768>}]} {
    %get3A = arith.index_cast %arg0 : i32 to index
    %get3A_0 = memref.load %arg4[%get3A] : memref<24xi32, #tpu.memory_space<smem>>
    %eq3A = arith.constant 1 : i32
    %eq3A_1 = arith.cmpi eq, %get3A_0, %eq3A : i32
    %convert_element_type3A = arith.extui %eq3A_1 : i1 to i32
    %cond3A = arith.constant 0 : i32
    %cond3A_2 = arith.cmpi ne, %convert_element_type3A, %cond3A : i32
    scf.if %cond3A_2 {
      %get3A_10 = arith.constant 0 : index
      %get3A_11 = arith.constant 0 : index
      %get3A_12 = arith.constant 0 : index
      %get3A_13 = vector.load %arg6[%get3A_10, %get3A_11, %get3A_12] : memref<1x1024x768xf32, #tpu.memory_space<vmem>>, vector<1x1024x768xf32>
      %get3A_14 = vector.shape_cast %get3A_13 : vector<1x1024x768xf32> to vector<1024x768xf32>
      %convert_element_type3A_15 = arith.truncf %get3A_14 : vector<1024x768xf32> to vector<1024x768xbf16>
      %swap3A = arith.index_cast %arg1 : i32 to index
      %swap3A_16 = arith.constant 0 : index
      %swap3A_17 = arith.constant 0 : index
      %swap3A_18 = vector.load %arg10[%swap3A, %swap3A_16, %swap3A_17] : memref<2x1024x768xbf16, #tpu.memory_space<vmem>>, vector<1x1024x768xbf16>
      %swap3A_19 = vector.shape_cast %swap3A_18 : vector<1x1024x768xbf16> to vector<1024x768xbf16>
      %swap3A_20 = vector.shape_cast %convert_element_type3A_15 : vector<1024x768xbf16> to vector<1x1024x768xbf16>
      tpu.vector_store %arg10[%swap3A, %swap3A_16, %swap3A_17], %swap3A_20 {strides = array<i32>} : memref<2x1024x768xbf16, #tpu.memory_space<vmem>>, vector<1x1024x768xbf16>,
      %get3A_21 = arith.constant 0 : index
      %get3A_22 = arith.constant 0 : index
      %get3A_23 = arith.constant 0 : index
      %get3A_24 = vector.load %arg7[%get3A_21, %get3A_22, %get3A_23] : memref<1x1024x768xf32, #tpu.memory_space<vmem>>, vector<1x1024x768xf32>
      %get3A_25 = vector.shape_cast %get3A_24 : vector<1x1024x768xf32> to vector<1024x768xf32>
      %convert_element_type3A_26 = arith.truncf %get3A_25 : vector<1024x768xf32> to vector<1024x768xbf16>
      %swap3A_27 = arith.index_cast %arg1 : i32 to index
      %swap3A_28 = arith.constant 0 : index
      %swap3A_29 = arith.constant 0 : index
      %swap3A_30 = vector.load %arg11[%swap3A_27, %swap3A_28, %swap3A_29] : memref<2x1024x768xbf16, #tpu.memory_space<vmem>>, vector<1x1024x768xbf16>
      %swap3A_31 = vector.shape_cast %swap3A_30 : vector<1x1024x768xbf16> to vector<1024x768xbf16>
      %swap3A_32 = vector.shape_cast %convert_element_type3A_26 : vector<1024x768xbf16> to vector<1x1024x768xbf16>
      tpu.vector_store %arg11[%swap3A_27, %swap3A_28, %swap3A_29], %swap3A_32 {strides = array<i32>} : memref<2x1024x768xbf16, #tpu.memory_space<vmem>>, vector<1x1024x768xbf16>,
      %get3A_33 = arith.constant 0 : index
      %get3A_34 = arith.constant 0 : index
      %get3A_35 = arith.constant 0 : index
      %get3A_36 = vector.load %arg8[%get3A_33, %get3A_34, %get3A_35] : memref<1x768x1024xf32, #tpu.memory_space<vmem>>, vector<1x768x1024xf32>
      %get3A_37 = vector.shape_cast %get3A_36 : vector<1x768x1024xf32> to vector<768x1024xf32>
      %convert_element_type3A_38 = arith.truncf %get3A_37 : vector<768x1024xf32> to vector<768x1024xbf16>
      %swap3A_39 = arith.index_cast %arg1 : i32 to index
      %swap3A_40 = arith.constant 0 : index
      %swap3A_41 = arith.constant 0 : index
      %swap3A_42 = vector.load %arg12[%swap3A_39, %swap3A_40, %swap3A_41] : memref<2x768x1024xbf16, #tpu.memory_space<vmem>>, vector<1x768x1024xbf16>
      %swap3A_43 = vector.shape_cast %swap3A_42 : vector<1x768x1024xbf16> to vector<768x1024xbf16>
      %swap3A_44 = vector.shape_cast %convert_element_type3A_38 : vector<768x1024xbf16> to vector<1x768x1024xbf16>
      tpu.vector_store %arg12[%swap3A_39, %swap3A_40, %swap3A_41], %swap3A_44 {strides = array<i32>} : memref<2x768x1024xbf16, #tpu.memory_space<vmem>>, vector<1x768x1024xbf16>,
    } else {
    }
    %get3A_3 = arith.index_cast %arg0 : i32 to index
    %get3A_4 = memref.load %arg3[%get3A_3] : memref<24xi32, #tpu.memory_space<smem>>
    %eq3A_5 = arith.constant 1 : i32
    %eq3A_6 = arith.cmpi eq, %get3A_4, %eq3A_5 : i32
    %convert_element_type3A_7 = arith.extui %eq3A_6 : i1 to i32
    %cond3A_8 = arith.constant 0 : i32
    %cond3A_9 = arith.cmpi ne, %convert_element_type3A_7, %cond3A_8 : i32
    scf.if %cond3A_9 {
      %get3A_10 = arith.constant 0 : index
      %get3A_11 = arith.constant 0 : index
      %get3A_12 = vector.load %arg5[%get3A_10, %get3A_11] : memref<256x768xf32, #tpu.memory_space<vmem>>, vector<256x768xf32>
      %convert_element_type3A_13 = arith.truncf %get3A_12 : vector<256x768xf32> to vector<256x768xbf16>
      %get3A_14 = arith.index_cast %arg1 : i32 to index
      %get3A_15 = arith.constant 0 : index
      %get3A_16 = arith.constant 0 : index
      %get3A_17 = vector.load %arg10[%get3A_14, %get3A_15, %get3A_16] : memref<2x1024x768xbf16, #tpu.memory_space<vmem>>, vector<1x1024x768xbf16>
      %get3A_18 = vector.shape_cast %get3A_17 : vector<1x1024x768xbf16> to vector<1024x768xbf16>
      %dot_general3A = arith.constant dense<0.000000e+00> : vector<256x1024xf32>
      %dot_general3A_19 = tpu.matmul %convert_element_type3A_13, %get3A_18, %dot_general3A {dimension_numbers = #tpu.dot_dimension_numbers<[1], [1], [0], [0], [0, 0, 1, 0], [], []>, transpose_lhs_hint = false} : vector<256x768xbf16>, vector<1024x768xbf16>, vector<256x1024xf32> -> vector<256x1024xf32>
      %get3A_20 = arith.index_cast %arg1 : i32 to index
      %get3A_21 = arith.constant 0 : index
      %get3A_22 = arith.constant 0 : index
      %get3A_23 = vector.load %arg11[%get3A_20, %get3A_21, %get3A_22] : memref<2x1024x768xbf16, #tpu.memory_space<vmem>>, vector<1x1024x768xbf16>
      %get3A_24 = vector.shape_cast %get3A_23 : vector<1x1024x768xbf16> to vector<1024x768xbf16>
      %dot_general3A_25 = arith.constant dense<0.000000e+00> : vector<256x1024xf32>
      %dot_general3A_26 = tpu.matmul %convert_element_type3A_13, %get3A_24, %dot_general3A_25 {dimension_numbers = #tpu.dot_dimension_numbers<[1], [1], [0], [0], [0, 0, 1, 0], [], []>, transpose_lhs_hint = false} : vector<256x768xbf16>, vector<1024x768xbf16>, vector<256x1024xf32> -> vector<256x1024xf32>
      %logistic3A = arith.negf %dot_general3A_19 : vector<256x1024xf32>
      %logistic3A_27 = math.exp %logistic3A : vector<256x1024xf32>
      %logistic3A_28 = arith.constant 1.000000e+00 : f32
      %logistic3A_29 = vector.broadcast %logistic3A_28 : f32 to vector<256x1024xf32>
      %logistic3A_30 = arith.addf %logistic3A_29, %logistic3A_27 : vector<256x1024xf32>
      %logistic3A_31 = arith.divf %logistic3A_29, %logistic3A_30 : vector<256x1024xf32>
      %mul3A = arith.mulf %dot_general3A_19, %logistic3A_31 : vector<256x1024xf32>
      %mul3A_32 = arith.mulf %mul3A, %dot_general3A_26 : vector<256x1024xf32>
      %convert_element_type3A_33 = arith.truncf %mul3A_32 : vector<256x1024xf32> to vector<256x1024xbf16>
      %get3A_34 = arith.index_cast %arg1 : i32 to index
      %get3A_35 = arith.constant 0 : index
      %get3A_36 = arith.constant 0 : index
      %get3A_37 = vector.load %arg12[%get3A_34, %get3A_35, %get3A_36] : memref<2x768x1024xbf16, #tpu.memory_space<vmem>>, vector<1x768x1024xbf16>
      %get3A_38 = vector.shape_cast %get3A_37 : vector<1x768x1024xbf16> to vector<768x1024xbf16>
      %dot_general3A_39 = arith.constant dense<0.000000e+00> : vector<256x768xf32>
      %dot_general3A_40 = tpu.matmul %convert_element_type3A_33, %get3A_38, %dot_general3A_39 {dimension_numbers = #tpu.dot_dimension_numbers<[1], [1], [0], [0], [0, 0, 1, 0], [], []>, transpose_lhs_hint = false} : vector<256x1024xbf16>, vector<768x1024xbf16>, vector<256x768xf32> -> vector<256x768xf32>
      %eq3A_41 = arith.constant 0 : i32
      %eq3A_42 = arith.cmpi eq, %arg1, %eq3A_41 : i32
      %convert_element_type3A_43 = arith.extui %eq3A_42 : i1 to i32
      %cond3A_44 = arith.constant 0 : i32
      %cond3A_45 = arith.cmpi ne, %convert_element_type3A_43, %cond3A_44 : i32
      scf.if %cond3A_45 {
        %swap3A = arith.constant 0 : index
        %swap3A_50 = arith.constant 0 : index
        %swap3A_51 = vector.load %arg9[%swap3A, %swap3A_50] : memref<256x768xf32, #tpu.memory_space<vmem>>, vector<256x768xf32>
        tpu.vector_store %arg9[%swap3A, %swap3A_50], %dot_general3A_40 {strides = array<i32>} : memref<256x768xf32, #tpu.memory_space<vmem>>, vector<256x768xf32>,
      } else {
      }
      %ne3A = arith.constant 0 : i32
      %ne3A_46 = arith.cmpi ne, %arg1, %ne3A : i32
      %convert_element_type3A_47 = arith.extui %ne3A_46 : i1 to i32
      %cond3A_48 = arith.constant 0 : i32
      %cond3A_49 = arith.cmpi ne, %convert_element_type3A_47, %cond3A_48 : i32
      scf.if %cond3A_49 {
        %get3A_50 = arith.constant 0 : index
        %get3A_51 = arith.constant 0 : index
        %get3A_52 = vector.load %arg9[%get3A_50, %get3A_51] : memref<256x768xf32, #tpu.memory_space<vmem>>, vector<256x768xf32>
        %add3A = arith.addf %get3A_52, %dot_general3A_40 : vector<256x768xf32>
        %swap3A = arith.constant 0 : index
        %swap3A_53 = arith.constant 0 : index
        %swap3A_54 = vector.load %arg9[%swap3A, %swap3A_53] : memref<256x768xf32, #tpu.memory_space<vmem>>, vector<256x768xf32>
        tpu.vector_store %arg9[%swap3A, %swap3A_53], %add3A {strides = array<i32>} : memref<256x768xf32, #tpu.memory_space<vmem>>, vector<256x768xf32>,
      } else {
      }
    } else {
    }
    return
  }
  func.func @transform_0(%arg0: i32, %arg1: i32, %arg2: memref<24xi32, #tpu.memory_space<smem>>, %arg3: memref<24xi32, #tpu.memory_space<smem>>, %arg4: memref<24xi32, #tpu.memory_space<smem>>) -> (i32, i32) {
    %c0_i32 = arith.constant 0 : i32
    %c0_i32_0 = arith.constant 0 : i32
    return %arg0, %c0_i32 : i32, i32
  }
  func.func @transform_1(%arg0: i32, %arg1: i32, %arg2: memref<24xi32, #tpu.memory_space<smem>>, %arg3: memref<24xi32, #tpu.memory_space<smem>>, %arg4: memref<24xi32, #tpu.memory_space<smem>>) -> (i32, i32, i32) {
    %get3A = arith.index_cast %arg0 : i32 to index
    %get3A_0 = memref.load %arg2[%get3A] : memref<24xi32, #tpu.memory_space<smem>>
    %get3A_1 = arith.index_cast %arg0 : i32 to index
    %get3A_2 = memref.load %arg4[%get3A_1] : memref<24xi32, #tpu.memory_space<smem>>
    %eq3A = arith.constant 1 : i32
    %eq3A_3 = arith.cmpi eq, %get3A_2, %eq3A : i32
    %jit3A = arith.constant 1 : i32
    %select_n3A = arith.select %eq3A_3, %arg1, %jit3A : i32
    %c0_i32 = arith.constant 0 : i32
    %c0_i32_4 = arith.constant 0 : i32
    return %get3A_0, %select_n3A, %c0_i32 : i32, i32, i32
  }
  func.func @transform_2(%arg0: i32, %arg1: i32, %arg2: memref<24xi32, #tpu.memory_space<smem>>, %arg3: memref<24xi32, #tpu.memory_space<smem>>, %arg4: memref<24xi32, #tpu.memory_space<smem>>) -> (i32, i32, i32) {
    %get3A = arith.index_cast %arg0 : i32 to index
    %get3A_0 = memref.load %arg2[%get3A] : memref<24xi32, #tpu.memory_space<smem>>
    %get3A_1 = arith.index_cast %arg0 : i32 to index
    %get3A_2 = memref.load %arg4[%get3A_1] : memref<24xi32, #tpu.memory_space<smem>>
    %eq3A = arith.constant 1 : i32
    %eq3A_3 = arith.cmpi eq, %get3A_2, %eq3A : i32
    %jit3A = arith.constant 1 : i32
    %select_n3A = arith.select %eq3A_3, %arg1, %jit3A : i32
    %c0_i32 = arith.constant 0 : i32
    %c0_i32_4 = arith.constant 0 : i32
    return %get3A_0, %select_n3A, %c0_i32 : i32, i32, i32
  }
  func.func @transform_3(%arg0: i32, %arg1: i32, %arg2: memref<24xi32, #tpu.memory_space<smem>>, %arg3: memref<24xi32, #tpu.memory_space<smem>>, %arg4: memref<24xi32, #tpu.memory_space<smem>>) -> (i32, i32, i32) {
    %get3A = arith.index_cast %arg0 : i32 to index
    %get3A_0 = memref.load %arg2[%get3A] : memref<24xi32, #tpu.memory_space<smem>>
    %get3A_1 = arith.index_cast %arg0 : i32 to index
    %get3A_2 = memref.load %arg4[%get3A_1] : memref<24xi32, #tpu.memory_space<smem>>
    %eq3A = arith.constant 1 : i32
    %eq3A_3 = arith.cmpi eq, %get3A_2, %eq3A : i32
    %jit3A = arith.constant 1 : i32
    %select_n3A = arith.select %eq3A_3, %arg1, %jit3A : i32
    %c0_i32 = arith.constant 0 : i32
    %c0_i32_4 = arith.constant 0 : i32
    return %get3A_0, %c0_i32, %select_n3A : i32, i32, i32
  }
  func.func @transform_4(%arg0: i32, %arg1: i32, %arg2: memref<24xi32, #tpu.memory_space<smem>>, %arg3: memref<24xi32, #tpu.memory_space<smem>>, %arg4: memref<24xi32, #tpu.memory_space<smem>>) -> (i32, i32) {
    %c0_i32 = arith.constant 0 : i32
    %c0_i32_0 = arith.constant 0 : i32
    return %arg0, %c0_i32 : i32, i32
  }
}

module attributes {stable_mosaic.version = 14 : i64} {
  func.func @_shared_body(%arg0: i32, %arg1: memref<512x768xf32, #tpu.memory_space<vmem>>, %arg2: memref<2048x768xf32, #tpu.memory_space<vmem>>, %arg3: memref<2048x768xf32, #tpu.memory_space<vmem>>, %arg4: memref<768x2048xf32, #tpu.memory_space<vmem>>, %arg5: memref<512x768xf32, #tpu.memory_space<vmem>>, %arg6: memref<2048x768xbf16, #tpu.memory_space<vmem>>, %arg7: memref<2048x768xbf16, #tpu.memory_space<vmem>>, %arg8: memref<768x2048xbf16, #tpu.memory_space<vmem>>) attributes {dimension_semantics = [#tpu.dimension_semantics<arbitrary>], iteration_bounds = array<i64: 4>, scalar_prefetch = 0 : i64, scratch_operands = 3 : i64, tpu.core_type = #tpu.core_type<tc>, window_params = [{transform_indices = @transform_0, window_bounds = array<i64: 512, 768>}, {pipeline_mode = #tpu.pipeline_mode<synchronous>, transform_indices = @transform_1, window_bounds = array<i64: 2048, 768>}, {pipeline_mode = #tpu.pipeline_mode<synchronous>, transform_indices = @transform_2, window_bounds = array<i64: 2048, 768>}, {pipeline_mode = #tpu.pipeline_mode<synchronous>, transform_indices = @transform_3, window_bounds = array<i64: 768, 2048>}, {transform_indices = @transform_4, window_bounds = array<i64: 512, 768>}]} {
    %eq3A = arith.constant 0 : i32
    %eq3A_0 = arith.cmpi eq, %arg0, %eq3A : i32
    %convert_element_type3A = arith.extui %eq3A_0 : i1 to i32
    %cond3A = arith.constant 0 : i32
    %cond3A_1 = arith.cmpi ne, %convert_element_type3A, %cond3A : i32
    scf.if %cond3A_1 {
      %get3A_28 = arith.constant 0 : index
      %get3A_29 = arith.constant 0 : index
      %get3A_30 = vector.load %arg2[%get3A_28, %get3A_29] : memref<2048x768xf32, #tpu.memory_space<vmem>>, vector<2048x768xf32>
      %convert_element_type3A_31 = arith.truncf %get3A_30 : vector<2048x768xf32> to vector<2048x768xbf16>
      %swap3A_32 = arith.constant 0 : index
      %swap3A_33 = arith.constant 0 : index
      %swap3A_34 = vector.load %arg6[%swap3A_32, %swap3A_33] : memref<2048x768xbf16, #tpu.memory_space<vmem>>, vector<2048x768xbf16>
      tpu.vector_store %arg6[%swap3A_32, %swap3A_33], %convert_element_type3A_31 {strides = array<i32>} : memref<2048x768xbf16, #tpu.memory_space<vmem>>, vector<2048x768xbf16>,
      %get3A_35 = arith.constant 0 : index
      %get3A_36 = arith.constant 0 : index
      %get3A_37 = vector.load %arg3[%get3A_35, %get3A_36] : memref<2048x768xf32, #tpu.memory_space<vmem>>, vector<2048x768xf32>
      %convert_element_type3A_38 = arith.truncf %get3A_37 : vector<2048x768xf32> to vector<2048x768xbf16>
      %swap3A_39 = arith.constant 0 : index
      %swap3A_40 = arith.constant 0 : index
      %swap3A_41 = vector.load %arg7[%swap3A_39, %swap3A_40] : memref<2048x768xbf16, #tpu.memory_space<vmem>>, vector<2048x768xbf16>
      tpu.vector_store %arg7[%swap3A_39, %swap3A_40], %convert_element_type3A_38 {strides = array<i32>} : memref<2048x768xbf16, #tpu.memory_space<vmem>>, vector<2048x768xbf16>,
      %get3A_42 = arith.constant 0 : index
      %get3A_43 = arith.constant 0 : index
      %get3A_44 = vector.load %arg4[%get3A_42, %get3A_43] : memref<768x2048xf32, #tpu.memory_space<vmem>>, vector<768x2048xf32>
      %convert_element_type3A_45 = arith.truncf %get3A_44 : vector<768x2048xf32> to vector<768x2048xbf16>
      %swap3A_46 = arith.constant 0 : index
      %swap3A_47 = arith.constant 0 : index
      %swap3A_48 = vector.load %arg8[%swap3A_46, %swap3A_47] : memref<768x2048xbf16, #tpu.memory_space<vmem>>, vector<768x2048xbf16>
      tpu.vector_store %arg8[%swap3A_46, %swap3A_47], %convert_element_type3A_45 {strides = array<i32>} : memref<768x2048xbf16, #tpu.memory_space<vmem>>, vector<768x2048xbf16>,
    } else {
    }
    %get3A = arith.constant 0 : index
    %get3A_2 = arith.constant 0 : index
    %get3A_3 = vector.load %arg1[%get3A, %get3A_2] : memref<512x768xf32, #tpu.memory_space<vmem>>, vector<512x768xf32>
    %convert_element_type3A_4 = arith.truncf %get3A_3 : vector<512x768xf32> to vector<512x768xbf16>
    %get3A_5 = arith.constant 0 : index
    %get3A_6 = arith.constant 0 : index
    %get3A_7 = vector.load %arg6[%get3A_5, %get3A_6] : memref<2048x768xbf16, #tpu.memory_space<vmem>>, vector<2048x768xbf16>
    %dot_general3A = arith.constant dense<0.000000e+00> : vector<512x2048xf32>
    %dot_general3A_8 = tpu.matmul %convert_element_type3A_4, %get3A_7, %dot_general3A {dimension_numbers = #tpu.dot_dimension_numbers<[1], [1], [0], [0], [0, 0, 1, 0], [], []>, transpose_lhs_hint = false} : vector<512x768xbf16>, vector<2048x768xbf16>, vector<512x2048xf32> -> vector<512x2048xf32>
    %get3A_9 = arith.constant 0 : index
    %get3A_10 = arith.constant 0 : index
    %get3A_11 = vector.load %arg7[%get3A_9, %get3A_10] : memref<2048x768xbf16, #tpu.memory_space<vmem>>, vector<2048x768xbf16>
    %dot_general3A_12 = arith.constant dense<0.000000e+00> : vector<512x2048xf32>
    %dot_general3A_13 = tpu.matmul %convert_element_type3A_4, %get3A_11, %dot_general3A_12 {dimension_numbers = #tpu.dot_dimension_numbers<[1], [1], [0], [0], [0, 0, 1, 0], [], []>, transpose_lhs_hint = false} : vector<512x768xbf16>, vector<2048x768xbf16>, vector<512x2048xf32> -> vector<512x2048xf32>
    %logistic3A = arith.negf %dot_general3A_8 : vector<512x2048xf32>
    %logistic3A_14 = math.exp %logistic3A : vector<512x2048xf32>
    %logistic3A_15 = arith.constant 1.000000e+00 : f32
    %logistic3A_16 = vector.broadcast %logistic3A_15 : f32 to vector<512x2048xf32>
    %logistic3A_17 = arith.addf %logistic3A_16, %logistic3A_14 : vector<512x2048xf32>
    %logistic3A_18 = arith.divf %logistic3A_16, %logistic3A_17 : vector<512x2048xf32>
    %mul3A = arith.mulf %dot_general3A_8, %logistic3A_18 : vector<512x2048xf32>
    %mul3A_19 = arith.mulf %mul3A, %dot_general3A_13 : vector<512x2048xf32>
    %convert_element_type3A_20 = arith.truncf %mul3A_19 : vector<512x2048xf32> to vector<512x2048xbf16>
    %get3A_21 = arith.constant 0 : index
    %get3A_22 = arith.constant 0 : index
    %get3A_23 = vector.load %arg8[%get3A_21, %get3A_22] : memref<768x2048xbf16, #tpu.memory_space<vmem>>, vector<768x2048xbf16>
    %dot_general3A_24 = arith.constant dense<0.000000e+00> : vector<512x768xf32>
    %dot_general3A_25 = tpu.matmul %convert_element_type3A_20, %get3A_23, %dot_general3A_24 {dimension_numbers = #tpu.dot_dimension_numbers<[1], [1], [0], [0], [0, 0, 1, 0], [], []>, transpose_lhs_hint = false} : vector<512x2048xbf16>, vector<768x2048xbf16>, vector<512x768xf32> -> vector<512x768xf32>
    %swap3A = arith.constant 0 : index
    %swap3A_26 = arith.constant 0 : index
    %swap3A_27 = vector.load %arg5[%swap3A, %swap3A_26] : memref<512x768xf32, #tpu.memory_space<vmem>>, vector<512x768xf32>
    tpu.vector_store %arg5[%swap3A, %swap3A_26], %dot_general3A_25 {strides = array<i32>} : memref<512x768xf32, #tpu.memory_space<vmem>>, vector<512x768xf32>,
    return
  }
  func.func @transform_0(%arg0: i32) -> (i32, i32) {
    %c0_i32 = arith.constant 0 : i32
    %c0_i32_0 = arith.constant 0 : i32
    return %arg0, %c0_i32 : i32, i32
  }
  func.func @transform_1(%arg0: i32) -> (i32, i32) {
    %c0_i32 = arith.constant 0 : i32
    %c0_i32_0 = arith.constant 0 : i32
    %c0_i32_1 = arith.constant 0 : i32
    return %c0_i32, %c0_i32_0 : i32, i32
  }
  func.func @transform_2(%arg0: i32) -> (i32, i32) {
    %c0_i32 = arith.constant 0 : i32
    %c0_i32_0 = arith.constant 0 : i32
    %c0_i32_1 = arith.constant 0 : i32
    return %c0_i32, %c0_i32_0 : i32, i32
  }
  func.func @transform_3(%arg0: i32) -> (i32, i32) {
    %c0_i32 = arith.constant 0 : i32
    %c0_i32_0 = arith.constant 0 : i32
    %c0_i32_1 = arith.constant 0 : i32
    return %c0_i32, %c0_i32_0 : i32, i32
  }
  func.func @transform_4(%arg0: i32) -> (i32, i32) {
    %c0_i32 = arith.constant 0 : i32
    %c0_i32_0 = arith.constant 0 : i32
    return %arg0, %c0_i32 : i32, i32
  }
}

module attributes {stable_mosaic.version = 14 : i64} {
  func.func @_final_body(%arg0: i32, %arg1: memref<256x768xf32, #tpu.memory_space<vmem>>, %arg2: memref<256x768xf32, #tpu.memory_space<vmem>>, %arg3: memref<256x768xf32, #tpu.memory_space<vmem>>, %arg4: memref<256x768xf32, #tpu.memory_space<vmem>>, %arg5: memref<256x1xf32, #tpu.memory_space<vmem>>, %arg6: memref<256x1xf32, #tpu.memory_space<vmem>>, %arg7: memref<256x768xf32, #tpu.memory_space<vmem>>) attributes {dimension_semantics = [#tpu.dimension_semantics<arbitrary>], iteration_bounds = array<i64: 8>, scalar_prefetch = 0 : i64, scratch_operands = 0 : i64, tpu.core_type = #tpu.core_type<tc>, window_params = [{transform_indices = @transform_0, window_bounds = array<i64: 256, 768>}, {transform_indices = @transform_1, window_bounds = array<i64: 256, 768>}, {transform_indices = @transform_2, window_bounds = array<i64: 256, 768>}, {transform_indices = @transform_3, window_bounds = array<i64: 256, 768>}, {transform_indices = @transform_4, window_bounds = array<i64: 256, 1>}, {transform_indices = @transform_5, window_bounds = array<i64: 256, 1>}, {transform_indices = @transform_6, window_bounds = array<i64: 256, 768>}]} {
    %get3A = arith.constant 0 : index
    %get3A_0 = arith.constant 0 : index
    %get3A_1 = vector.load %arg1[%get3A, %get3A_0] : memref<256x768xf32, #tpu.memory_space<vmem>>, vector<256x768xf32>
    %get3A_2 = arith.constant 0 : index
    %get3A_3 = arith.constant 0 : index
    %get3A_4 = vector.load %arg2[%get3A_2, %get3A_3] : memref<256x768xf32, #tpu.memory_space<vmem>>, vector<256x768xf32>
    %add3A = arith.addf %get3A_1, %get3A_4 : vector<256x768xf32>
    %get3A_5 = arith.constant 0 : index
    %get3A_6 = arith.constant 0 : index
    %get3A_7 = vector.load %arg5[%get3A_5, %get3A_6] : memref<256x1xf32, #tpu.memory_space<vmem>>, vector<256x1xf32>
    %get3A_8 = arith.constant 0 : index
    %get3A_9 = arith.constant 0 : index
    %get3A_10 = vector.load %arg3[%get3A_8, %get3A_9] : memref<256x768xf32, #tpu.memory_space<vmem>>, vector<256x768xf32>
    %mul3A = vector.broadcast %get3A_7 : vector<256x1xf32> to vector<256x768xf32>
    %mul3A_11 = arith.mulf %mul3A, %get3A_10 : vector<256x768xf32>
    %add3A_12 = arith.addf %add3A, %mul3A_11 : vector<256x768xf32>
    %get3A_13 = arith.constant 0 : index
    %get3A_14 = arith.constant 0 : index
    %get3A_15 = vector.load %arg6[%get3A_13, %get3A_14] : memref<256x1xf32, #tpu.memory_space<vmem>>, vector<256x1xf32>
    %get3A_16 = arith.constant 0 : index
    %get3A_17 = arith.constant 0 : index
    %get3A_18 = vector.load %arg4[%get3A_16, %get3A_17] : memref<256x768xf32, #tpu.memory_space<vmem>>, vector<256x768xf32>
    %mul3A_19 = vector.broadcast %get3A_15 : vector<256x1xf32> to vector<256x768xf32>
    %mul3A_20 = arith.mulf %mul3A_19, %get3A_18 : vector<256x768xf32>
    %add3A_21 = arith.addf %add3A_12, %mul3A_20 : vector<256x768xf32>
    %swap3A = arith.constant 0 : index
    %swap3A_22 = arith.constant 0 : index
    %swap3A_23 = vector.load %arg7[%swap3A, %swap3A_22] : memref<256x768xf32, #tpu.memory_space<vmem>>, vector<256x768xf32>
    tpu.vector_store %arg7[%swap3A, %swap3A_22], %add3A_21 {strides = array<i32>} : memref<256x768xf32, #tpu.memory_space<vmem>>, vector<256x768xf32>,
    return
  }
  func.func @transform_0(%arg0: i32) -> (i32, i32) {
    %c0_i32 = arith.constant 0 : i32
    %c0_i32_0 = arith.constant 0 : i32
    return %arg0, %c0_i32 : i32, i32
  }
  func.func @transform_1(%arg0: i32) -> (i32, i32) {
    %c0_i32 = arith.constant 0 : i32
    %c0_i32_0 = arith.constant 0 : i32
    return %arg0, %c0_i32 : i32, i32
  }
  func.func @transform_2(%arg0: i32) -> (i32, i32) {
    %c0_i32 = arith.constant 0 : i32
    %c0_i32_0 = arith.constant 0 : i32
    return %arg0, %c0_i32 : i32, i32
  }
  func.func @transform_3(%arg0: i32) -> (i32, i32) {
    %c0_i32 = arith.constant 0 : i32
    %c0_i32_0 = arith.constant 0 : i32
    return %arg0, %c0_i32 : i32, i32
  }
  func.func @transform_4(%arg0: i32) -> (i32, i32) {
    %c0_i32 = arith.constant 0 : i32
    %c0_i32_0 = arith.constant 0 : i32
    return %arg0, %c0_i32 : i32, i32
  }
  func.func @transform_5(%arg0: i32) -> (i32, i32) {
    %c0_i32 = arith.constant 0 : i32
    %c0_i32_0 = arith.constant 0 : i32
    return %arg0, %c0_i32 : i32, i32
  }
  func.func @transform_6(%arg0: i32) -> (i32, i32) {
    %c0_i32 = arith.constant 0 : i32
    %c0_i32_0 = arith.constant 0 : i32
    return %arg0, %c0_i32 : i32, i32
  }
}

</mosaic_0001>

<sc_bundles>
// kernel: kernel.11.cloned.1.call-start
scs
__scs_entry_jumppad:
0x0: {  	(pc) =	sbr.rel $0x88, $3  }
0x1: {  	(tag) =	ssettag $0x0;
	lr =	simm.s32 $0x1  }
0x2: {  	[smem:$0x3F93] =	sst lr;
	_ =	strace $0xD0000000  }
0x3: {  	_ = 	snop  }
0x4: {  	_ = 	snop  }
0x5: {  	_ = 	snop  }
0x6: {  	_ = 	snop  }
0x7: {  	_ = 	snop  }
__scs_overlays_trampoline_lowered:
0x8: {  	[smem:$0x3FA2] =	sst s0  }
0x9: {  	[smem:$0x3FA3] =	sst s1  }
0xa: {  	[smem:$0x3FA4] =	sst s2  }
0xb: {  	[smem:$0x3FA5] =	sst s3  }
0xc: {  	[smem:$0x3FA6] =	sst s4  }
0xd: {  	[smem:$0x3FA7] =	sst s5  }
0xe: {  	[smem:$0x3FA8] =	sst s6  }
0xf: {  	[smem:$0x3FA9] =	sst s7  }
0x10: {  	[smem:$0x3FAA] =	sst s8  }
0x11: {  	[smem:$0x3FAB] =	sst s9;
	s0 =	simm.s32 @!p0 $0x0  }
0x12: {  	s1 =	sld [smem:$0x3F91];
	s0 =	simm.s32 @p0 $0x1  }
0x13: {  	[smem:$0x3FAC] =	sst s0;
	s0 =	simm.s32 @!p1 $0x0  }
0x14: {  	s2 =	sld [smem:$0x3F90];
	s0 =	simm.s32 @p1 $0x1  }
0x15: {  	[smem:$0x3FAD] =	sst s0;
	s0 =	simm.s32 @!p2 $0x0  }
0x16: {  	s3 =	sld [smem:$0x3FDB];
	s0 =	simm.s32 @p2 $0x1  }
0x17: {  	s4 =	simm.s32 $0x1BF5;
	[smem:$0x3FAF] =	sst s0  }
0x18: {  	s0 =	sld [smem:$0x3F92];
	_ =	swait.ge [sflag:s4], $0x0  }
0x19: {  	s7 =	sld [smem:$0x3F93]  }
0x1a: {  	s8 =	sadd.s32 $0xFFFFE003, lr  }
0x1b: {  	s9 =	sadd.s32 $0xFFFFFEF7, lr;
	s5 =	simm.s32 $0xFFFFFFFF;
	p2 =	slt.u32 s8, $0xFFFFF086  }
0x1c: {  	p1 =	slt.u32 s9, $0xF7A;
	s5 =	simm.s32 @!p2 $0x0  }
0x1d: {  	s5 =	simm.s32 @p1 $0x1;
	p0 =	seq.s32 s7, s2  }
0x1e: {  	s7 =	smul.u32 @!p0 $0xF7A, s2;
	p2 =	seq.s32 @!p0 s5, $0x0  }
0x1f: {  	s9 =	smul.u32 $0xF7A, s1;
	s8 =	simm.s32 @!p0 $0x1BF5;
	p2 =	por !p2, p0  }
0x20: {  	[sflag:s8] =	ssyncset.s32 @!p0 $0xFFFFF086;
	s6 =	sadd.s32 @!p0 s3, s7;
	s7 =	simm.s32 @!p0 $0x108  }
0x21: {  	s3 =	sadd.s32 s3, s9;
	s6 =	sadd.s32 @!p0 $0x88, s6;
	s7 =	simm.s32 @p2 $0x1082  }
0x22: {  	[simem:s7], [sflag:s8] =	dma.local @!p0 [hbm:s6], $0xF7A  }
0x23: {  	s9 =	sor.u32 $0xD0000000, s2;
	s6 =	simm.s32 $0x108;
	_ =	swait.ge @!p0 [sflag:s8], $0x0  }
0x24: {  	s3 =	sadd.s32 $0x88, s3;
	s6 =	simm.s32 @!p1 $0x1082;
	[sflag:s4] =	ssyncset.s32 $0xFFFFF086  }
0x25: {  	[simem:s6], [sflag:s4] =	dma.local [hbm:s3], $0xF7A  }
0x26: {  	[smem:$0x3F93] =	sst s1;
	(tag) =	ssettag s2;
	_ =	strace s9  }
0x27: {  	s1 =	sld [smem:$0x3FA3]  }
0x28: {  	s2 =	sld [smem:$0x3FA4]  }
0x29: {  	s4 =	sld [smem:$0x3FA6]  }
0x2a: {  	p0 =	seq.s32 s5, $0x0;
	s5 =	sld [smem:$0x3FA7]  }
0x2b: {  	s6 =	sld [smem:$0x3FA8]  }
0x2c: {  	s7 =	sld [smem:$0x3FA9]  }
0x2d: {  	s3 =	simm.s32 $0x108;
	s8 =	sld [smem:$0x3FAA]  }
0x2e: {  	s3 =	simm.s32 @!p0 $0x1082;
	s9 =	sld [smem:$0x3FAB]  }
0x2f: {  	lr =	sadd.s32 s0, s3;
	s0 =	sld [smem:$0x3FA2]  }
0x30: {  	s3 =	sld [smem:$0x3FA5]  }
0x31: {  	[smem:$0x3FAE] =	sst s10  }
0x32: {  	s10 =	sld [smem:$0x3FAC];
	_ =	sdelay $0x3  }
0x33: {  	p0 =	seq.s32 s10, $0x1;
	s10 =	sld [smem:$0x3FAE];
	_ =	sdelay $0x3  }
0x34: {  	[smem:$0x3FAE] =	sst s10  }
0x35: {  	s10 =	sld [smem:$0x3FAD];
	_ =	sdelay $0x3  }
0x36: {  	p1 =	seq.s32 s10, $0x1;
	s10 =	sld [smem:$0x3FAE];
	_ =	sdelay $0x3  }
0x37: {  	[smem:$0x3FAE] =	sst s10  }
0x38: {  	s10 =	sld [smem:$0x3FAF]  }
0x39: {  	_ = 	snop;
	(pc) =	sbr.ind lr, $3  }
0x3a: {  	_ = 	snop  }
0x3b: {  	_ = 	snop  }
0x3c: {  	p2 =	seq.s32 s10, $0x1;
	s10 =	sld [smem:$0x3FAE]  }
0x3d: {  	_ =	shalt  }
0x3e: {  	_ =	shalt  }
0x3f: {  	_ =	shalt  }
0x40: {  	_ =	shalt  }
0x41: {  	_ =	shalt  }
0x42: {  	_ =	shalt  }
0x43: {  	_ =	shalt  }
0x44: {  	_ =	shalt  }
0x45: {  	_ =	shalt  }
0x46: {  	_ =	shalt  }
0x47: {  	_ =	shalt  }
0x48: {  	_ =	shalt  }
0x49: {  	_ =	shalt  }
0x4a: {  	_ =	shalt  }
0x4b: {  	_ =	shalt  }
0x4c: {  	_ =	shalt  }
0x4d: {  	_ =	shalt  }
0x4e: {  	_ =	shalt  }
0x4f: {  	_ =	shalt  }
0x50: {  	_ =	shalt  }
0x51: {  	_ =	shalt  }
0x52: {  	_ =	shalt  }
0x53: {  	_ =	shalt  }
0x54: {  	_ =	shalt  }
0x55: {  	_ =	shalt  }
0x56: {  	_ =	shalt  }
0x57: {  	_ =	shalt  }
0x58: {  	_ =	shalt  }
0x59: {  	_ =	shalt  }
0x5a: {  	_ =	shalt  }
0x5b: {  	_ =	shalt  }
0x5c: {  	_ =	shalt  }
0x5d: {  	_ =	shalt  }
0x5e: {  	_ =	shalt  }
0x5f: {  	_ =	shalt  }
0x60: {  	_ =	shalt  }
0x61: {  	_ =	shalt  }
0x62: {  	_ =	shalt  }
0x63: {  	_ =	shalt  }
0x64: {  	_ =	shalt  }
0x65: {  	_ =	shalt  }
0x66: {  	_ =	shalt  }
0x67: {  	_ =	shalt  }
0x68: {  	_ =	shalt  }
0x69: {  	_ =	shalt  }
0x6a: {  	_ =	shalt  }
0x6b: {  	_ =	shalt  }
0x6c: {  	_ =	shalt  }
0x6d: {  	_ =	shalt  }
0x6e: {  	_ =	shalt  }
0x6f: {  	_ =	shalt  }
0x70: {  	_ =	shalt  }
0x71: {  	_ =	shalt  }
0x72: {  	_ =	shalt  }
0x73: {  	_ =	shalt  }
0x74: {  	_ =	shalt  }
0x75: {  	_ =	shalt  }
0x76: {  	_ =	shalt  }
0x77: {  	_ =	shalt  }
0x78: {  	_ =	shalt  }
0x79: {  	_ =	shalt  }
0x7a: {  	_ =	shalt  }
0x7b: {  	_ =	shalt  }
0x7c: {  	_ =	shalt  }
0x7d: {  	_ =	shalt  }
0x7e: {  	_ =	shalt  }
0x7f: {  	_ =	shalt  }
0x80: {  	_ =	shalt  }
0x81: {  	_ =	shalt  }
0x82: {  	_ =	shalt  }
0x83: {  	_ =	shalt  }
0x84: {  	_ =	shalt  }
0x85: {  	_ =	shalt  }
0x86: {  	_ =	shalt  }
0x87: {  	_ =	shalt  }
.Lfunc_end0:
.L_simem_size_0:
called_computation_lowered:
.L_overlay_start_0:
0x88: {  	s2 =	sld [smem:$0x3FD9]  }
0x89: {  	s3 =	sld [smem:$0x3FFE];
	_ =	sdelay $0x1  }
0x8a: {  	s1 =	srdreg.scid  }
0x8b: {  	s0 =	sand.u32 $0x1, s1  }
0x8c: {  	s17 =	sshll.u32 s0, $0xA;
	s2 =	sadd.s32 s3, s2  }
0x8d: {  	s2 =	sadd.s32 s2, s17  }
0x8e: {  	[smem:$0x3FBA] =	sst s2  }
0x8f: {  	_ = 	snop  }
0x90: {  	s2 =	sld [smem:$0x3FD0];
	(tm) =	ssettm $0x1  }
0x91: {  	s18 =	sld [smem:$0x3FFB];
	_ =	sdelay $0x3  }
0x92: {  	_ =	strace s18  }
0x93: {  	s3 =	sld [smem:$0x3FFC];
	_ =	sdelay $0x3  }
0x94: {  	_ =	strace s3  }
0x95: {  	s3 =	sld [smem:$0x3FFD];
	_ =	sdelay $0x3  }
0x96: {  	_ =	strace s3  }
0x97: {  	_ =	strace $0x8FFFFFFF  }
0x98: {  	s19 =	sld [smem:$0x3FDB];
	_ =	sdelay $0x1  }
0x99: {  	s4 =	simm.s32 $_scs_section_size  }
0x9a: {  	s5 =	simm.s32 $_size__tile_overlayer_lowered;
	s6 =	simm.s32 $_tile_overlayer_lowered  }
0x9b: {  	s22 =	simm.s32 $0x1BFF;
	s21 =	sshll.u32 s6, $0x1;
	s3 =	sadd.s32 s4, s19  }
0x9c: {  	s7 =	simm.s32 $0x0;
	s20 =	sshll.u32 s5, $0x1;
	s5 =	sadd.s32 s21, s3  }
0x9d: {  	[timem:s7], [sflag:s22] =	dma.local [hbm:s5], s20  }
0x9e: {  	_ =	swait.ge [sflag:s22], s20  }
0x9f: {  	s4 =	ssub.s32 $0x0, s20;
	[sflag:s22] =	ssyncset.done $0x0  }
0xa0: {  	[sflag:s22] =	ssyncadd.s32 s4;
	_ =	sdelay $0x1  }
0xa1: {  	s23 =	simm.s32 $0x1B8B  }
0xa2: {  	_ =	swait.ge [sflag:s23], $0x1  }
0xa3: {  	[sflag:s23] =	ssyncset.done $0x0  }
0xa4: {  	s25 =	simm.s32 $0x1B8E;
	s24 =	sld [smem:$0x3FFE];
	[sflag:s23] =	ssyncadd.s32 $0xFFFFFFFF  }
0xa5: {  	s26 =	simm.s32 $execute0_lowered;
	[smem:$0x3FD2] =	sst s25  }
0xa6: {  	s5 =	sshll.u32 s26, $0x1;
	_ =	strace $0x80000046;
	[dreg:$0x1] =	wrdreg $0xFFFFFFFF  }
0xa7: {  	s28 =	simm.s32 $_size_execute0_lowered;
	s3 =	sadd.s32 s3, s5;
	[dreg:$0x0] =	wrdreg $0x0  }
0xa8: {  	s5 =	sshll.u32 s28, $0x1;
	[dreg:$0x2] =	wrdreg s3  }
0xa9: {  	[dreg:$0x3] =	wrdreg s5  }
0xaa: {  	[dreg:$0x4] =	wrdreg $0xC0  }
0xab: {  	_ =	task [dreg:s7], $0x5FFFF  }
0xac: {  	[dreg:$0x1] =	wrdreg $0xFFFFFFFF  }
0xad: {  	[dreg:$0x0] =	wrdreg $0x60  }
0xae: {  	[dreg:$0x2] =	wrdreg s2  }
0xaf: {  	[dreg:$0x3] =	wrdreg s24  }
0xb0: {  	[dreg:$0x4] =	wrdreg $0x9  }
0xb1: {  	_ =	task.clear_ibuf [dreg:s7], $0x5FFFF;
	_ =	strace $0x90000046  }
0xb2: {  	s29 =	simm.s32 $0x9;
	_ =	strace $0x80000048  }
0xb3: {  	_ =	swait.ge [sflag:s29], $0x1  }
0xb4: {  	[sflag:s29] =	ssyncadd.s32 $0xFFFFFFFF  }
0xb5: {  	_ =	strace $0x90000048  }
0xb6: {  	_ =	sfence  }
0xb7: {  	s30 =	sld [smem:$0x0];
	_ =	sdelay $0x2  }
0xb8: {  	s31 =	sshll.u32 s1, $0xD;
	s1 =	sshrl.u32 s1, $0x2  }
0xb9: {  	s3 =	sand.u32 $0x4000, s31;
	s1 =	sadd.s32 s1, s30  }
0xba: {  	s0 =	sor.u32 s3, s0;
	s1 =	sshll.u32 s1, $0x11  }
0xbb: {  	s0 =	sor.u32 s1, s0  }
0xbc: {  	s0 =	sadd.s32 $0x8F2B, s0  }
0xbd: {  	[sflag:s0] =	ssyncadd.remote.s32 $0x1  }
0xbe: {  	_ =	sfence.sel $0xFFFF  }
0xbf: {  	[dreg:$0x0] =	wrdreg $0xFFFFFFFF;
	(pc) =	sbr.abs _section_cstart, $3  }
0xc0: {  	[dreg:$0x1] =	wrdreg $0xFFFFFFFF  }
0xc1: {  	_ =	task.clear_ibuf [dreg:s7], $0x2FFFF;
	_ =	strace $0x9FFFFFFF  }
0xc2: {  	(tm) =	ssettm $0x7FFFFFFF  }
0xc3: {  	_ =	shalt  }
tec
execute0_lowered:
.L_overlay_start_1:
0x0: {  	(tag) =	ssettag $0x1  }
0x1: {  	s0 =	rddreg [dreg:$0x0];
	s1 =	srdreg.scid  }
0x2: {  	s2 =	stileid.u32;
	s5 =	rddreg [dreg:$0x1]  }
0x3: {  	s8 =	simm.s32 $0x2;
	s10 =	simm.s32 $0x880;
	s11 =	simm.s32 $0x1080  }
0x4: {  	s12 =	simm.s32 $0x1880;
	s13 =	simm.s32 $0x2080;
	s14 =	simm.s32 $0x2880  }
0x5: {  	s15 =	simm.s32 $0x3080;
	s16 =	simm.s32 $0x3880;
	s17 =	simm.s32 $0x4080  }
0x6: {  	s18 =	simm.s32 $0x4880;
	s19 =	simm.s32 $0x5080;
	s20 =	simm.s32 $0x5880  }
0x7: {  	s21 =	simm.s32 $0x6080;
	s22 =	simm.s32 $0x6880;
	s23 =	simm.s32 $0x7080  }
0x8: {  	s28 =	simm.s32 $0x9080;
	s29 =	simm.s32 $0x9880;
	s30 =	simm.s32 $0xA080  }
0x9: {  	s1 =	sand.u32 $0x1, s1;
	s3 =	sshll.u32 s2, $0x1;
	s2 =	simm.s32 $0x0  }
0xa: {  	s31 =	simm.s32 $0xA880;
	s3 =	sor.u32 s1, s3;
	[smem:$0x7FF] =	sst s2  }
0xb: {  	s1 =	ssub.s32 $0x2, s1;
	s4 =	sshll.u32 s3, $0x4;
	s6 =	smul.u32 $0x1800, s3  }
0xc: {  	_ =	strace $0x80000047;
	s3 =	sadd.s32 $0xBC00, s5;
	s24 =	sshrl.u32 s1, $0x1  }
0xd: {  	s4 =	sadd.s32 s4, s5;
	s1 =	ssub.s32 s1, s24;
	s24 =	simm.s32 $0x7880  }
0xe: {  	s0 =	sadd.s32 s0, s6;
	s25 =	sadd.s32 $0xBA00, s4;
	s26 =	sadd.s32 $0xB800, s4  }
0xf: {  	v2 =	vlaneseq.u32;
	s4 =	sadd.s32 $0xBD00, s5;
	s5 =	sadd.s32 $0xBE00, s5;
	[dreg:$0x3] =	wrdreg s0  }
0x10: {  	vm0 =	vmmov $0xffff;
	v1 =	vshrl.u32 v2, $0x3;
	s6 =	smax.u32 s1, $0x1;
	s1 =	simm.s32 $0x1;
	[dreg:$0x4] =	wrdreg s25  }
0x11: {  	v0 =	vand.u32 $0x7, v2;
	v2 =	vor.u32 $0x8, v2;
	v1 =	vmul.u32 $0x8, v1;
	[dreg:$0x5] =	wrdreg s26;
	s25 =	simm.s32 $0x8080;
	s26 =	simm.s32 $0x8880  }
.LBB2_1:
0x12: {  	s9 =	rddreg [dreg:$0x3];
	s0 =	simm.s32 $0x80  }
0x13: {  	[tilespmem:s0], [sflag:$0x2] =	stream.linear.gather [hbm4b:s9+s2], $0xC000, $0x38;
	[tilespmem:$0xC080] =	vst v63  }
0x14: {  	_ =	swait.ge [sflag:s8], $0xC000  }
0x15: {  	[sflag:s8] =	ssyncset.done $0x0  }
0x16: {  	s7 =	rddreg [dreg:$0x4];
	[sflag:s8] =	ssyncadd.s32 $0xFFFF4000  }
0x17: {  	[tilespmem:s2], [sflag:$0x2] =	stream.linear.gather [hbm4b:s7+s2], $0x80, $0x38;
	[tilespmem:$0xC080] =	vst v63  }
0x18: {  	_ =	swait.ge [sflag:s8], $0x80  }
0x19: {  	[sflag:s8] =	ssyncset.done $0x0  }
0x1a: {  	[sflag:s8] =	ssyncadd.s32 $0xFFFFFF80  }
0x1b: {  	v3 =	vld [tilespmem:$0x0];
	_ =	sdelay $0x4  }
0x1c: {  	v4 =	vshrl.u32 v3, $0x3  }
0x1d: {  	v4 =	vmul.u32 $0x30, v4  }
0x1e: {  	v3 =	vand.u32 $0x7, v3  }
0x1f: {  	v3 =	vor.u32 v3, v4  }
0x20: {  	v4 =	vperm.xlane v3, v0;
	_ =	sdelay $0x1  }
0x21: {  	v4 =	vadd.s32 v1, v4;
	_ =	sdelay $0x3  }
0x22: {  	v3 =	vperm.xlane v3, v2  }
0x23: {  	[hbm4b:s3+s2] =	stream.indirect_vreg.scatter [tilespmem:s0], [sflag:$0x1], $0x80, v4, vm0, $0xb8;
	[tilespmem:$0xC080] =	vst v63  }
0x24: {  	v3 =	vadd.s32 v1, v3  }
0x25: {  	[hbm4b:s4+s2] =	stream.indirect_vreg.scatter [tilespmem:s10], [sflag:$0x1], $0x80, v4, vm0, $0xb8;
	[tilespmem:$0xC080] =	vst v63  }
0x26: {  	_ = 	snop  }
0x27: {  	[hbm4b:s5+s2] =	stream.indirect_vreg.scatter [tilespmem:s11], [sflag:$0x1], $0x80, v4, vm0, $0xb8;
	[tilespmem:$0xC080] =	vst v63  }
0x28: {  	_ = 	snop  }
0x29: {  	[hbm4b:s3+s2] =	stream.indirect_vreg.scatter [tilespmem:s12], [sflag:$0x1], $0x80, v3, vm0, $0xb8;
	[tilespmem:$0xC080] =	vst v63  }
0x2a: {  	_ = 	snop  }
0x2b: {  	[hbm4b:s4+s2] =	stream.indirect_vreg.scatter [tilespmem:s13], [sflag:$0x1], $0x80, v3, vm0, $0xb8;
	[tilespmem:$0xC080] =	vst v63  }
0x2c: {  	_ = 	snop  }
0x2d: {  	[hbm4b:s5+s2] =	stream.indirect_vreg.scatter [tilespmem:s14], [sflag:$0x1], $0x80, v3, vm0, $0xb8;
	[tilespmem:$0xC080] =	vst v63  }
0x2e: {  	v3 =	vld [tilespmem:$0x10];
	_ =	sdelay $0x4  }
0x2f: {  	v57 =	vshrl.u32 v3, $0x3  }
0x30: {  	v4 =	vmul.u32 $0x30, v57  }
0x31: {  	v3 =	vand.u32 $0x7, v3  }
0x32: {  	v3 =	vor.u32 v3, v4  }
0x33: {  	v4 =	vperm.xlane v3, v0;
	_ =	sdelay $0x1  }
0x34: {  	v4 =	vadd.s32 v1, v4;
	_ =	sdelay $0x3  }
0x35: {  	v3 =	vperm.xlane v3, v2  }
0x36: {  	[hbm4b:s3+s2] =	stream.indirect_vreg.scatter [tilespmem:s15], [sflag:$0x1], $0x80, v4, vm0, $0xb8;
	[tilespmem:$0xC080] =	vst v63  }
0x37: {  	v3 =	vadd.s32 v1, v3  }
0x38: {  	[hbm4b:s4+s2] =	stream.indirect_vreg.scatter [tilespmem:s16], [sflag:$0x1], $0x80, v4, vm0, $0xb8;
	[tilespmem:$0xC080] =	vst v63  }
0x39: {  	_ = 	snop  }
0x3a: {  	[hbm4b:s5+s2] =	stream.indirect_vreg.scatter [tilespmem:s17], [sflag:$0x1], $0x80, v4, vm0, $0xb8;
	[tilespmem:$0xC080] =	vst v63  }
0x3b: {  	_ = 	snop  }
0x3c: {  	[hbm4b:s3+s2] =	stream.indirect_vreg.scatter [tilespmem:s18], [sflag:$0x1], $0x80, v3, vm0, $0xb8;
	[tilespmem:$0xC080] =	vst v63  }
0x3d: {  	_ = 	snop  }
0x3e: {  	[hbm4b:s4+s2] =	stream.indirect_vreg.scatter [tilespmem:s19], [sflag:$0x1], $0x80, v3, vm0, $0xb8;
	[tilespmem:$0xC080] =	vst v63  }
0x3f: {  	_ = 	snop  }
0x40: {  	[hbm4b:s5+s2] =	stream.indirect_vreg.scatter [tilespmem:s20], [sflag:$0x1], $0x80, v3, vm0, $0xb8;
	[tilespmem:$0xC080] =	vst v63  }
0x41: {  	v3 =	vld [tilespmem:$0x20];
	_ =	sdelay $0x4  }
0x42: {  	v58 =	vshrl.u32 v3, $0x3  }
0x43: {  	v4 =	vmul.u32 $0x30, v58  }
0x44: {  	v3 =	vand.u32 $0x7, v3  }
0x45: {  	v3 =	vor.u32 v3, v4  }
0x46: {  	v4 =	vperm.xlane v3, v0;
	_ =	sdelay $0x1  }
0x47: {  	v4 =	vadd.s32 v1, v4;
	_ =	sdelay $0x3  }
0x48: {  	v3 =	vperm.xlane v3, v2  }
0x49: {  	[hbm4b:s3+s2] =	stream.indirect_vreg.scatter [tilespmem:s21], [sflag:$0x1], $0x80, v4, vm0, $0xb8;
	[tilespmem:$0xC080] =	vst v63  }
0x4a: {  	v3 =	vadd.s32 v1, v3  }
0x4b: {  	[hbm4b:s4+s2] =	stream.indirect_vreg.scatter [tilespmem:s22], [sflag:$0x1], $0x80, v4, vm0, $0xb8;
	[tilespmem:$0xC080] =	vst v63  }
0x4c: {  	_ = 	snop  }
0x4d: {  	[hbm4b:s5+s2] =	stream.indirect_vreg.scatter [tilespmem:s23], [sflag:$0x1], $0x80, v4, vm0, $0xb8;
	[tilespmem:$0xC080] =	vst v63  }
0x4e: {  	_ = 	snop  }
0x4f: {  	[hbm4b:s3+s2] =	stream.indirect_vreg.scatter [tilespmem:s24], [sflag:$0x1], $0x80, v3, vm0, $0xb8;
	[tilespmem:$0xC080] =	vst v63  }
0x50: {  	_ = 	snop  }
0x51: {  	[hbm4b:s4+s2] =	stream.indirect_vreg.scatter [tilespmem:s25], [sflag:$0x1], $0x80, v3, vm0, $0xb8;
	[tilespmem:$0xC080] =	vst v63  }
0x52: {  	_ = 	snop  }
0x53: {  	[hbm4b:s5+s2] =	stream.indirect_vreg.scatter [tilespmem:s26], [sflag:$0x1], $0x80, v3, vm0, $0xb8;
	[tilespmem:$0xC080] =	vst v63  }
0x54: {  	v3 =	vld [tilespmem:$0x30];
	_ =	sdelay $0x4  }
0x55: {  	v59 =	vshrl.u32 v3, $0x3  }
0x56: {  	v4 =	vmul.u32 $0x30, v59  }
0x57: {  	v3 =	vand.u32 $0x7, v3  }
0x58: {  	v3 =	vor.u32 v3, v4  }
0x59: {  	v4 =	vperm.xlane v3, v0;
	_ =	sdelay $0x1  }
0x5a: {  	v4 =	vadd.s32 v1, v4;
	_ =	sdelay $0x3  }
0x5b: {  	v3 =	vperm.xlane v3, v2  }
0x5c: {  	[hbm4b:s3+s2] =	stream.indirect_vreg.scatter [tilespmem:s28], [sflag:$0x1], $0x80, v4, vm0, $0xb8;
	[tilespmem:$0xC080] =	vst v63  }
0x5d: {  	v3 =	vadd.s32 v1, v3  }
0x5e: {  	[hbm4b:s4+s2] =	stream.indirect_vreg.scatter [tilespmem:s29], [sflag:$0x1], $0x80, v4, vm0, $0xb8;
	[tilespmem:$0xC080] =	vst v63  }
0x5f: {  	_ = 	snop  }
0x60: {  	[hbm4b:s5+s2] =	stream.indirect_vreg.scatter [tilespmem:s30], [sflag:$0x1], $0x80, v4, vm0, $0xb8;
	[tilespmem:$0xC080] =	vst v63  }
0x61: {  	_ = 	snop  }
0x62: {  	[hbm4b:s3+s2] =	stream.indirect_vreg.scatter [tilespmem:s31], [sflag:$0x1], $0x80, v3, vm0, $0xb8;
	[tilespmem:$0xC080] =	vst v63  }
0x63: {  	s7 =	simm.s32 $0xB080  }
0x64: {  	[hbm4b:s4+s2] =	stream.indirect_vreg.scatter [tilespmem:s7], [sflag:$0x1], $0x80, v3, vm0, $0xb8;
	[tilespmem:$0xC080] =	vst v63  }
0x65: {  	s7 =	simm.s32 $0xB880  }
0x66: {  	[hbm4b:s5+s2] =	stream.indirect_vreg.scatter [tilespmem:s7], [sflag:$0x1], $0x80, v3, vm0, $0xb8;
	[tilespmem:$0xC080] =	vst v63  }
0x67: {  	_ =	swait.ge [sflag:s1], $0xC000  }
0x68: {  	[sflag:s1] =	ssyncset.done $0x0  }
0x69: {  	s9 =	rddreg [dreg:$0x5];
	[sflag:s1] =	ssyncadd.s32 $0xFFFF4000  }
0x6a: {  	[tilespmem:s2], [sflag:$0x2] =	stream.linear.gather [hbm4b:s9+s2], $0x80, $0x38;
	[tilespmem:$0xC080] =	vst v63  }
0x6b: {  	_ =	swait.ge [sflag:s8], $0x80  }
0x6c: {  	[sflag:s8] =	ssyncset.done $0x0  }
0x6d: {  	[sflag:s8] =	ssyncadd.s32 $0xFFFFFF80  }
0x6e: {  	v3 =	vld [tilespmem:$0x0];
	_ =	sdelay $0x4  }
0x6f: {  	v60 =	vshrl.u32 v3, $0x3  }
0x70: {  	v4 =	vmul.u32 $0x30, v60  }
0x71: {  	v3 =	vand.u32 $0x7, v3  }
0x72: {  	v3 =	vor.u32 v3, v4  }
0x73: {  	v4 =	vperm.xlane v3, v0;
	_ =	sdelay $0x1  }
0x74: {  	v4 =	vadd.s32 v1, v4;
	_ =	sdelay $0x3  }
0x75: {  	v3 =	vperm.xlane v3, v2  }
0x76: {  	[hbm4b:s3+s2] =	stream.indirect_vreg.scatter [tilespmem:s0], [sflag:$0x1], $0x80, v4, vm0, $0xb8;
	[tilespmem:$0xC080] =	vst v63  }
0x77: {  	v3 =	vadd.s32 v1, v3  }
0x78: {  	[hbm4b:s4+s2] =	stream.indirect_vreg.scatter [tilespmem:s10], [sflag:$0x1], $0x80, v4, vm0, $0xb8;
	[tilespmem:$0xC080] =	vst v63  }
0x79: {  	_ = 	snop  }
0x7a: {  	[hbm4b:s5+s2] =	stream.indirect_vreg.scatter [tilespmem:s11], [sflag:$0x1], $0x80, v4, vm0, $0xb8;
	[tilespmem:$0xC080] =	vst v63  }
0x7b: {  	_ = 	snop  }
0x7c: {  	[hbm4b:s3+s2] =	stream.indirect_vreg.scatter [tilespmem:s12], [sflag:$0x1], $0x80, v3, vm0, $0xb8;
	[tilespmem:$0xC080] =	vst v63  }
0x7d: {  	_ = 	snop  }
0x7e: {  	[hbm4b:s4+s2] =	stream.indirect_vreg.scatter [tilespmem:s13], [sflag:$0x1], $0x80, v3, vm0, $0xb8;
	[tilespmem:$0xC080] =	vst v63  }
0x7f: {  	_ = 	snop  }
0x80: {  	[hbm4b:s5+s2] =	stream.indirect_vreg.scatter [tilespmem:s14], [sflag:$0x1], $0x80, v3, vm0, $0xb8;
	[tilespmem:$0xC080] =	vst v63  }
0x81: {  	v3 =	vld [tilespmem:$0x10];
	_ =	sdelay $0x4  }
0x82: {  	v61 =	vshrl.u32 v3, $0x3  }
0x83: {  	v4 =	vmul.u32 $0x30, v61  }
0x84: {  	v3 =	vand.u32 $0x7, v3  }
0x85: {  	v3 =	vor.u32 v3, v4  }
0x86: {  	v4 =	vperm.xlane v3, v0;
	_ =	sdelay $0x1  }
0x87: {  	v4 =	vadd.s32 v1, v4;
	_ =	sdelay $0x3  }
0x88: {  	v3 =	vperm.xlane v3, v2  }
0x89: {  	[hbm4b:s3+s2] =	stream.indirect_vreg.scatter [tilespmem:s15], [sflag:$0x1], $0x80, v4, vm0, $0xb8;
	[tilespmem:$0xC080] =	vst v63  }
0x8a: {  	v3 =	vadd.s32 v1, v3  }
0x8b: {  	[hbm4b:s4+s2] =	stream.indirect_vreg.scatter [tilespmem:s16], [sflag:$0x1], $0x80, v4, vm0, $0xb8;
	[tilespmem:$0xC080] =	vst v63  }
0x8c: {  	_ = 	snop  }
0x8d: {  	[hbm4b:s5+s2] =	stream.indirect_vreg.scatter [tilespmem:s17], [sflag:$0x1], $0x80, v4, vm0, $0xb8;
	[tilespmem:$0xC080] =	vst v63  }
0x8e: {  	_ = 	snop  }
0x8f: {  	[hbm4b:s3+s2] =	stream.indirect_vreg.scatter [tilespmem:s18], [sflag:$0x1], $0x80, v3, vm0, $0xb8;
	[tilespmem:$0xC080] =	vst v63  }
0x90: {  	_ = 	snop  }
0x91: {  	[hbm4b:s4+s2] =	stream.indirect_vreg.scatter [tilespmem:s19], [sflag:$0x1], $0x80, v3, vm0, $0xb8;
	[tilespmem:$0xC080] =	vst v63  }
0x92: {  	_ = 	snop  }
0x93: {  	[hbm4b:s5+s2] =	stream.indirect_vreg.scatter [tilespmem:s20], [sflag:$0x1], $0x80, v3, vm0, $0xb8;
	[tilespmem:$0xC080] =	vst v63  }
0x94: {  	v3 =	vld [tilespmem:$0x20];
	_ =	sdelay $0x4  }
0x95: {  	v62 =	vshrl.u32 v3, $0x3  }
0x96: {  	v4 =	vmul.u32 $0x30, v62  }
0x97: {  	v3 =	vand.u32 $0x7, v3  }
0x98: {  	v3 =	vor.u32 v3, v4  }
0x99: {  	v4 =	vperm.xlane v3, v0;
	_ =	sdelay $0x1  }
0x9a: {  	v4 =	vadd.s32 v1, v4;
	_ =	sdelay $0x3  }
0x9b: {  	v3 =	vperm.xlane v3, v2  }
0x9c: {  	[hbm4b:s3+s2] =	stream.indirect_vreg.scatter [tilespmem:s21], [sflag:$0x1], $0x80, v4, vm0, $0xb8;
	[tilespmem:$0xC080] =	vst v63  }
0x9d: {  	v3 =	vadd.s32 v1, v3  }
0x9e: {  	[hbm4b:s4+s2] =	stream.indirect_vreg.scatter [tilespmem:s22], [sflag:$0x1], $0x80, v4, vm0, $0xb8;
	[tilespmem:$0xC080] =	vst v63  }
0x9f: {  	_ = 	snop  }
0xa0: {  	[hbm4b:s5+s2] =	stream.indirect_vreg.scatter [tilespmem:s23], [sflag:$0x1], $0x80, v4, vm0, $0xb8;
	[tilespmem:$0xC080] =	vst v63  }
0xa1: {  	_ = 	snop  }
0xa2: {  	[hbm4b:s3+s2] =	stream.indirect_vreg.scatter [tilespmem:s24], [sflag:$0x1], $0x80, v3, vm0, $0xb8;
	[tilespmem:$0xC080] =	vst v63  }
0xa3: {  	_ = 	snop  }
0xa4: {  	[hbm4b:s4+s2] =	stream.indirect_vreg.scatter [tilespmem:s25], [sflag:$0x1], $0x80, v3, vm0, $0xb8;
	[tilespmem:$0xC080] =	vst v63  }
0xa5: {  	_ = 	snop  }
0xa6: {  	[hbm4b:s5+s2] =	stream.indirect_vreg.scatter [tilespmem:s26], [sflag:$0x1], $0x80, v3, vm0, $0xb8;
	[tilespmem:$0xC080] =	vst v63  }
0xa7: {  	v3 =	vld [tilespmem:$0x30];
	_ =	sdelay $0x4  }
0xa8: {  	v63 =	vshrl.u32 v3, $0x3  }
0xa9: {  	v4 =	vmul.u32 $0x30, v63  }
0xaa: {  	v3 =	vand.u32 $0x7, v3  }
0xab: {  	v3 =	vor.u32 v3, v4  }
0xac: {  	v4 =	vperm.xlane v3, v0;
	_ =	sdelay $0x1  }
0xad: {  	v4 =	vadd.s32 v1, v4;
	_ =	sdelay $0x3  }
0xae: {  	v3 =	vperm.xlane v3, v2  }
0xaf: {  	[hbm4b:s3+s2] =	stream.indirect_vreg.scatter [tilespmem:s28], [sflag:$0x1], $0x80, v4, vm0, $0xb8;
	[tilespmem:$0xC080] =	vst v63  }
0xb0: {  	v3 =	vadd.s32 v1, v3  }
0xb1: {  	[hbm4b:s4+s2] =	stream.indirect_vreg.scatter [tilespmem:s29], [sflag:$0x1], $0x80, v4, vm0, $0xb8;
	[tilespmem:$0xC080] =	vst v63  }
0xb2: {  	_ = 	snop  }
0xb3: {  	[hbm4b:s5+s2] =	stream.indirect_vreg.scatter [tilespmem:s30], [sflag:$0x1], $0x80, v4, vm0, $0xb8;
	[tilespmem:$0xC080] =	vst v63  }
0xb4: {  	_ = 	snop  }
0xb5: {  	[hbm4b:s3+s2] =	stream.indirect_vreg.scatter [tilespmem:s31], [sflag:$0x1], $0x80, v3, vm0, $0xb8;
	[tilespmem:$0xC080] =	vst v63  }
0xb6: {  	p0 =	sne.s32 s6, $0x1;
	s9 =	simm.s32 $0xB080  }
0xb7: {  	[hbm4b:s4+s2] =	stream.indirect_vreg.scatter [tilespmem:s9], [sflag:$0x1], $0x80, v3, vm0, $0xb8;
	[tilespmem:$0xC080] =	vst v63  }
.Ltmp0:
0xb8: {  	_ = 	snop;
	(pc) =	sbr.rel @p0 .LBB2_1-.Ltmp0, $4  }
0xb9: {  	[hbm4b:s5+s2] =	stream.indirect_vreg.scatter [tilespmem:s7], [sflag:$0x1], $0x80, v3, vm0, $0xb8;
	[tilespmem:$0xC080] =	vst v63  }
0xba: {  	_ =	swait.ge [sflag:s1], $0xC000  }
0xbb: {  	[sflag:s1] =	ssyncset.done $0x0  }
0xbc: {  	s6 =	sadd.s32 $0xFFFFFFFF, s6;
	[sflag:s1] =	ssyncadd.s32 $0xFFFF4000  }
0xbd: {  	_ =	sfence.sel $0x180000  }
0xbe: {  	[bflag:$0x0] =	sbarrier.arrive $0xFFFF  }
0xbf: {  	_ =	strace $0x90000047  }
0xc0: {  	s0 =	stileid.u32;
	[bflag:$0x2] =	sbarrier.arrive $0xFFFF  }
0xc1: {  	p0 =	sne.s32 s0, $0x0;
	s0 =	rddreg [dreg:$0x2]  }
0xc2: {  	s0 =	sadd.s32 @!p0 $0x100000, s0  }
0xc3: {  	[sflag:s0] =	ssyncadd.tile.s32 @!p0 $0x1;
	_ =	shalt  }
.Lfunc_end2:
_tile_overlayer_lowered:
.L_overlay_start_2:
0xc4: {  	(tag) =	ssettag $0x2  }
0xc5: {  	s0 =	rddreg [dreg:$0x0];
	s2 =	stileid.u32  }
0xc6: {  	s1 =	rddreg [dreg:$0x1];
	p0 =	sne.s32 s2, $0x0  }
0xc7: {  	s3 =	rddreg [dreg:$0x2];
	[bflag:$0x3] =	sbarrier.arrive $0xFFFF;
	s2 =	simm.s32 @!p0 $0x1C02  }
0xc8: {  	[timem:s3], [sflag:s2] =	dma.local @!p0 [hbm:s0], s1  }
0xc9: {  	s0 =	simm.s32 @!p0 $0x2  }
0xca: {  	_ =	swait.ge @!p0 [sflag:s0], s1  }
0xcb: {  	s1 =	ssub.s32 @!p0 $0x0, s1;
	[sflag:s0] =	ssyncset.done @!p0 $0x0  }
0xcc: {  	[sflag:s0] =	ssyncadd.s32 @!p0 s1  }
0xcd: {  	[bflag:$0x3] =	sbarrier.arrive $0xFFFF  }
0xce: {  	_ =	shalt  }

// kernel: kernel.14.cloned.1.call-start
scs
__scs_entry_jumppad:
0x0: {  	(pc) =	sbr.rel $0x88, $3  }
0x1: {  	(tag) =	ssettag $0x0;
	lr =	simm.s32 $0x1  }
0x2: {  	[smem:$0x3F93] =	sst lr;
	_ =	strace $0xD0000000  }
0x3: {  	_ = 	snop  }
0x4: {  	_ = 	snop  }
0x5: {  	_ = 	snop  }
0x6: {  	_ = 	snop  }
0x7: {  	_ = 	snop  }
__scs_overlays_trampoline_lowered:
0x8: {  	[smem:$0x3FA2] =	sst s0  }
0x9: {  	[smem:$0x3FA3] =	sst s1  }
0xa: {  	[smem:$0x3FA4] =	sst s2  }
0xb: {  	[smem:$0x3FA5] =	sst s3  }
0xc: {  	[smem:$0x3FA6] =	sst s4  }
0xd: {  	[smem:$0x3FA7] =	sst s5  }
0xe: {  	[smem:$0x3FA8] =	sst s6  }
0xf: {  	[smem:$0x3FA9] =	sst s7  }
0x10: {  	[smem:$0x3FAA] =	sst s8  }
0x11: {  	[smem:$0x3FAB] =	sst s9;
	s0 =	simm.s32 @!p0 $0x0  }
0x12: {  	s1 =	sld [smem:$0x3F91];
	s0 =	simm.s32 @p0 $0x1  }
0x13: {  	[smem:$0x3FAC] =	sst s0;
	s0 =	simm.s32 @!p1 $0x0  }
0x14: {  	s2 =	sld [smem:$0x3F90];
	s0 =	simm.s32 @p1 $0x1  }
0x15: {  	[smem:$0x3FAD] =	sst s0;
	s0 =	simm.s32 @!p2 $0x0  }
0x16: {  	s3 =	sld [smem:$0x3FDB];
	s0 =	simm.s32 @p2 $0x1  }
0x17: {  	s4 =	simm.s32 $0x1BF5;
	[smem:$0x3FAF] =	sst s0  }
0x18: {  	s0 =	sld [smem:$0x3F92];
	_ =	swait.ge [sflag:s4], $0x0  }
0x19: {  	s7 =	sld [smem:$0x3F93]  }
0x1a: {  	s8 =	sadd.s32 $0xFFFFE003, lr  }
0x1b: {  	s9 =	sadd.s32 $0xFFFFFEF7, lr;
	s5 =	simm.s32 $0xFFFFFFFF;
	p2 =	slt.u32 s8, $0xFFFFF086  }
0x1c: {  	p1 =	slt.u32 s9, $0xF7A;
	s5 =	simm.s32 @!p2 $0x0  }
0x1d: {  	s5 =	simm.s32 @p1 $0x1;
	p0 =	seq.s32 s7, s2  }
0x1e: {  	s7 =	smul.u32 @!p0 $0xF7A, s2;
	p2 =	seq.s32 @!p0 s5, $0x0  }
0x1f: {  	s9 =	smul.u32 $0xF7A, s1;
	s8 =	simm.s32 @!p0 $0x1BF5;
	p2 =	por !p2, p0  }
0x20: {  	[sflag:s8] =	ssyncset.s32 @!p0 $0xFFFFF086;
	s6 =	sadd.s32 @!p0 s3, s7;
	s7 =	simm.s32 @!p0 $0x108  }
0x21: {  	s3 =	sadd.s32 s3, s9;
	s6 =	sadd.s32 @!p0 $0x88, s6;
	s7 =	simm.s32 @p2 $0x1082  }
0x22: {  	[simem:s7], [sflag:s8] =	dma.local @!p0 [hbm:s6], $0xF7A  }
0x23: {  	s9 =	sor.u32 $0xD0000000, s2;
	s6 =	simm.s32 $0x108;
	_ =	swait.ge @!p0 [sflag:s8], $0x0  }
0x24: {  	s3 =	sadd.s32 $0x88, s3;
	s6 =	simm.s32 @!p1 $0x1082;
	[sflag:s4] =	ssyncset.s32 $0xFFFFF086  }
0x25: {  	[simem:s6], [sflag:s4] =	dma.local [hbm:s3], $0xF7A  }
0x26: {  	[smem:$0x3F93] =	sst s1;
	(tag) =	ssettag s2;
	_ =	strace s9  }
0x27: {  	s1 =	sld [smem:$0x3FA3]  }
0x28: {  	s2 =	sld [smem:$0x3FA4]  }
0x29: {  	s4 =	sld [smem:$0x3FA6]  }
0x2a: {  	p0 =	seq.s32 s5, $0x0;
	s5 =	sld [smem:$0x3FA7]  }
0x2b: {  	s6 =	sld [smem:$0x3FA8]  }
0x2c: {  	s7 =	sld [smem:$0x3FA9]  }
0x2d: {  	s3 =	simm.s32 $0x108;
	s8 =	sld [smem:$0x3FAA]  }
0x2e: {  	s3 =	simm.s32 @!p0 $0x1082;
	s9 =	sld [smem:$0x3FAB]  }
0x2f: {  	lr =	sadd.s32 s0, s3;
	s0 =	sld [smem:$0x3FA2]  }
0x30: {  	s3 =	sld [smem:$0x3FA5]  }
0x31: {  	[smem:$0x3FAE] =	sst s10  }
0x32: {  	s10 =	sld [smem:$0x3FAC];
	_ =	sdelay $0x3  }
0x33: {  	p0 =	seq.s32 s10, $0x1;
	s10 =	sld [smem:$0x3FAE];
	_ =	sdelay $0x3  }
0x34: {  	[smem:$0x3FAE] =	sst s10  }
0x35: {  	s10 =	sld [smem:$0x3FAD];
	_ =	sdelay $0x3  }
0x36: {  	p1 =	seq.s32 s10, $0x1;
	s10 =	sld [smem:$0x3FAE];
	_ =	sdelay $0x3  }
0x37: {  	[smem:$0x3FAE] =	sst s10  }
0x38: {  	s10 =	sld [smem:$0x3FAF]  }
0x39: {  	_ = 	snop;
	(pc) =	sbr.ind lr, $3  }
0x3a: {  	_ = 	snop  }
0x3b: {  	_ = 	snop  }
0x3c: {  	p2 =	seq.s32 s10, $0x1;
	s10 =	sld [smem:$0x3FAE]  }
0x3d: {  	_ =	shalt  }
0x3e: {  	_ =	shalt  }
0x3f: {  	_ =	shalt  }
0x40: {  	_ =	shalt  }
0x41: {  	_ =	shalt  }
0x42: {  	_ =	shalt  }
0x43: {  	_ =	shalt  }
0x44: {  	_ =	shalt  }
0x45: {  	_ =	shalt  }
0x46: {  	_ =	shalt  }
0x47: {  	_ =	shalt  }
0x48: {  	_ =	shalt  }
0x49: {  	_ =	shalt  }
0x4a: {  	_ =	shalt  }
0x4b: {  	_ =	shalt  }
0x4c: {  	_ =	shalt  }
0x4d: {  	_ =	shalt  }
0x4e: {  	_ =	shalt  }
0x4f: {  	_ =	shalt  }
0x50: {  	_ =	shalt  }
0x51: {  	_ =	shalt  }
0x52: {  	_ =	shalt  }
0x53: {  	_ =	shalt  }
0x54: {  	_ =	shalt  }
0x55: {  	_ =	shalt  }
0x56: {  	_ =	shalt  }
0x57: {  	_ =	shalt  }
0x58: {  	_ =	shalt  }
0x59: {  	_ =	shalt  }
0x5a: {  	_ =	shalt  }
0x5b: {  	_ =	shalt  }
0x5c: {  	_ =	shalt  }
0x5d: {  	_ =	shalt  }
0x5e: {  	_ =	shalt  }
0x5f: {  	_ =	shalt  }
0x60: {  	_ =	shalt  }
0x61: {  	_ =	shalt  }
0x62: {  	_ =	shalt  }
0x63: {  	_ =	shalt  }
0x64: {  	_ =	shalt  }
0x65: {  	_ =	shalt  }
0x66: {  	_ =	shalt  }
0x67: {  	_ =	shalt  }
0x68: {  	_ =	shalt  }
0x69: {  	_ =	shalt  }
0x6a: {  	_ =	shalt  }
0x6b: {  	_ =	shalt  }
0x6c: {  	_ =	shalt  }
0x6d: {  	_ =	shalt  }
0x6e: {  	_ =	shalt  }
0x6f: {  	_ =	shalt  }
0x70: {  	_ =	shalt  }
0x71: {  	_ =	shalt  }
0x72: {  	_ =	shalt  }
0x73: {  	_ =	shalt  }
0x74: {  	_ =	shalt  }
0x75: {  	_ =	shalt  }
0x76: {  	_ =	shalt  }
0x77: {  	_ =	shalt  }
0x78: {  	_ =	shalt  }
0x79: {  	_ =	shalt  }
0x7a: {  	_ =	shalt  }
0x7b: {  	_ =	shalt  }
0x7c: {  	_ =	shalt  }
0x7d: {  	_ =	shalt  }
0x7e: {  	_ =	shalt  }
0x7f: {  	_ =	shalt  }
0x80: {  	_ =	shalt  }
0x81: {  	_ =	shalt  }
0x82: {  	_ =	shalt  }
0x83: {  	_ =	shalt  }
0x84: {  	_ =	shalt  }
0x85: {  	_ =	shalt  }
0x86: {  	_ =	shalt  }
0x87: {  	_ =	shalt  }
.Lfunc_end0:
.L_simem_size_0:
called_computation.1_lowered:
.L_overlay_start_0:
0x88: {  	s2 =	sld [smem:$0x3FD9]  }
0x89: {  	s3 =	sld [smem:$0x3FFE];
	_ =	sdelay $0x1  }
0x8a: {  	s1 =	srdreg.scid  }
0x8b: {  	s0 =	sand.u32 $0x1, s1  }
0x8c: {  	s16 =	sshll.u32 s0, $0xA;
	s2 =	sadd.s32 s3, s2  }
0x8d: {  	s2 =	sadd.s32 s2, s16  }
0x8e: {  	[smem:$0x3FBA] =	sst s2  }
0x8f: {  	_ = 	snop  }
0x90: {  	(tm) =	ssettm $0x1  }
0x91: {  	s17 =	sld [smem:$0x3FFB];
	_ =	sdelay $0x3  }
0x92: {  	_ =	strace s17  }
0x93: {  	s2 =	sld [smem:$0x3FFC];
	_ =	sdelay $0x3  }
0x94: {  	_ =	strace s2  }
0x95: {  	s2 =	sld [smem:$0x3FFD];
	_ =	sdelay $0x3  }
0x96: {  	_ =	strace s2  }
0x97: {  	_ =	strace $0x8FFFFFFF  }
0x98: {  	s18 =	sld [smem:$0x3FDB];
	_ =	sdelay $0x1  }
0x99: {  	s19 =	simm.s32 $_scs_section_size  }
0x9a: {  	s4 =	simm.s32 $_size__tile_overlayer_lowered;
	s5 =	simm.s32 $_tile_overlayer_lowered  }
0x9b: {  	s22 =	simm.s32 $0x1BFF;
	s21 =	sshll.u32 s5, $0x1;
	s2 =	sadd.s32 s19, s18  }
0x9c: {  	s6 =	simm.s32 $0x0;
	s20 =	sshll.u32 s4, $0x1;
	s4 =	sadd.s32 s21, s2  }
0x9d: {  	[timem:s6], [sflag:s22] =	dma.local [hbm:s4], s20  }
0x9e: {  	_ =	swait.ge [sflag:s22], s20  }
0x9f: {  	s3 =	ssub.s32 $0x0, s20;
	[sflag:s22] =	ssyncset.done $0x0  }
0xa0: {  	[sflag:s22] =	ssyncadd.s32 s3;
	_ =	sdelay $0x1  }
0xa1: {  	s23 =	simm.s32 $0x1B8B  }
0xa2: {  	_ =	swait.ge [sflag:s23], $0x1  }
0xa3: {  	[sflag:s23] =	ssyncset.done $0x0  }
0xa4: {  	s25 =	simm.s32 $0x1B8E;
	s24 =	sld [smem:$0x3FFE];
	[sflag:s23] =	ssyncadd.s32 $0xFFFFFFFF  }
0xa5: {  	s26 =	simm.s32 $execute0_lowered;
	[smem:$0x3FD2] =	sst s25  }
0xa6: {  	s4 =	sshll.u32 s26, $0x1;
	_ =	strace $0x80000049;
	[dreg:$0x1] =	wrdreg $0xFFFFFFFF  }
0xa7: {  	s28 =	simm.s32 $_size_execute0_lowered;
	s2 =	sadd.s32 s2, s4;
	[dreg:$0x0] =	wrdreg $0x0  }
0xa8: {  	s4 =	sshll.u32 s28, $0x1;
	[dreg:$0x2] =	wrdreg s2  }
0xa9: {  	[dreg:$0x3] =	wrdreg s4  }
0xaa: {  	[dreg:$0x4] =	wrdreg $0xC0  }
0xab: {  	_ =	task [dreg:s6], $0x5FFFF  }
0xac: {  	[dreg:$0x1] =	wrdreg $0xFFFFFFFF  }
0xad: {  	[dreg:$0x0] =	wrdreg $0x60  }
0xae: {  	[dreg:$0x2] =	wrdreg s24  }
0xaf: {  	[dreg:$0x3] =	wrdreg $0x9  }
0xb0: {  	_ =	task.clear_ibuf [dreg:s6], $0x4FFFF;
	_ =	strace $0x90000049  }
0xb1: {  	s29 =	simm.s32 $0x9;
	_ =	strace $0x8000004B  }
0xb2: {  	_ =	swait.ge [sflag:s29], $0x1  }
0xb3: {  	[sflag:s29] =	ssyncadd.s32 $0xFFFFFFFF  }
0xb4: {  	_ =	strace $0x9000004B  }
0xb5: {  	_ =	sfence  }
0xb6: {  	s30 =	sld [smem:$0x0];
	_ =	sdelay $0x2  }
0xb7: {  	s31 =	sshll.u32 s1, $0xD;
	s1 =	sshrl.u32 s1, $0x2  }
0xb8: {  	s3 =	sand.u32 $0x4000, s31;
	s1 =	sadd.s32 s1, s30  }
0xb9: {  	s0 =	sor.u32 s3, s0;
	s1 =	sshll.u32 s1, $0x11  }
0xba: {  	s0 =	sor.u32 s1, s0  }
0xbb: {  	s0 =	sadd.s32 $0x8F2B, s0  }
0xbc: {  	[sflag:s0] =	ssyncadd.remote.s32 $0x1  }
0xbd: {  	_ =	sfence.sel $0xFFFF  }
0xbe: {  	[dreg:$0x0] =	wrdreg $0xFFFFFFFF;
	(pc) =	sbr.abs _section_cstart, $3  }
0xbf: {  	[dreg:$0x1] =	wrdreg $0xFFFFFFFF  }
0xc0: {  	_ =	task.clear_ibuf [dreg:s6], $0x2FFFF;
	_ =	strace $0x9FFFFFFF  }
0xc1: {  	(tm) =	ssettm $0x7FFFFFFF  }
tec
execute0_lowered:
.L_overlay_start_1:
0x0: {  	(tag) =	ssettag $0x1  }
0x1: {  	s0 =	srdreg.scid  }
0x2: {  	s2 =	stileid.u32;
	s1 =	rddreg [dreg:$0x0];
	s10 =	simm.s32 $0x880  }
0x3: {  	s11 =	simm.s32 $0x1080;
	s12 =	simm.s32 $0x1880;
	s13 =	simm.s32 $0x2080  }
0x4: {  	s14 =	simm.s32 $0x2880;
	s15 =	simm.s32 $0x3080;
	s16 =	simm.s32 $0x3880  }
0x5: {  	s17 =	simm.s32 $0x4080;
	s18 =	simm.s32 $0x4880;
	s19 =	simm.s32 $0x5080  }
0x6: {  	s20 =	simm.s32 $0x5880;
	s21 =	simm.s32 $0x6080;
	s22 =	simm.s32 $0x6880  }
0x7: {  	s23 =	simm.s32 $0x7080;
	s24 =	simm.s32 $0x7880;
	s28 =	simm.s32 $0x9080  }
0x8: {  	s29 =	simm.s32 $0x9880;
	s30 =	simm.s32 $0xA080;
	s31 =	simm.s32 $0xA880  }
0x9: {  	s0 =	sand.u32 $0x1, s0;
	s3 =	sshll.u32 s2, $0x1;
	s2 =	simm.s32 $0x0  }
0xa: {  	s3 =	sor.u32 s0, s3;
	[smem:$0x7FF] =	sst s2;
	s0 =	ssub.s32 $0x2, s0  }
0xb: {  	s4 =	sshll.u32 s3, $0x4;
	s5 =	smul.u32 $0x1800, s3;
	_ =	strace $0x8000004A  }
0xc: {  	s3 =	sadd.s32 $0xBC00, s1;
	s7 =	sshrl.u32 s0, $0x1;
	s4 =	sadd.s32 s4, s1  }
0xd: {  	s0 =	ssub.s32 s0, s7;
	s7 =	simm.s32 $0x2;
	s6 =	sadd.s32 $0xBA00, s4  }
0xe: {  	s5 =	sadd.s32 s5, s1;
	s4 =	sadd.s32 $0xB800, s4;
	[dreg:$0x2] =	wrdreg s6  }
0xf: {  	s25 =	sadd.s32 $0x9BC00, s5;
	[dreg:$0x4] =	wrdreg s4;
	s26 =	sadd.s32 $0xCBC00, s5  }
0x10: {  	v2 =	vlaneseq.u32;
	s4 =	sadd.s32 $0xBD00, s1;
	s5 =	sadd.s32 $0xBE00, s1;
	s6 =	smax.u32 s0, $0x1  }
0x11: {  	vm0 =	vmmov $0xffff;
	v1 =	vshrl.u32 v2, $0x3;
	s0 =	simm.s32 $0x1;
	s1 =	simm.s32 $0x80;
	[dreg:$0x3] =	wrdreg s25  }
0x12: {  	v0 =	vand.u32 $0x7, v2;
	v2 =	vor.u32 $0x8, v2;
	v1 =	vmul.u32 $0x8, v1;
	[dreg:$0x5] =	wrdreg s26;
	s25 =	simm.s32 $0x8080;
	s26 =	simm.s32 $0x8880  }
.LBB2_1:
0x13: {  	s9 =	rddreg [dreg:$0x2]  }
0x14: {  	[tilespmem:s2], [sflag:$0x2] =	stream.linear.gather [hbm4b:s9+s2], $0x80, $0x38;
	[tilespmem:$0xC080] =	vst v63  }
0x15: {  	_ =	swait.ge [sflag:s7], $0x80  }
0x16: {  	[sflag:s7] =	ssyncset.done $0x0  }
0x17: {  	[sflag:s7] =	ssyncadd.s32 $0xFFFFFF80  }
0x18: {  	v3 =	vld [tilespmem:$0x0];
	_ =	sdelay $0x4  }
0x19: {  	v4 =	vshrl.u32 v3, $0x3  }
0x1a: {  	v4 =	vmul.u32 $0x30, v4  }
0x1b: {  	v3 =	vand.u32 $0x7, v3  }
0x1c: {  	v3 =	vor.u32 v3, v4  }
0x1d: {  	v4 =	vperm.xlane v3, v0;
	_ =	sdelay $0x1  }
0x1e: {  	v4 =	vadd.s32 v1, v4;
	_ =	sdelay $0x3  }
0x1f: {  	v3 =	vperm.xlane v3, v2  }
0x20: {  	[tilespmem:s1], [sflag:$0x1] =	stream.indirect_vreg.gather [hbm4b:s3+s2], $0x80, v4, vm0, $0xb8;
	[tilespmem:$0xC080] =	vst v63  }
0x21: {  	v3 =	vadd.s32 v1, v3  }
0x22: {  	[tilespmem:s10], [sflag:$0x1] =	stream.indirect_vreg.gather [hbm4b:s4+s2], $0x80, v4, vm0, $0xb8;
	[tilespmem:$0xC080] =	vst v63  }
0x23: {  	_ = 	snop  }
0x24: {  	[tilespmem:s11], [sflag:$0x1] =	stream.indirect_vreg.gather [hbm4b:s5+s2], $0x80, v4, vm0, $0xb8;
	[tilespmem:$0xC080] =	vst v63  }
0x25: {  	_ = 	snop  }
0x26: {  	[tilespmem:s12], [sflag:$0x1] =	stream.indirect_vreg.gather [hbm4b:s3+s2], $0x80, v3, vm0, $0xb8;
	[tilespmem:$0xC080] =	vst v63  }
0x27: {  	_ = 	snop  }
0x28: {  	[tilespmem:s13], [sflag:$0x1] =	stream.indirect_vreg.gather [hbm4b:s4+s2], $0x80, v3, vm0, $0xb8;
	[tilespmem:$0xC080] =	vst v63  }
0x29: {  	_ = 	snop  }
0x2a: {  	[tilespmem:s14], [sflag:$0x1] =	stream.indirect_vreg.gather [hbm4b:s5+s2], $0x80, v3, vm0, $0xb8;
	[tilespmem:$0xC080] =	vst v63  }
0x2b: {  	v3 =	vld [tilespmem:$0x10];
	_ =	sdelay $0x4  }
0x2c: {  	v57 =	vshrl.u32 v3, $0x3  }
0x2d: {  	v4 =	vmul.u32 $0x30, v57  }
0x2e: {  	v3 =	vand.u32 $0x7, v3  }
0x2f: {  	v3 =	vor.u32 v3, v4  }
0x30: {  	v4 =	vperm.xlane v3, v0;
	_ =	sdelay $0x1  }
0x31: {  	v4 =	vadd.s32 v1, v4;
	_ =	sdelay $0x3  }
0x32: {  	v3 =	vperm.xlane v3, v2  }
0x33: {  	[tilespmem:s15], [sflag:$0x1] =	stream.indirect_vreg.gather [hbm4b:s3+s2], $0x80, v4, vm0, $0xb8;
	[tilespmem:$0xC080] =	vst v63  }
0x34: {  	v3 =	vadd.s32 v1, v3  }
0x35: {  	[tilespmem:s16], [sflag:$0x1] =	stream.indirect_vreg.gather [hbm4b:s4+s2], $0x80, v4, vm0, $0xb8;
	[tilespmem:$0xC080] =	vst v63  }
0x36: {  	_ = 	snop  }
0x37: {  	[tilespmem:s17], [sflag:$0x1] =	stream.indirect_vreg.gather [hbm4b:s5+s2], $0x80, v4, vm0, $0xb8;
	[tilespmem:$0xC080] =	vst v63  }
0x38: {  	_ = 	snop  }
0x39: {  	[tilespmem:s18], [sflag:$0x1] =	stream.indirect_vreg.gather [hbm4b:s3+s2], $0x80, v3, vm0, $0xb8;
	[tilespmem:$0xC080] =	vst v63  }
0x3a: {  	_ = 	snop  }
0x3b: {  	[tilespmem:s19], [sflag:$0x1] =	stream.indirect_vreg.gather [hbm4b:s4+s2], $0x80, v3, vm0, $0xb8;
	[tilespmem:$0xC080] =	vst v63  }
0x3c: {  	_ = 	snop  }
0x3d: {  	[tilespmem:s20], [sflag:$0x1] =	stream.indirect_vreg.gather [hbm4b:s5+s2], $0x80, v3, vm0, $0xb8;
	[tilespmem:$0xC080] =	vst v63  }
0x3e: {  	v3 =	vld [tilespmem:$0x20];
	_ =	sdelay $0x4  }
0x3f: {  	v58 =	vshrl.u32 v3, $0x3  }
0x40: {  	v4 =	vmul.u32 $0x30, v58  }
0x41: {  	v3 =	vand.u32 $0x7, v3  }
0x42: {  	v3 =	vor.u32 v3, v4  }
0x43: {  	v4 =	vperm.xlane v3, v0;
	_ =	sdelay $0x1  }
0x44: {  	v4 =	vadd.s32 v1, v4;
	_ =	sdelay $0x3  }
0x45: {  	v3 =	vperm.xlane v3, v2  }
0x46: {  	[tilespmem:s21], [sflag:$0x1] =	stream.indirect_vreg.gather [hbm4b:s3+s2], $0x80, v4, vm0, $0xb8;
	[tilespmem:$0xC080] =	vst v63  }
0x47: {  	v3 =	vadd.s32 v1, v3  }
0x48: {  	[tilespmem:s22], [sflag:$0x1] =	stream.indirect_vreg.gather [hbm4b:s4+s2], $0x80, v4, vm0, $0xb8;
	[tilespmem:$0xC080] =	vst v63  }
0x49: {  	_ = 	snop  }
0x4a: {  	[tilespmem:s23], [sflag:$0x1] =	stream.indirect_vreg.gather [hbm4b:s5+s2], $0x80, v4, vm0, $0xb8;
	[tilespmem:$0xC080] =	vst v63  }
0x4b: {  	_ = 	snop  }
0x4c: {  	[tilespmem:s24], [sflag:$0x1] =	stream.indirect_vreg.gather [hbm4b:s3+s2], $0x80, v3, vm0, $0xb8;
	[tilespmem:$0xC080] =	vst v63  }
0x4d: {  	_ = 	snop  }
0x4e: {  	[tilespmem:s25], [sflag:$0x1] =	stream.indirect_vreg.gather [hbm4b:s4+s2], $0x80, v3, vm0, $0xb8;
	[tilespmem:$0xC080] =	vst v63  }
0x4f: {  	_ = 	snop  }
0x50: {  	[tilespmem:s26], [sflag:$0x1] =	stream.indirect_vreg.gather [hbm4b:s5+s2], $0x80, v3, vm0, $0xb8;
	[tilespmem:$0xC080] =	vst v63  }
0x51: {  	v3 =	vld [tilespmem:$0x30];
	_ =	sdelay $0x4  }
0x52: {  	v59 =	vshrl.u32 v3, $0x3  }
0x53: {  	v4 =	vmul.u32 $0x30, v59  }
0x54: {  	v3 =	vand.u32 $0x7, v3  }
0x55: {  	v3 =	vor.u32 v3, v4  }
0x56: {  	v4 =	vperm.xlane v3, v0;
	_ =	sdelay $0x1  }
0x57: {  	v4 =	vadd.s32 v1, v4;
	_ =	sdelay $0x3  }
0x58: {  	v3 =	vperm.xlane v3, v2  }
0x59: {  	[tilespmem:s28], [sflag:$0x1] =	stream.indirect_vreg.gather [hbm4b:s3+s2], $0x80, v4, vm0, $0xb8;
	[tilespmem:$0xC080] =	vst v63  }
0x5a: {  	v3 =	vadd.s32 v1, v3  }
0x5b: {  	[tilespmem:s29], [sflag:$0x1] =	stream.indirect_vreg.gather [hbm4b:s4+s2], $0x80, v4, vm0, $0xb8;
	[tilespmem:$0xC080] =	vst v63  }
0x5c: {  	_ = 	snop  }
0x5d: {  	[tilespmem:s30], [sflag:$0x1] =	stream.indirect_vreg.gather [hbm4b:s5+s2], $0x80, v4, vm0, $0xb8;
	[tilespmem:$0xC080] =	vst v63  }
0x5e: {  	_ = 	snop  }
0x5f: {  	[tilespmem:s31], [sflag:$0x1] =	stream.indirect_vreg.gather [hbm4b:s3+s2], $0x80, v3, vm0, $0xb8;
	[tilespmem:$0xC080] =	vst v63  }
0x60: {  	s8 =	simm.s32 $0xB080  }
0x61: {  	[tilespmem:s8], [sflag:$0x1] =	stream.indirect_vreg.gather [hbm4b:s4+s2], $0x80, v3, vm0, $0xb8;
	[tilespmem:$0xC080] =	vst v63  }
0x62: {  	s8 =	simm.s32 $0xB880  }
0x63: {  	[tilespmem:s8], [sflag:$0x1] =	stream.indirect_vreg.gather [hbm4b:s5+s2], $0x80, v3, vm0, $0xb8;
	[tilespmem:$0xC080] =	vst v63  }
0x64: {  	_ =	swait.ge [sflag:s0], $0xC000  }
0x65: {  	[sflag:s0] =	ssyncset.done $0x0  }
0x66: {  	s9 =	rddreg [dreg:$0x3];
	[sflag:s0] =	ssyncadd.s32 $0xFFFF4000  }
0x67: {  	[hbm4b:s9+s2] =	stream.linear.scatter [tilespmem:s1], [sflag:$0x2], $0xC000, $0x38;
	[tilespmem:$0xC080] =	vst v63  }
0x68: {  	_ =	swait.ge [sflag:s7], $0xC000  }
0x69: {  	[sflag:s7] =	ssyncset.done $0x0  }
0x6a: {  	s9 =	rddreg [dreg:$0x4];
	[sflag:s7] =	ssyncadd.s32 $0xFFFF4000  }
0x6b: {  	[tilespmem:s2], [sflag:$0x2] =	stream.linear.gather [hbm4b:s9+s2], $0x80, $0x38;
	[tilespmem:$0xC080] =	vst v63  }
0x6c: {  	_ =	swait.ge [sflag:s7], $0x80  }
0x6d: {  	[sflag:s7] =	ssyncset.done $0x0  }
0x6e: {  	[sflag:s7] =	ssyncadd.s32 $0xFFFFFF80  }
0x6f: {  	v3 =	vld [tilespmem:$0x0];
	_ =	sdelay $0x4  }
0x70: {  	v60 =	vshrl.u32 v3, $0x3  }
0x71: {  	v4 =	vmul.u32 $0x30, v60  }
0x72: {  	v3 =	vand.u32 $0x7, v3  }
0x73: {  	v3 =	vor.u32 v3, v4  }
0x74: {  	v4 =	vperm.xlane v3, v0;
	_ =	sdelay $0x1  }
0x75: {  	v4 =	vadd.s32 v1, v4;
	_ =	sdelay $0x3  }
0x76: {  	v3 =	vperm.xlane v3, v2  }
0x77: {  	[tilespmem:s1], [sflag:$0x1] =	stream.indirect_vreg.gather [hbm4b:s3+s2], $0x80, v4, vm0, $0xb8;
	[tilespmem:$0xC080] =	vst v63  }
0x78: {  	v3 =	vadd.s32 v1, v3  }
0x79: {  	[tilespmem:s10], [sflag:$0x1] =	stream.indirect_vreg.gather [hbm4b:s4+s2], $0x80, v4, vm0, $0xb8;
	[tilespmem:$0xC080] =	vst v63  }
0x7a: {  	_ = 	snop  }
0x7b: {  	[tilespmem:s11], [sflag:$0x1] =	stream.indirect_vreg.gather [hbm4b:s5+s2], $0x80, v4, vm0, $0xb8;
	[tilespmem:$0xC080] =	vst v63  }
0x7c: {  	_ = 	snop  }
0x7d: {  	[tilespmem:s12], [sflag:$0x1] =	stream.indirect_vreg.gather [hbm4b:s3+s2], $0x80, v3, vm0, $0xb8;
	[tilespmem:$0xC080] =	vst v63  }
0x7e: {  	_ = 	snop  }
0x7f: {  	[tilespmem:s13], [sflag:$0x1] =	stream.indirect_vreg.gather [hbm4b:s4+s2], $0x80, v3, vm0, $0xb8;
	[tilespmem:$0xC080] =	vst v63  }
0x80: {  	_ = 	snop  }
0x81: {  	[tilespmem:s14], [sflag:$0x1] =	stream.indirect_vreg.gather [hbm4b:s5+s2], $0x80, v3, vm0, $0xb8;
	[tilespmem:$0xC080] =	vst v63  }
0x82: {  	v3 =	vld [tilespmem:$0x10];
	_ =	sdelay $0x4  }
0x83: {  	v61 =	vshrl.u32 v3, $0x3  }
0x84: {  	v4 =	vmul.u32 $0x30, v61  }
0x85: {  	v3 =	vand.u32 $0x7, v3  }
0x86: {  	v3 =	vor.u32 v3, v4  }
0x87: {  	v4 =	vperm.xlane v3, v0;
	_ =	sdelay $0x1  }
0x88: {  	v4 =	vadd.s32 v1, v4;
	_ =	sdelay $0x3  }
0x89: {  	v3 =	vperm.xlane v3, v2  }
0x8a: {  	[tilespmem:s15], [sflag:$0x1] =	stream.indirect_vreg.gather [hbm4b:s3+s2], $0x80, v4, vm0, $0xb8;
	[tilespmem:$0xC080] =	vst v63  }
0x8b: {  	v3 =	vadd.s32 v1, v3  }
0x8c: {  	[tilespmem:s16], [sflag:$0x1] =	stream.indirect_vreg.gather [hbm4b:s4+s2], $0x80, v4, vm0, $0xb8;
	[tilespmem:$0xC080] =	vst v63  }
0x8d: {  	_ = 	snop  }
0x8e: {  	[tilespmem:s17], [sflag:$0x1] =	stream.indirect_vreg.gather [hbm4b:s5+s2], $0x80, v4, vm0, $0xb8;
	[tilespmem:$0xC080] =	vst v63  }
0x8f: {  	_ = 	snop  }
0x90: {  	[tilespmem:s18], [sflag:$0x1] =	stream.indirect_vreg.gather [hbm4b:s3+s2], $0x80, v3, vm0, $0xb8;
	[tilespmem:$0xC080] =	vst v63  }
0x91: {  	_ = 	snop  }
0x92: {  	[tilespmem:s19], [sflag:$0x1] =	stream.indirect_vreg.gather [hbm4b:s4+s2], $0x80, v3, vm0, $0xb8;
	[tilespmem:$0xC080] =	vst v63  }
0x93: {  	_ = 	snop  }
0x94: {  	[tilespmem:s20], [sflag:$0x1] =	stream.indirect_vreg.gather [hbm4b:s5+s2], $0x80, v3, vm0, $0xb8;
	[tilespmem:$0xC080] =	vst v63  }
0x95: {  	v3 =	vld [tilespmem:$0x20];
	_ =	sdelay $0x4  }
0x96: {  	v62 =	vshrl.u32 v3, $0x3  }
0x97: {  	v4 =	vmul.u32 $0x30, v62  }
0x98: {  	v3 =	vand.u32 $0x7, v3  }
0x99: {  	v3 =	vor.u32 v3, v4  }
0x9a: {  	v4 =	vperm.xlane v3, v0;
	_ =	sdelay $0x1  }
0x9b: {  	v4 =	vadd.s32 v1, v4;
	_ =	sdelay $0x3  }
0x9c: {  	v3 =	vperm.xlane v3, v2  }
0x9d: {  	[tilespmem:s21], [sflag:$0x1] =	stream.indirect_vreg.gather [hbm4b:s3+s2], $0x80, v4, vm0, $0xb8;
	[tilespmem:$0xC080] =	vst v63  }
0x9e: {  	v3 =	vadd.s32 v1, v3  }
0x9f: {  	[tilespmem:s22], [sflag:$0x1] =	stream.indirect_vreg.gather [hbm4b:s4+s2], $0x80, v4, vm0, $0xb8;
	[tilespmem:$0xC080] =	vst v63  }
0xa0: {  	_ = 	snop  }
0xa1: {  	[tilespmem:s23], [sflag:$0x1] =	stream.indirect_vreg.gather [hbm4b:s5+s2], $0x80, v4, vm0, $0xb8;
	[tilespmem:$0xC080] =	vst v63  }
0xa2: {  	_ = 	snop  }
0xa3: {  	[tilespmem:s24], [sflag:$0x1] =	stream.indirect_vreg.gather [hbm4b:s3+s2], $0x80, v3, vm0, $0xb8;
	[tilespmem:$0xC080] =	vst v63  }
0xa4: {  	_ = 	snop  }
0xa5: {  	[tilespmem:s25], [sflag:$0x1] =	stream.indirect_vreg.gather [hbm4b:s4+s2], $0x80, v3, vm0, $0xb8;
	[tilespmem:$0xC080] =	vst v63  }
0xa6: {  	_ = 	snop  }
0xa7: {  	[tilespmem:s26], [sflag:$0x1] =	stream.indirect_vreg.gather [hbm4b:s5+s2], $0x80, v3, vm0, $0xb8;
	[tilespmem:$0xC080] =	vst v63  }
0xa8: {  	v3 =	vld [tilespmem:$0x30];
	_ =	sdelay $0x4  }
0xa9: {  	v63 =	vshrl.u32 v3, $0x3  }
0xaa: {  	v4 =	vmul.u32 $0x30, v63  }
0xab: {  	v3 =	vand.u32 $0x7, v3  }
0xac: {  	v3 =	vor.u32 v3, v4  }
0xad: {  	v4 =	vperm.xlane v3, v0;
	_ =	sdelay $0x1  }
0xae: {  	v4 =	vadd.s32 v1, v4;
	_ =	sdelay $0x3  }
0xaf: {  	v3 =	vperm.xlane v3, v2  }
0xb0: {  	[tilespmem:s28], [sflag:$0x1] =	stream.indirect_vreg.gather [hbm4b:s3+s2], $0x80, v4, vm0, $0xb8;
	[tilespmem:$0xC080] =	vst v63  }
0xb1: {  	v3 =	vadd.s32 v1, v3  }
0xb2: {  	[tilespmem:s29], [sflag:$0x1] =	stream.indirect_vreg.gather [hbm4b:s4+s2], $0x80, v4, vm0, $0xb8;
	[tilespmem:$0xC080] =	vst v63  }
0xb3: {  	_ = 	snop  }
0xb4: {  	[tilespmem:s30], [sflag:$0x1] =	stream.indirect_vreg.gather [hbm4b:s5+s2], $0x80, v4, vm0, $0xb8;
	[tilespmem:$0xC080] =	vst v63  }
0xb5: {  	_ = 	snop  }
0xb6: {  	[tilespmem:s31], [sflag:$0x1] =	stream.indirect_vreg.gather [hbm4b:s3+s2], $0x80, v3, vm0, $0xb8;
	[tilespmem:$0xC080] =	vst v63  }
0xb7: {  	s9 =	simm.s32 $0xB080  }
0xb8: {  	[tilespmem:s9], [sflag:$0x1] =	stream.indirect_vreg.gather [hbm4b:s4+s2], $0x80, v3, vm0, $0xb8;
	[tilespmem:$0xC080] =	vst v63  }
0xb9: {  	_ = 	snop  }
0xba: {  	[tilespmem:s8], [sflag:$0x1] =	stream.indirect_vreg.gather [hbm4b:s5+s2], $0x80, v3, vm0, $0xb8;
	[tilespmem:$0xC080] =	vst v63  }
0xbb: {  	_ =	swait.ge [sflag:s0], $0xC000  }
0xbc: {  	p0 =	sne.s32 s6, $0x1;
	[sflag:s0] =	ssyncset.done $0x0  }
.Ltmp0:
0xbd: {  	s8 =	rddreg [dreg:$0x5];
	[sflag:s0] =	ssyncadd.s32 $0xFFFF4000;
	(pc) =	sbr.rel @p0 .LBB2_1-.Ltmp0, $4  }
0xbe: {  	[hbm4b:s8+s2] =	stream.linear.scatter [tilespmem:s1], [sflag:$0x2], $0xC000, $0x38;
	[tilespmem:$0xC080] =	vst v63  }
0xbf: {  	_ =	swait.ge [sflag:s7], $0xC000  }
0xc0: {  	[sflag:s7] =	ssyncset.done $0x0  }
0xc1: {  	s6 =	sadd.s32 $0xFFFFFFFF, s6;
	[sflag:s7] =	ssyncadd.s32 $0xFFFF4000  }
0xc2: {  	_ =	sfence.sel $0x180000  }
0xc3: {  	[bflag:$0x0] =	sbarrier.arrive $0xFFFF  }
0xc4: {  	_ =	strace $0x9000004A  }
0xc5: {  	s0 =	stileid.u32;
	[bflag:$0x2] =	sbarrier.arrive $0xFFFF  }
0xc6: {  	p0 =	sne.s32 s0, $0x0;
	s0 =	rddreg [dreg:$0x1]  }
0xc7: {  	s0 =	sadd.s32 @!p0 $0x100000, s0  }
0xc8: {  	[sflag:s0] =	ssyncadd.tile.s32 @!p0 $0x1;
	_ =	shalt  }
.Lfunc_end2:
_tile_overlayer_lowered:
.L_overlay_start_2:
0xc9: {  	(tag) =	ssettag $0x2  }
0xca: {  	s0 =	rddreg [dreg:$0x0];
	s2 =	stileid.u32  }
0xcb: {  	s1 =	rddreg [dreg:$0x1];
	p0 =	sne.s32 s2, $0x0  }
0xcc: {  	s3 =	rddreg [dreg:$0x2];
	[bflag:$0x3] =	sbarrier.arrive $0xFFFF;
	s2 =	simm.s32 @!p0 $0x1C02  }
0xcd: {  	[timem:s3], [sflag:s2] =	dma.local @!p0 [hbm:s0], s1  }
0xce: {  	s0 =	simm.s32 @!p0 $0x2  }
0xcf: {  	_ =	swait.ge @!p0 [sflag:s0], s1  }
0xd0: {  	s1 =	ssub.s32 @!p0 $0x0, s1;
	[sflag:s0] =	ssyncset.done @!p0 $0x0  }
0xd1: {  	[sflag:s0] =	ssyncadd.s32 @!p0 s1  }
0xd2: {  	[bflag:$0x3] =	sbarrier.arrive $0xFFFF  }
0xd3: {  	_ =	shalt  }

</sc_bundles>
